<compile_context>
chip_gen: v7x
topology: tpu7x:2x2x1
jax: 0.10.2.dev20260603
libtpu: 0.0.44.dev20260713+nightly
codegen_flags: <defaults>
</compile_context>

<pallas_src>
import jax
import jax.numpy as jnp
import numpy as np
from jax import lax
from jax.experimental import pallas as pl
from jax.experimental.pallas import tpu as pltpu
from jax.experimental.pallas import tpu_sc as plsc

N = 10000
E = 320000
F = 128
H = 64
NQ = 8
QL = 4
G = 64

NC = 2
NS = 16
NW = NC * NS
EPW = E // NW
CH = 80
NP = 10240
RPW = NP // NS


def _sc_aggregate(feat, src, dst, zeros_f):
    Fd = feat.shape[1]
    NCHUNK = EPW // CH
    mesh = plsc.VectorSubcoreMesh(core_axis_name="c", subcore_axis_name="s")
    out_type = jax.ShapeDtypeStruct((NC, NP, Fd), jnp.float32)
    scratch = [
        pltpu.VMEM((CH,), jnp.int32),
        pltpu.VMEM((CH,), jnp.int32),
        pltpu.VMEM((CH, Fd), jnp.float32),
        pltpu.VMEM((CH,), jnp.int32),
        pltpu.VMEM((CH,), jnp.int32),
        pltpu.VMEM((CH, Fd), jnp.float32),
        pltpu.VMEM_SHARED((NP, Fd), jnp.float32),
        pltpu.SemaphoreType.DMA,
        pltpu.SemaphoreType.DMA,
    ]

    def body(feat_h, src_h, dst_h, zf_h, out_h,
             srcA, dstA, rowsA, srcB, dstB, rowsB, agg_sh, semA, semB):
        c = lax.axis_index("c")
        s = lax.axis_index("s")
        wid = s * NC + c
        row0 = pl.multiple_of(s * RPW, 8)
        e0 = wid * EPW
        pltpu.sync_copy(zf_h, agg_sh.at[pl.ds(row0, RPW)])
        plsc.subcore_barrier()

        def start(chunk, sv, dv, rv, sem):
            base = pl.multiple_of(e0 + chunk * CH, 8)
            pltpu.sync_copy(src_h.at[pl.ds(base, CH)], sv)
            pltpu.sync_copy(dst_h.at[pl.ds(base, CH)], dv)
            return pltpu.async_copy(feat_h.at[sv], rv, sem)

        start(0, srcA, dstA, rowsA, semA)

        def step(k, carry):
            start(2 * k + 1, srcB, dstB, rowsB, semB)
            pltpu.make_async_copy(feat_h.at[srcA], rowsA, semA).wait()
            pltpu.sync_copy(rowsA, agg_sh.at[dstA], add=True)
            start(2 * k + 2, srcA, dstA, rowsA, semA)
            pltpu.make_async_copy(feat_h.at[srcB], rowsB, semB).wait()
            pltpu.sync_copy(rowsB, agg_sh.at[dstB], add=True)
            return carry

        lax.fori_loop(0, (NCHUNK - 1) // 2, step, 0)
        pltpu.make_async_copy(feat_h.at[srcA], rowsA, semA).wait()
        pltpu.sync_copy(rowsA, agg_sh.at[dstA], add=True)
        plsc.subcore_barrier()
        pltpu.sync_copy(agg_sh.at[pl.ds(row0, RPW)],
                        out_h.at[c, pl.ds(row0, RPW)])

    return pl.kernel(body, out_type, mesh=mesh, scratch_types=scratch)(
        feat, src, dst, zeros_f)


EB = 8000
EC = E // EB
DHI = NP // 128


def _tc_degree(dst3):
    def body(d_ref, o_ref):
        dv = d_ref[0]
        hi = dv >> 7
        lo = dv & 127
        A = (lax.broadcasted_iota(jnp.int32, (DHI, EB), 0) == hi)
        B = (lax.broadcasted_iota(jnp.int32, (128, EB), 0) == lo)
        dd = lax.dot_general(A.astype(jnp.float32), B.astype(jnp.float32),
                             (((1,), (1,)), ((), ())),
                             preferred_element_type=jnp.float32)

        @pl.when(pl.program_id(0) == 0)
        def _():
            o_ref[...] = jnp.zeros((DHI, 128), jnp.float32)

        o_ref[...] += dd

    return pl.pallas_call(
        body,
        grid=(EC,),
        in_specs=[pl.BlockSpec((1, 1, EB), lambda i: (i, 0, 0))],
        out_specs=pl.BlockSpec((DHI, 128), lambda i: (0, 0)),
        out_shape=jax.ShapeDtypeStruct((DHI, 128), jnp.float32),
    )(dst3)


def _sage_dense(parts, deg2d, feat, Wl, b, Wr, pad_out=False):
    Nn, Fd = feat.shape
    Hh = Wl.shape[1]
    OW = 128 if pad_out else Hh
    BN = 1024
    BH = BN // 128

    def body(p_ref, d_ref, x_ref, wl_ref, b_ref, wr_ref, o_ref):
        p = p_ref[0] + p_ref[1]
        jr = lax.broadcasted_iota(jnp.int32, (BN, BH), 0) >> 7
        P1 = (jr == lax.broadcasted_iota(jnp.int32, (BN, BH), 1))
        X = jnp.dot(P1.astype(jnp.float32), d_ref[...],
                    preferred_element_type=jnp.float32)
        jj = lax.broadcasted_iota(jnp.int32, (BN, 128), 0) & 127
        sel = (jj == lax.broadcasted_iota(jnp.int32, (BN, 128), 1))
        d = jnp.sum(X * sel.astype(jnp.float32), axis=1, keepdims=True)
        mean = p / jnp.maximum(d, 1.0)
        acc = jnp.dot(mean, wl_ref[...], preferred_element_type=jnp.float32)
        acc = acc + jnp.dot(x_ref[...], wr_ref[...],
                            preferred_element_type=jnp.float32)
        res = jnp.maximum(acc + b_ref[...], 0.0)
        if pad_out:
            res = jnp.concatenate(
                [res, jnp.zeros((BN, OW - Hh), jnp.float32)], axis=1)
        o_ref[...] = res

    return pl.pallas_call(
        body,
        grid=(Nn // BN,),
        in_specs=[
            pl.BlockSpec((NC, BN, Fd), lambda i: (0, i, 0)),
            pl.BlockSpec((BH, 128), lambda i: (i, 0)),
            pl.BlockSpec((BN, Fd), lambda i: (i, 0)),
            pl.BlockSpec((Fd, Hh), lambda i: (0, 0)),
            pl.BlockSpec((1, Hh), lambda i: (0, 0)),
            pl.BlockSpec((Fd, Hh), lambda i: (0, 0)),
        ],
        out_specs=pl.BlockSpec((BN, OW), lambda i: (i, 0)),
        out_shape=jax.ShapeDtypeStruct((Nn, OW), jnp.float32),
        compiler_params=pltpu.CompilerParams(
            dimension_semantics=("parallel",)),
    )(parts, deg2d, feat, Wl, b.reshape(1, Hh), Wr)


def _pool_qnn(h2, batch_row, Wp, bp, qw, Wf, bf):
    Nn = h2.shape[0]
    D = 2 ** NQ
    hp = lax.Precision.HIGHEST

    def body(h_ref, b_ref, wp_ref, bp_ref, qw_ref, wf_ref, bf_ref, o_ref):
        h = h_ref[...]
        bid = b_ref[...]
        gid = lax.broadcasted_iota(jnp.int32, (G, Nn), 0)
        onehot = (bid == gid).astype(jnp.float32)
        sums = jnp.dot(onehot, h, precision=hp,
                       preferred_element_type=jnp.float32)
        cnts = jnp.sum(onehot, axis=1, keepdims=True)
        pooled = sums / jnp.maximum(cnts, 1.0)
        z = jnp.dot(pooled, wp_ref[...], precision=hp,
                    preferred_element_type=jnp.float32) + bp_ref[...]
        ang = jnp.tanh(z) * jnp.float32(np.pi)
        half = ang * 0.5
        cA = jnp.cos(half)
        sA = jnp.sin(half)

        I = lax.broadcasted_iota(jnp.int32, (D, D), 0)
        J = lax.broadcasted_iota(jnp.int32, (D, D), 1)
        Pm = [(I == (J ^ (1 << (NQ - 1 - q)))).astype(jnp.float32)
              for q in range(NQ)]
        Cm = []
        for q in range(NQ):
            t = (q + 1) % NQ
            mt = 1 << (NQ - 1 - t)
            cb = (J >> (NQ - 1 - q)) & 1
            Cm.append((I == (J ^ (cb * mt))).astype(jnp.float32))

        re = (lax.broadcasted_iota(jnp.int32, (G, D), 1) == 0)
        re = re.astype(jnp.float32)
        im = jnp.zeros((G, D), jnp.float32)

        def rx(re, im, cq, sq, q):
            reP = jnp.dot(re, Pm[q], precision=hp,
                          preferred_element_type=jnp.float32)
            imP = jnp.dot(im, Pm[q], precision=hp,
                          preferred_element_type=jnp.float32)
            return cq * re + sq * imP, cq * im - sq * reP

        for q in range(NQ):
            re, im = rx(re, im, cA[:, q:q + 1], sA[:, q:q + 1], q)
        qwh = qw_ref[...] * 0.5
        cw = jnp.cos(qwh)
        sw = jnp.sin(qwh)
        for l in range(QL):
            for q in range(NQ):
                re, im = rx(re, im, cw[l:l + 1, q:q + 1],
                            sw[l:l + 1, q:q + 1], q)
            for q in range(NQ):
                re = jnp.dot(re, Cm[q], precision=hp,
                             preferred_element_type=jnp.float32)
                im = jnp.dot(im, Cm[q], precision=hp,
                             preferred_element_type=jnp.float32)

        prob = re * re + im * im
        bi = lax.broadcasted_iota(jnp.int32, (D, NQ), 0)
        bq = lax.broadcasted_iota(jnp.int32, (D, NQ), 1)
        bit = (bi >> ((NQ - 1) - bq)) & 1
        zmat = 1.0 - 2.0 * bit.astype(jnp.float32)
        qo = jnp.dot(prob, zmat, precision=hp,
                     preferred_element_type=jnp.float32)
        o_ref[...] = jnp.dot(qo, wf_ref[...], precision=hp,
                             preferred_element_type=jnp.float32) + bf_ref[...]

    return pl.pallas_call(
        body,
        out_shape=jax.ShapeDtypeStruct((G, 2), jnp.float32),
    )(h2, batch_row, Wp, bp.reshape(1, NQ), qw, Wf, bf.reshape(1, 2))


def kernel(x, edge_index, batch, W1l, b1, W1r, W2l, b2, W2r, Wp, bp,
           q_weights, Wf, bf):
    src = edge_index[0]
    dst = edge_index[1]
    xp = jnp.concatenate(
        [x, jnp.zeros((NP - N, F), jnp.float32)], axis=0)
    zeros_f = jnp.zeros((RPW, F), jnp.float32)
    W2l_p = jnp.concatenate([W2l, jnp.zeros((F - H, H), jnp.float32)], 0)
    W2r_p = jnp.concatenate([W2r, jnp.zeros((F - H, H), jnp.float32)], 0)

    deg2d = _tc_degree(dst.reshape(EC, 1, EB))
    agg1p = _sc_aggregate(xp, src, dst, zeros_f)
    h1 = _sage_dense(agg1p, deg2d, xp, W1l, b1, W1r, pad_out=True)
    agg2p = _sc_aggregate(h1, src, dst, zeros_f)
    h2 = _sage_dense(agg2p, deg2d, h1, W2l_p, b2, W2r_p)
    return _pool_qnn(h2[:N], batch.reshape(1, N), Wp, bp, q_weights, Wf, bf)

# --- scband reference (transcript-rebuilt; emitter-appended) ---
"""Pipeline reference for scband-hybrid-gnn-qnn-basic-2765958938741 (READ-ONLY COPY).

The authoritative reference and input builder live on the scoring server;
editing this copy changes nothing except your own understanding.
"""

import jax, jax.numpy as jnp
import numpy as np

N = 10000
E = 320000
F = 128
H = 64
NQ = 8
QL = 4
G = 64

def setup_inputs(seed: int = 0):
    key = jax.random.key(seed)
    ks = jax.random.split(key, 14)
    x = jax.random.normal(ks[0], (N, F), dtype=jnp.float32)
    edge_index = jax.random.randint(ks[1], (2, E), 0, N, dtype=jnp.int32)
    batch = jnp.sort(jax.random.randint(ks[2], (N,), 0, G, dtype=jnp.int32))
    W1l = jax.random.normal(ks[3], (F, H), dtype=jnp.float32) / np.sqrt(F)
    b1 = jnp.zeros((H,), dtype=jnp.float32)
    W1r = jax.random.normal(ks[4], (F, H), dtype=jnp.float32) / np.sqrt(F)
    W2l = jax.random.normal(ks[5], (H, H), dtype=jnp.float32) / np.sqrt(H)
    b2 = jnp.zeros((H,), dtype=jnp.float32)
    W2r = jax.random.normal(ks[6], (H, H), dtype=jnp.float32) / np.sqrt(H)
    Wp = jax.random.normal(ks[7], (H, NQ), dtype=jnp.float32) / np.sqrt(H)
    bp = jnp.zeros((NQ,), dtype=jnp.float32)
    q_weights = 0.01 * jax.random.normal(ks[8], (QL, NQ), dtype=jnp.float32)
    Wf = jax.random.normal(ks[9], (NQ, 2), dtype=jnp.float32) / np.sqrt(NQ)
    bf = jnp.zeros((2,), dtype=jnp.float32)
    return dict(x=x, edge_index=edge_index, batch=batch, W1l=W1l, b1=b1, W1r=W1r, W2l=W2l, b2=b2, W2r=W2r, Wp=Wp, bp=bp, q_weights=q_weights, Wf=Wf, bf=bf)

def _sage(x, src, dst, Wl, bl, Wr, n_nodes):
    agg = jax.ops.segment_sum(x[src], dst, num_segments=n_nodes)
    deg = jax.ops.segment_sum(jnp.ones((src.shape[0],), jnp.float32), dst, num_segments=n_nodes)
    mean = agg / jnp.maximum(deg, 1.0)[:, None]
    return mean @ Wl + bl + x @ Wr

def _apply_rx(state, theta, q, n):
    g = state.shape[0]
    theta = jnp.broadcast_to(theta, (g,))
    st = state.reshape(g, 2 ** q, 2, 2 ** (n - q - 1))
    c = jnp.cos(theta / 2.0)[:, None, None]
    s = jnp.sin(theta / 2.0)[:, None, None]
    s0 = st[:, :, 0, :]
    s1 = st[:, :, 1, :]
    n0 = c * s0 - 1j * s * s1
    n1 = -1j * s * s0 + c * s1
    return jnp.stack([n0, n1], axis=2).reshape(g, 2 ** n)

def _apply_cnot(state, ctrl, tgt, n):
    g = state.shape[0]
    i, j = min(ctrl, tgt), max(ctrl, tgt)
    st = state.reshape(g, 2 ** i, 2, 2 ** (j - i - 1), 2, 2 ** (n - j - 1))
    if ctrl < tgt:
        c0 = st[:, :, 0]
        c1 = jnp.flip(st[:, :, 1], axis=3)
        st = jnp.stack([c0, c1], axis=2)
    else:
        c0 = st[:, :, :, :, 0, :]
        c1 = jnp.flip(st[:, :, :, :, 1, :], axis=2)
        st = jnp.stack([c0, c1], axis=4)
    return st.reshape(g, 2 ** n)

def _qnn(ang, qw):
    n = NQ
    g = ang.shape[0]
    state = jnp.zeros((g, 2 ** n), dtype=jnp.complex64).at[:, 0].set(1.0)
    for q in range(n):
        state = _apply_rx(state, ang[:, q], q, n)
    for l in range(QL):
        for q in range(n):
            state = _apply_rx(state, qw[l, q], q, n)
        for q in range(n):
            state = _apply_cnot(state, q, (q + 1) % n, n)
    outs = []
    for q in range(n):
        st = state.reshape(g, 2 ** q, 2, 2 ** (n - q - 1))
        p = jnp.sum(st.real ** 2 + st.imag ** 2, axis=(1, 3))
        outs.append(p[:, 0] - p[:, 1])
    return jnp.stack(outs, axis=1)

def reference(x, edge_index, batch, W1l, b1, W1r, W2l, b2, W2r, Wp, bp, q_weights, Wf, bf):
    src = edge_index[0]
    dst = edge_index[1]
    h = jax.nn.relu(_sage(x, src, dst, W1l, b1, W1r, N))
    h = jax.nn.relu(_sage(h, src, dst, W2l, b2, W2r, N))
    sums = jax.ops.segment_sum(h, batch, num_segments=G)
    cnts = jax.ops.segment_sum(jnp.ones((N,), jnp.float32), batch, num_segments=G)
    pooled = sums / jnp.maximum(cnts, 1.0)[:, None]
    z = pooled @ Wp + bp
    ang = jnp.tanh(z) * jnp.pi
    qo = _qnn(ang, q_weights)
    return qo @ Wf + bf

if __name__ == "__main__":
    import jax
    _d = setup_inputs()
    print(jax.jit(kernel)(*tuple(_d.values())))

</pallas_src>

<mosaic_0001>
#map = affine_map<(d0, d1) -> (0, 0)>
#map1 = affine_map<(d0, d1) -> (0)>
#map2 = affine_map<(d0, d1) -> (0, 0, 0)>
module attributes {stable_mosaic.version = 14 : i64} {
  func.func @body(%arg0: i32, %arg1: i32, %arg2: memref<10240x128xf32, #tpu.memory_space<hbm>>, %arg3: memref<320000xi32, #tpu.memory_space<hbm>>, %arg4: memref<320000xi32, #tpu.memory_space<hbm>>, %arg5: memref<640x128xf32, #tpu.memory_space<hbm>>, %arg6: memref<2x10240x128xf32, #tpu.memory_space<hbm>>, %arg7: memref<80xi32, #tpu.memory_space<vmem>>, %arg8: memref<80xi32, #tpu.memory_space<vmem>>, %arg9: memref<80x128xf32, #tpu.memory_space<vmem>>, %arg10: memref<80xi32, #tpu.memory_space<vmem>>, %arg11: memref<80xi32, #tpu.memory_space<vmem>>, %arg12: memref<80x128xf32, #tpu.memory_space<vmem>>, %arg13: memref<10240x128xf32, #tpu.memory_space<vmem_shared>>, %arg14: memref<!tpu.dma_semaphore, #tpu.memory_space<semaphore_mem>>, %arg15: memref<!tpu.dma_semaphore, #tpu.memory_space<semaphore_mem>>) attributes {dimension_semantics = [#tpu.dimension_semantics<core_parallel>, #tpu.dimension_semantics<subcore_parallel>], iteration_bounds = array<i64: 2, 16>, scalar_prefetch = 0 : i64, scratch_operands = 9 : i64, tpu.core_type = #tpu.core_type<sc_vector_subcore>, window_params = [{transform_indices = #map}, {transform_indices = #map1}, {transform_indices = #map1}, {transform_indices = #map}, {transform_indices = #map2}]} {
    %mul3A = arith.constant 2 : i32
    %mul3A_0 = arith.muli %arg1, %mul3A : i32
    %add3A = arith.addi %mul3A_0, %arg0 : i32
    %mul3A_1 = arith.constant 640 : i32
    %mul3A_2 = arith.muli %arg1, %mul3A_1 : i32
    %multiple_of3A = tpu.assume_multiple %mul3A_2, 8 : i32
    %mul3A_3 = arith.constant 10000 : i32
    %mul3A_4 = arith.muli %add3A, %mul3A_3 : i32
    "tpu.region"() ({
      %run_scoped3A = tpu.sem_alloc : memref<!tpu.dma_semaphore, #tpu.memory_space<semaphore_mem>>
      %dma_start3A_18 = arith.constant 0 : i32
      %dma_start3A_19 = tpu.memref_slice %arg13[%multiple_of3A, %dma_start3A_18] : memref<10240x128xf32, #tpu.memory_space<vmem_shared>> -> memref<640x128xf32, #tpu.memory_space<vmem_shared>>
      tpu.enqueue_dma source(%arg5 : memref<640x128xf32, #tpu.memory_space<hbm>>) target(%dma_start3A_19 : memref<640x128xf32, #tpu.memory_space<vmem_shared>>) target_semaphore(%run_scoped3A : memref<!tpu.dma_semaphore, #tpu.memory_space<semaphore_mem>>)
      %dma_wait3A_20 = arith.constant 0 : i32
      %dma_wait3A_21 = tpu.memref_slice %arg13[%multiple_of3A, %dma_wait3A_20] : memref<10240x128xf32, #tpu.memory_space<vmem_shared>> -> memref<640x128xf32, #tpu.memory_space<vmem_shared>>
      tpu.wait_dma2 semaphore(%run_scoped3A : memref<!tpu.dma_semaphore, #tpu.memory_space<semaphore_mem>>) src(%arg5 : memref<640x128xf32, #tpu.memory_space<hbm>>) dst(%dma_wait3A_21 : memref<640x128xf32, #tpu.memory_space<vmem_shared>>)
      tpu.yield
    }) : () -> ()
    %barrier3A = arith.constant 0 : index
    tpu.barrier barrier_id(%barrier3A)
    %add3A_5 = arith.constant 0 : i32
    %add3A_6 = arith.addi %mul3A_4, %add3A_5 : i32
    %multiple_of3A_7 = tpu.assume_multiple %add3A_6, 8 : i32
    "tpu.region"() ({
      %run_scoped3A = tpu.sem_alloc : memref<!tpu.dma_semaphore, #tpu.memory_space<semaphore_mem>>
      %dma_start3A_18 = tpu.memref_slice %arg3[%multiple_of3A_7] : memref<320000xi32, #tpu.memory_space<hbm>> -> memref<80xi32, #tpu.memory_space<hbm>>
      %dma_start3A_19 = tpu.memref_slice %arg3[%multiple_of3A_7] : memref<320000xi32, #tpu.memory_space<hbm>> -> memref<80xi32, #tpu.memory_space<hbm>>
      tpu.enqueue_dma source(%dma_start3A_19 : memref<80xi32, #tpu.memory_space<hbm>>) target(%arg7 : memref<80xi32, #tpu.memory_space<vmem>>) target_semaphore(%run_scoped3A : memref<!tpu.dma_semaphore, #tpu.memory_space<semaphore_mem>>)
      %dma_wait3A_20 = tpu.memref_slice %arg3[%multiple_of3A_7] : memref<320000xi32, #tpu.memory_space<hbm>> -> memref<80xi32, #tpu.memory_space<hbm>>
      %dma_wait3A_21 = tpu.memref_slice %arg3[%multiple_of3A_7] : memref<320000xi32, #tpu.memory_space<hbm>> -> memref<80xi32, #tpu.memory_space<hbm>>
      tpu.wait_dma2 semaphore(%run_scoped3A : memref<!tpu.dma_semaphore, #tpu.memory_space<semaphore_mem>>) src(%dma_wait3A_21 : memref<80xi32, #tpu.memory_space<hbm>>) dst(%arg7 : memref<80xi32, #tpu.memory_space<vmem>>)
      tpu.yield
    }) : () -> ()
    "tpu.region"() ({
      %run_scoped3A = tpu.sem_alloc : memref<!tpu.dma_semaphore, #tpu.memory_space<semaphore_mem>>
      %dma_start3A_18 = tpu.memref_slice %arg4[%multiple_of3A_7] : memref<320000xi32, #tpu.memory_space<hbm>> -> memref<80xi32, #tpu.memory_space<hbm>>
      %dma_start3A_19 = tpu.memref_slice %arg4[%multiple_of3A_7] : memref<320000xi32, #tpu.memory_space<hbm>> -> memref<80xi32, #tpu.memory_space<hbm>>
      tpu.enqueue_dma source(%dma_start3A_19 : memref<80xi32, #tpu.memory_space<hbm>>) target(%arg8 : memref<80xi32, #tpu.memory_space<vmem>>) target_semaphore(%run_scoped3A : memref<!tpu.dma_semaphore, #tpu.memory_space<semaphore_mem>>)
      %dma_wait3A_20 = tpu.memref_slice %arg4[%multiple_of3A_7] : memref<320000xi32, #tpu.memory_space<hbm>> -> memref<80xi32, #tpu.memory_space<hbm>>
      %dma_wait3A_21 = tpu.memref_slice %arg4[%multiple_of3A_7] : memref<320000xi32, #tpu.memory_space<hbm>> -> memref<80xi32, #tpu.memory_space<hbm>>
      tpu.wait_dma2 semaphore(%run_scoped3A : memref<!tpu.dma_semaphore, #tpu.memory_space<semaphore_mem>>) src(%dma_wait3A_21 : memref<80xi32, #tpu.memory_space<hbm>>) dst(%arg8 : memref<80xi32, #tpu.memory_space<vmem>>)
      tpu.yield
    }) : () -> ()
    %dma_start3A = arith.constant 0 : i32
    %dma_start3A_8 = arith.constant 0 : i32
    %dma_start3A_9 = tpu.memref_slice %arg2[%dma_start3A, %dma_start3A_8] : memref<10240x128xf32, #tpu.memory_space<hbm>> -> memref<10240x128xf32, #tpu.memory_space<hbm>>
    tpu.enqueue_indirect_dma source(%dma_start3A_9 : memref<10240x128xf32, #tpu.memory_space<hbm>>) target(%arg9 : memref<80x128xf32, #tpu.memory_space<vmem>>) offsets(%arg7 : memref<80xi32, #tpu.memory_space<vmem>>) semaphore(%arg14 : memref<!tpu.dma_semaphore, #tpu.memory_space<semaphore_mem>>)
    %scan3A = arith.constant 0 : i32
    %scan3A_10 = arith.constant 0 : i32
    %scan3A_11 = arith.constant 62 : i32
    %scan3A_12 = arith.addi %scan3A_10, %scan3A_11 : i32
    %scan3A_13 = arith.constant 1 : i32
    scf.for %scan3A_18 = %scan3A_10 to %scan3A_12 step %scan3A_13  : i32 {
      %mul3A_19 = arith.constant 2 : i32
      %mul3A_20 = arith.muli %mul3A_19, %scan3A_18 : i32
      %add3A_21 = arith.constant 1 : i32
      %add3A_22 = arith.addi %mul3A_20, %add3A_21 : i32
      %mul3A_23 = arith.constant 80 : i32
      %mul3A_24 = arith.muli %add3A_22, %mul3A_23 : i32
      %add3A_25 = arith.addi %mul3A_4, %mul3A_24 : i32
      %multiple_of3A_26 = tpu.assume_multiple %add3A_25, 8 : i32
      "tpu.region"() ({
        %run_scoped3A = tpu.sem_alloc : memref<!tpu.dma_semaphore, #tpu.memory_space<semaphore_mem>>
        %dma_start3A_47 = tpu.memref_slice %arg3[%multiple_of3A_26] : memref<320000xi32, #tpu.memory_space<hbm>> -> memref<80xi32, #tpu.memory_space<hbm>>
        %dma_start3A_48 = tpu.memref_slice %arg3[%multiple_of3A_26] : memref<320000xi32, #tpu.memory_space<hbm>> -> memref<80xi32, #tpu.memory_space<hbm>>
        tpu.enqueue_dma source(%dma_start3A_48 : memref<80xi32, #tpu.memory_space<hbm>>) target(%arg10 : memref<80xi32, #tpu.memory_space<vmem>>) target_semaphore(%run_scoped3A : memref<!tpu.dma_semaphore, #tpu.memory_space<semaphore_mem>>)
        %dma_wait3A_49 = tpu.memref_slice %arg3[%multiple_of3A_26] : memref<320000xi32, #tpu.memory_space<hbm>> -> memref<80xi32, #tpu.memory_space<hbm>>
        %dma_wait3A_50 = tpu.memref_slice %arg3[%multiple_of3A_26] : memref<320000xi32, #tpu.memory_space<hbm>> -> memref<80xi32, #tpu.memory_space<hbm>>
        tpu.wait_dma2 semaphore(%run_scoped3A : memref<!tpu.dma_semaphore, #tpu.memory_space<semaphore_mem>>) src(%dma_wait3A_50 : memref<80xi32, #tpu.memory_space<hbm>>) dst(%arg10 : memref<80xi32, #tpu.memory_space<vmem>>)
        tpu.yield
      }) : () -> ()
      "tpu.region"() ({
        %run_scoped3A = tpu.sem_alloc : memref<!tpu.dma_semaphore, #tpu.memory_space<semaphore_mem>>
        %dma_start3A_47 = tpu.memref_slice %arg4[%multiple_of3A_26] : memref<320000xi32, #tpu.memory_space<hbm>> -> memref<80xi32, #tpu.memory_space<hbm>>
        %dma_start3A_48 = tpu.memref_slice %arg4[%multiple_of3A_26] : memref<320000xi32, #tpu.memory_space<hbm>> -> memref<80xi32, #tpu.memory_space<hbm>>
        tpu.enqueue_dma source(%dma_start3A_48 : memref<80xi32, #tpu.memory_space<hbm>>) target(%arg11 : memref<80xi32, #tpu.memory_space<vmem>>) target_semaphore(%run_scoped3A : memref<!tpu.dma_semaphore, #tpu.memory_space<semaphore_mem>>)
        %dma_wait3A_49 = tpu.memref_slice %arg4[%multiple_of3A_26] : memref<320000xi32, #tpu.memory_space<hbm>> -> memref<80xi32, #tpu.memory_space<hbm>>
        %dma_wait3A_50 = tpu.memref_slice %arg4[%multiple_of3A_26] : memref<320000xi32, #tpu.memory_space<hbm>> -> memref<80xi32, #tpu.memory_space<hbm>>
        tpu.wait_dma2 semaphore(%run_scoped3A : memref<!tpu.dma_semaphore, #tpu.memory_space<semaphore_mem>>) src(%dma_wait3A_50 : memref<80xi32, #tpu.memory_space<hbm>>) dst(%arg11 : memref<80xi32, #tpu.memory_space<vmem>>)
        tpu.yield
      }) : () -> ()
      %dma_start3A_27 = arith.constant 0 : i32
      %dma_start3A_28 = arith.constant 0 : i32
      %dma_start3A_29 = tpu.memref_slice %arg2[%dma_start3A_27, %dma_start3A_28] : memref<10240x128xf32, #tpu.memory_space<hbm>> -> memref<10240x128xf32, #tpu.memory_space<hbm>>
      tpu.enqueue_indirect_dma source(%dma_start3A_29 : memref<10240x128xf32, #tpu.memory_space<hbm>>) target(%arg12 : memref<80x128xf32, #tpu.memory_space<vmem>>) offsets(%arg10 : memref<80xi32, #tpu.memory_space<vmem>>) semaphore(%arg15 : memref<!tpu.dma_semaphore, #tpu.memory_space<semaphore_mem>>)
      %dma_wait3A_30 = arith.constant 0 : i32
      %dma_wait3A_31 = arith.constant 0 : i32
      %dma_wait3A_32 = tpu.memref_slice %arg2[%dma_wait3A_30, %dma_wait3A_31] : memref<10240x128xf32, #tpu.memory_space<hbm>> -> memref<10240x128xf32, #tpu.memory_space<hbm>>
      tpu.wait_indirect_dma semaphore(%arg14 : memref<!tpu.dma_semaphore, #tpu.memory_space<semaphore_mem>>) src(%dma_wait3A_32 : memref<10240x128xf32, #tpu.memory_space<hbm>>) dst(%arg9 : memref<80x128xf32, #tpu.memory_space<vmem>>)
      "tpu.region"() ({
        %run_scoped3A = tpu.sem_alloc : memref<!tpu.dma_semaphore, #tpu.memory_space<semaphore_mem>>
        %dma_start3A_47 = arith.constant 0 : i32
        %dma_start3A_48 = arith.constant 0 : i32
        %dma_start3A_49 = tpu.memref_slice %arg13[%dma_start3A_47, %dma_start3A_48] : memref<10240x128xf32, #tpu.memory_space<vmem_shared>> -> memref<10240x128xf32, #tpu.memory_space<vmem_shared>>
        tpu.enqueue_indirect_dma source(%arg9 : memref<80x128xf32, #tpu.memory_space<vmem>>) target(%dma_start3A_49 : memref<10240x128xf32, #tpu.memory_space<vmem_shared>>) offsets(%arg8 : memref<80xi32, #tpu.memory_space<vmem>>) semaphore(%run_scoped3A : memref<!tpu.dma_semaphore, #tpu.memory_space<semaphore_mem>>) {add = true}
        %dma_wait3A_50 = arith.constant 0 : i32
        %dma_wait3A_51 = arith.constant 0 : i32
        %dma_wait3A_52 = tpu.memref_slice %arg13[%dma_wait3A_50, %dma_wait3A_51] : memref<10240x128xf32, #tpu.memory_space<vmem_shared>> -> memref<10240x128xf32, #tpu.memory_space<vmem_shared>>
        tpu.wait_indirect_dma semaphore(%run_scoped3A : memref<!tpu.dma_semaphore, #tpu.memory_space<semaphore_mem>>) src(%arg9 : memref<80x128xf32, #tpu.memory_space<vmem>>) dst(%dma_wait3A_52 : memref<10240x128xf32, #tpu.memory_space<vmem_shared>>)
        tpu.yield
      }) : () -> ()
      %mul3A_33 = arith.constant 2 : i32
      %mul3A_34 = arith.muli %mul3A_33, %scan3A_18 : i32
      %add3A_35 = arith.constant 2 : i32
      %add3A_36 = arith.addi %mul3A_34, %add3A_35 : i32
      %mul3A_37 = arith.constant 80 : i32
      %mul3A_38 = arith.muli %add3A_36, %mul3A_37 : i32
      %add3A_39 = arith.addi %mul3A_4, %mul3A_38 : i32
      %multiple_of3A_40 = tpu.assume_multiple %add3A_39, 8 : i32
      "tpu.region"() ({
        %run_scoped3A = tpu.sem_alloc : memref<!tpu.dma_semaphore, #tpu.memory_space<semaphore_mem>>
        %dma_start3A_47 = tpu.memref_slice %arg3[%multiple_of3A_40] : memref<320000xi32, #tpu.memory_space<hbm>> -> memref<80xi32, #tpu.memory_space<hbm>>
        %dma_start3A_48 = tpu.memref_slice %arg3[%multiple_of3A_40] : memref<320000xi32, #tpu.memory_space<hbm>> -> memref<80xi32, #tpu.memory_space<hbm>>
        tpu.enqueue_dma source(%dma_start3A_48 : memref<80xi32, #tpu.memory_space<hbm>>) target(%arg7 : memref<80xi32, #tpu.memory_space<vmem>>) target_semaphore(%run_scoped3A : memref<!tpu.dma_semaphore, #tpu.memory_space<semaphore_mem>>)
        %dma_wait3A_49 = tpu.memref_slice %arg3[%multiple_of3A_40] : memref<320000xi32, #tpu.memory_space<hbm>> -> memref<80xi32, #tpu.memory_space<hbm>>
        %dma_wait3A_50 = tpu.memref_slice %arg3[%multiple_of3A_40] : memref<320000xi32, #tpu.memory_space<hbm>> -> memref<80xi32, #tpu.memory_space<hbm>>
        tpu.wait_dma2 semaphore(%run_scoped3A : memref<!tpu.dma_semaphore, #tpu.memory_space<semaphore_mem>>) src(%dma_wait3A_50 : memref<80xi32, #tpu.memory_space<hbm>>) dst(%arg7 : memref<80xi32, #tpu.memory_space<vmem>>)
        tpu.yield
      }) : () -> ()
      "tpu.region"() ({
        %run_scoped3A = tpu.sem_alloc : memref<!tpu.dma_semaphore, #tpu.memory_space<semaphore_mem>>
        %dma_start3A_47 = tpu.memref_slice %arg4[%multiple_of3A_40] : memref<320000xi32, #tpu.memory_space<hbm>> -> memref<80xi32, #tpu.memory_space<hbm>>
        %dma_start3A_48 = tpu.memref_slice %arg4[%multiple_of3A_40] : memref<320000xi32, #tpu.memory_space<hbm>> -> memref<80xi32, #tpu.memory_space<hbm>>
        tpu.enqueue_dma source(%dma_start3A_48 : memref<80xi32, #tpu.memory_space<hbm>>) target(%arg8 : memref<80xi32, #tpu.memory_space<vmem>>) target_semaphore(%run_scoped3A : memref<!tpu.dma_semaphore, #tpu.memory_space<semaphore_mem>>)
        %dma_wait3A_49 = tpu.memref_slice %arg4[%multiple_of3A_40] : memref<320000xi32, #tpu.memory_space<hbm>> -> memref<80xi32, #tpu.memory_space<hbm>>
        %dma_wait3A_50 = tpu.memref_slice %arg4[%multiple_of3A_40] : memref<320000xi32, #tpu.memory_space<hbm>> -> memref<80xi32, #tpu.memory_space<hbm>>
        tpu.wait_dma2 semaphore(%run_scoped3A : memref<!tpu.dma_semaphore, #tpu.memory_space<semaphore_mem>>) src(%dma_wait3A_50 : memref<80xi32, #tpu.memory_space<hbm>>) dst(%arg8 : memref<80xi32, #tpu.memory_space<vmem>>)
        tpu.yield
      }) : () -> ()
      %dma_start3A_41 = arith.constant 0 : i32
      %dma_start3A_42 = arith.constant 0 : i32
      %dma_start3A_43 = tpu.memref_slice %arg2[%dma_start3A_41, %dma_start3A_42] : memref<10240x128xf32, #tpu.memory_space<hbm>> -> memref<10240x128xf32, #tpu.memory_space<hbm>>
      tpu.enqueue_indirect_dma source(%dma_start3A_43 : memref<10240x128xf32, #tpu.memory_space<hbm>>) target(%arg9 : memref<80x128xf32, #tpu.memory_space<vmem>>) offsets(%arg7 : memref<80xi32, #tpu.memory_space<vmem>>) semaphore(%arg14 : memref<!tpu.dma_semaphore, #tpu.memory_space<semaphore_mem>>)
      %dma_wait3A_44 = arith.constant 0 : i32
      %dma_wait3A_45 = arith.constant 0 : i32
      %dma_wait3A_46 = tpu.memref_slice %arg2[%dma_wait3A_44, %dma_wait3A_45] : memref<10240x128xf32, #tpu.memory_space<hbm>> -> memref<10240x128xf32, #tpu.memory_space<hbm>>
      tpu.wait_indirect_dma semaphore(%arg15 : memref<!tpu.dma_semaphore, #tpu.memory_space<semaphore_mem>>) src(%dma_wait3A_46 : memref<10240x128xf32, #tpu.memory_space<hbm>>) dst(%arg12 : memref<80x128xf32, #tpu.memory_space<vmem>>)
      "tpu.region"() ({
        %run_scoped3A = tpu.sem_alloc : memref<!tpu.dma_semaphore, #tpu.memory_space<semaphore_mem>>
        %dma_start3A_47 = arith.constant 0 : i32
        %dma_start3A_48 = arith.constant 0 : i32
        %dma_start3A_49 = tpu.memref_slice %arg13[%dma_start3A_47, %dma_start3A_48] : memref<10240x128xf32, #tpu.memory_space<vmem_shared>> -> memref<10240x128xf32, #tpu.memory_space<vmem_shared>>
        tpu.enqueue_indirect_dma source(%arg12 : memref<80x128xf32, #tpu.memory_space<vmem>>) target(%dma_start3A_49 : memref<10240x128xf32, #tpu.memory_space<vmem_shared>>) offsets(%arg11 : memref<80xi32, #tpu.memory_space<vmem>>) semaphore(%run_scoped3A : memref<!tpu.dma_semaphore, #tpu.memory_space<semaphore_mem>>) {add = true}
        %dma_wait3A_50 = arith.constant 0 : i32
        %dma_wait3A_51 = arith.constant 0 : i32
        %dma_wait3A_52 = tpu.memref_slice %arg13[%dma_wait3A_50, %dma_wait3A_51] : memref<10240x128xf32, #tpu.memory_space<vmem_shared>> -> memref<10240x128xf32, #tpu.memory_space<vmem_shared>>
        tpu.wait_indirect_dma semaphore(%run_scoped3A : memref<!tpu.dma_semaphore, #tpu.memory_space<semaphore_mem>>) src(%arg12 : memref<80x128xf32, #tpu.memory_space<vmem>>) dst(%dma_wait3A_52 : memref<10240x128xf32, #tpu.memory_space<vmem_shared>>)
        tpu.yield
      }) : () -> ()
    }
    %scan3A_14 = arith.constant 62 : i32
    %dma_wait3A = arith.constant 0 : i32
    %dma_wait3A_15 = arith.constant 0 : i32
    %dma_wait3A_16 = tpu.memref_slice %arg2[%dma_wait3A, %dma_wait3A_15] : memref<10240x128xf32, #tpu.memory_space<hbm>> -> memref<10240x128xf32, #tpu.memory_space<hbm>>
    tpu.wait_indirect_dma semaphore(%arg14 : memref<!tpu.dma_semaphore, #tpu.memory_space<semaphore_mem>>) src(%dma_wait3A_16 : memref<10240x128xf32, #tpu.memory_space<hbm>>) dst(%arg9 : memref<80x128xf32, #tpu.memory_space<vmem>>)
    "tpu.region"() ({
      %run_scoped3A = tpu.sem_alloc : memref<!tpu.dma_semaphore, #tpu.memory_space<semaphore_mem>>
      %dma_start3A_18 = arith.constant 0 : i32
      %dma_start3A_19 = arith.constant 0 : i32
      %dma_start3A_20 = tpu.memref_slice %arg13[%dma_start3A_18, %dma_start3A_19] : memref<10240x128xf32, #tpu.memory_space<vmem_shared>> -> memref<10240x128xf32, #tpu.memory_space<vmem_shared>>
      tpu.enqueue_indirect_dma source(%arg9 : memref<80x128xf32, #tpu.memory_space<vmem>>) target(%dma_start3A_20 : memref<10240x128xf32, #tpu.memory_space<vmem_shared>>) offsets(%arg8 : memref<80xi32, #tpu.memory_space<vmem>>) semaphore(%run_scoped3A : memref<!tpu.dma_semaphore, #tpu.memory_space<semaphore_mem>>) {add = true}
      %dma_wait3A_21 = arith.constant 0 : i32
      %dma_wait3A_22 = arith.constant 0 : i32
      %dma_wait3A_23 = tpu.memref_slice %arg13[%dma_wait3A_21, %dma_wait3A_22] : memref<10240x128xf32, #tpu.memory_space<vmem_shared>> -> memref<10240x128xf32, #tpu.memory_space<vmem_shared>>
      tpu.wait_indirect_dma semaphore(%run_scoped3A : memref<!tpu.dma_semaphore, #tpu.memory_space<semaphore_mem>>) src(%arg9 : memref<80x128xf32, #tpu.memory_space<vmem>>) dst(%dma_wait3A_23 : memref<10240x128xf32, #tpu.memory_space<vmem_shared>>)
      tpu.yield
    }) : () -> ()
    %barrier3A_17 = arith.constant 0 : index
    tpu.barrier barrier_id(%barrier3A_17)
    "tpu.region"() ({
      %run_scoped3A = tpu.sem_alloc : memref<!tpu.dma_semaphore, #tpu.memory_space<semaphore_mem>>
      %dma_start3A_18 = arith.constant 0 : i32
      %dma_start3A_19 = tpu.memref_slice %arg6[%arg0, %multiple_of3A, %dma_start3A_18] : memref<2x10240x128xf32, #tpu.memory_space<hbm>> -> memref<1x640x128xf32, #tpu.memory_space<hbm>>
      %dma_start3A_20 = tpu.memref_squeeze %dma_start3A_19 : memref<1x640x128xf32, #tpu.memory_space<hbm>> -> memref<640x128xf32, #tpu.memory_space<hbm>>
      %dma_start3A_21 = arith.constant 0 : i32
      %dma_start3A_22 = tpu.memref_slice %arg13[%multiple_of3A, %dma_start3A_21] : memref<10240x128xf32, #tpu.memory_space<vmem_shared>> -> memref<640x128xf32, #tpu.memory_space<vmem_shared>>
      tpu.enqueue_dma source(%dma_start3A_22 : memref<640x128xf32, #tpu.memory_space<vmem_shared>>) target(%dma_start3A_20 : memref<640x128xf32, #tpu.memory_space<hbm>>) target_semaphore(%run_scoped3A : memref<!tpu.dma_semaphore, #tpu.memory_space<semaphore_mem>>)
      %dma_wait3A_23 = arith.constant 0 : i32
      %dma_wait3A_24 = tpu.memref_slice %arg6[%arg0, %multiple_of3A, %dma_wait3A_23] : memref<2x10240x128xf32, #tpu.memory_space<hbm>> -> memref<1x640x128xf32, #tpu.memory_space<hbm>>
      %dma_wait3A_25 = tpu.memref_squeeze %dma_wait3A_24 : memref<1x640x128xf32, #tpu.memory_space<hbm>> -> memref<640x128xf32, #tpu.memory_space<hbm>>
      %dma_wait3A_26 = arith.constant 0 : i32
      %dma_wait3A_27 = tpu.memref_slice %arg13[%multiple_of3A, %dma_wait3A_26] : memref<10240x128xf32, #tpu.memory_space<vmem_shared>> -> memref<640x128xf32, #tpu.memory_space<vmem_shared>>
      tpu.wait_dma2 semaphore(%run_scoped3A : memref<!tpu.dma_semaphore, #tpu.memory_space<semaphore_mem>>) src(%dma_wait3A_27 : memref<640x128xf32, #tpu.memory_space<vmem_shared>>) dst(%dma_wait3A_25 : memref<640x128xf32, #tpu.memory_space<hbm>>)
      tpu.yield
    }) : () -> ()
    return
  }
}

#map = affine_map<(d0, d1) -> (0, 0)>
#map1 = affine_map<(d0, d1) -> (0)>
#map2 = affine_map<(d0, d1) -> (0, 0, 0)>
module attributes {stable_mosaic.version = 14 : i64} {
  func.func @body(%arg0: i32, %arg1: i32, %arg2: memref<10240x128xf32, #tpu.memory_space<hbm>>, %arg3: memref<320000xi32, #tpu.memory_space<hbm>>, %arg4: memref<320000xi32, #tpu.memory_space<hbm>>, %arg5: memref<640x128xf32, #tpu.memory_space<hbm>>, %arg6: memref<2x10240x128xf32, #tpu.memory_space<hbm>>, %arg7: memref<80xi32, #tpu.memory_space<vmem>>, %arg8: memref<80xi32, #tpu.memory_space<vmem>>, %arg9: memref<80x128xf32, #tpu.memory_space<vmem>>, %arg10: memref<80xi32, #tpu.memory_space<vmem>>, %arg11: memref<80xi32, #tpu.memory_space<vmem>>, %arg12: memref<80x128xf32, #tpu.memory_space<vmem>>, %arg13: memref<10240x128xf32, #tpu.memory_space<vmem_shared>>, %arg14: memref<!tpu.dma_semaphore, #tpu.memory_space<semaphore_mem>>, %arg15: memref<!tpu.dma_semaphore, #tpu.memory_space<semaphore_mem>>) attributes {dimension_semantics = [#tpu.dimension_semantics<core_parallel>, #tpu.dimension_semantics<subcore_parallel>], iteration_bounds = array<i64: 2, 16>, scalar_prefetch = 0 : i64, scratch_operands = 9 : i64, tpu.core_type = #tpu.core_type<sc_vector_subcore>, window_params = [{transform_indices = #map}, {transform_indices = #map1}, {transform_indices = #map1}, {transform_indices = #map}, {transform_indices = #map2}]} {
    %mul3A = arith.constant 2 : i32
    %mul3A_0 = arith.muli %arg1, %mul3A : i32
    %add3A = arith.addi %mul3A_0, %arg0 : i32
    %mul3A_1 = arith.constant 640 : i32
    %mul3A_2 = arith.muli %arg1, %mul3A_1 : i32
    %multiple_of3A = tpu.assume_multiple %mul3A_2, 8 : i32
    %mul3A_3 = arith.constant 10000 : i32
    %mul3A_4 = arith.muli %add3A, %mul3A_3 : i32
    "tpu.region"() ({
      %run_scoped3A = tpu.sem_alloc : memref<!tpu.dma_semaphore, #tpu.memory_space<semaphore_mem>>
      %dma_start3A_18 = arith.constant 0 : i32
      %dma_start3A_19 = tpu.memref_slice %arg13[%multiple_of3A, %dma_start3A_18] : memref<10240x128xf32, #tpu.memory_space<vmem_shared>> -> memref<640x128xf32, #tpu.memory_space<vmem_shared>>
      tpu.enqueue_dma source(%arg5 : memref<640x128xf32, #tpu.memory_space<hbm>>) target(%dma_start3A_19 : memref<640x128xf32, #tpu.memory_space<vmem_shared>>) target_semaphore(%run_scoped3A : memref<!tpu.dma_semaphore, #tpu.memory_space<semaphore_mem>>)
      %dma_wait3A_20 = arith.constant 0 : i32
      %dma_wait3A_21 = tpu.memref_slice %arg13[%multiple_of3A, %dma_wait3A_20] : memref<10240x128xf32, #tpu.memory_space<vmem_shared>> -> memref<640x128xf32, #tpu.memory_space<vmem_shared>>
      tpu.wait_dma2 semaphore(%run_scoped3A : memref<!tpu.dma_semaphore, #tpu.memory_space<semaphore_mem>>) src(%arg5 : memref<640x128xf32, #tpu.memory_space<hbm>>) dst(%dma_wait3A_21 : memref<640x128xf32, #tpu.memory_space<vmem_shared>>)
      tpu.yield
    }) : () -> ()
    %barrier3A = arith.constant 0 : index
    tpu.barrier barrier_id(%barrier3A)
    %add3A_5 = arith.constant 0 : i32
    %add3A_6 = arith.addi %mul3A_4, %add3A_5 : i32
    %multiple_of3A_7 = tpu.assume_multiple %add3A_6, 8 : i32
    "tpu.region"() ({
      %run_scoped3A = tpu.sem_alloc : memref<!tpu.dma_semaphore, #tpu.memory_space<semaphore_mem>>
      %dma_start3A_18 = tpu.memref_slice %arg3[%multiple_of3A_7] : memref<320000xi32, #tpu.memory_space<hbm>> -> memref<80xi32, #tpu.memory_space<hbm>>
      %dma_start3A_19 = tpu.memref_slice %arg3[%multiple_of3A_7] : memref<320000xi32, #tpu.memory_space<hbm>> -> memref<80xi32, #tpu.memory_space<hbm>>
      tpu.enqueue_dma source(%dma_start3A_19 : memref<80xi32, #tpu.memory_space<hbm>>) target(%arg7 : memref<80xi32, #tpu.memory_space<vmem>>) target_semaphore(%run_scoped3A : memref<!tpu.dma_semaphore, #tpu.memory_space<semaphore_mem>>)
      %dma_wait3A_20 = tpu.memref_slice %arg3[%multiple_of3A_7] : memref<320000xi32, #tpu.memory_space<hbm>> -> memref<80xi32, #tpu.memory_space<hbm>>
      %dma_wait3A_21 = tpu.memref_slice %arg3[%multiple_of3A_7] : memref<320000xi32, #tpu.memory_space<hbm>> -> memref<80xi32, #tpu.memory_space<hbm>>
      tpu.wait_dma2 semaphore(%run_scoped3A : memref<!tpu.dma_semaphore, #tpu.memory_space<semaphore_mem>>) src(%dma_wait3A_21 : memref<80xi32, #tpu.memory_space<hbm>>) dst(%arg7 : memref<80xi32, #tpu.memory_space<vmem>>)
      tpu.yield
    }) : () -> ()
    "tpu.region"() ({
      %run_scoped3A = tpu.sem_alloc : memref<!tpu.dma_semaphore, #tpu.memory_space<semaphore_mem>>
      %dma_start3A_18 = tpu.memref_slice %arg4[%multiple_of3A_7] : memref<320000xi32, #tpu.memory_space<hbm>> -> memref<80xi32, #tpu.memory_space<hbm>>
      %dma_start3A_19 = tpu.memref_slice %arg4[%multiple_of3A_7] : memref<320000xi32, #tpu.memory_space<hbm>> -> memref<80xi32, #tpu.memory_space<hbm>>
      tpu.enqueue_dma source(%dma_start3A_19 : memref<80xi32, #tpu.memory_space<hbm>>) target(%arg8 : memref<80xi32, #tpu.memory_space<vmem>>) target_semaphore(%run_scoped3A : memref<!tpu.dma_semaphore, #tpu.memory_space<semaphore_mem>>)
      %dma_wait3A_20 = tpu.memref_slice %arg4[%multiple_of3A_7] : memref<320000xi32, #tpu.memory_space<hbm>> -> memref<80xi32, #tpu.memory_space<hbm>>
      %dma_wait3A_21 = tpu.memref_slice %arg4[%multiple_of3A_7] : memref<320000xi32, #tpu.memory_space<hbm>> -> memref<80xi32, #tpu.memory_space<hbm>>
      tpu.wait_dma2 semaphore(%run_scoped3A : memref<!tpu.dma_semaphore, #tpu.memory_space<semaphore_mem>>) src(%dma_wait3A_21 : memref<80xi32, #tpu.memory_space<hbm>>) dst(%arg8 : memref<80xi32, #tpu.memory_space<vmem>>)
      tpu.yield
    }) : () -> ()
    %dma_start3A = arith.constant 0 : i32
    %dma_start3A_8 = arith.constant 0 : i32
    %dma_start3A_9 = tpu.memref_slice %arg2[%dma_start3A, %dma_start3A_8] : memref<10240x128xf32, #tpu.memory_space<hbm>> -> memref<10240x128xf32, #tpu.memory_space<hbm>>
    tpu.enqueue_indirect_dma source(%dma_start3A_9 : memref<10240x128xf32, #tpu.memory_space<hbm>>) target(%arg9 : memref<80x128xf32, #tpu.memory_space<vmem>>) offsets(%arg7 : memref<80xi32, #tpu.memory_space<vmem>>) semaphore(%arg14 : memref<!tpu.dma_semaphore, #tpu.memory_space<semaphore_mem>>)
    %scan3A = arith.constant 0 : i32
    %scan3A_10 = arith.constant 0 : i32
    %scan3A_11 = arith.constant 62 : i32
    %scan3A_12 = arith.addi %scan3A_10, %scan3A_11 : i32
    %scan3A_13 = arith.constant 1 : i32
    scf.for %scan3A_18 = %scan3A_10 to %scan3A_12 step %scan3A_13  : i32 {
      %mul3A_19 = arith.constant 2 : i32
      %mul3A_20 = arith.muli %mul3A_19, %scan3A_18 : i32
      %add3A_21 = arith.constant 1 : i32
      %add3A_22 = arith.addi %mul3A_20, %add3A_21 : i32
      %mul3A_23 = arith.constant 80 : i32
      %mul3A_24 = arith.muli %add3A_22, %mul3A_23 : i32
      %add3A_25 = arith.addi %mul3A_4, %mul3A_24 : i32
      %multiple_of3A_26 = tpu.assume_multiple %add3A_25, 8 : i32
      "tpu.region"() ({
        %run_scoped3A = tpu.sem_alloc : memref<!tpu.dma_semaphore, #tpu.memory_space<semaphore_mem>>
        %dma_start3A_47 = tpu.memref_slice %arg3[%multiple_of3A_26] : memref<320000xi32, #tpu.memory_space<hbm>> -> memref<80xi32, #tpu.memory_space<hbm>>
        %dma_start3A_48 = tpu.memref_slice %arg3[%multiple_of3A_26] : memref<320000xi32, #tpu.memory_space<hbm>> -> memref<80xi32, #tpu.memory_space<hbm>>
        tpu.enqueue_dma source(%dma_start3A_48 : memref<80xi32, #tpu.memory_space<hbm>>) target(%arg10 : memref<80xi32, #tpu.memory_space<vmem>>) target_semaphore(%run_scoped3A : memref<!tpu.dma_semaphore, #tpu.memory_space<semaphore_mem>>)
        %dma_wait3A_49 = tpu.memref_slice %arg3[%multiple_of3A_26] : memref<320000xi32, #tpu.memory_space<hbm>> -> memref<80xi32, #tpu.memory_space<hbm>>
        %dma_wait3A_50 = tpu.memref_slice %arg3[%multiple_of3A_26] : memref<320000xi32, #tpu.memory_space<hbm>> -> memref<80xi32, #tpu.memory_space<hbm>>
        tpu.wait_dma2 semaphore(%run_scoped3A : memref<!tpu.dma_semaphore, #tpu.memory_space<semaphore_mem>>) src(%dma_wait3A_50 : memref<80xi32, #tpu.memory_space<hbm>>) dst(%arg10 : memref<80xi32, #tpu.memory_space<vmem>>)
        tpu.yield
      }) : () -> ()
      "tpu.region"() ({
        %run_scoped3A = tpu.sem_alloc : memref<!tpu.dma_semaphore, #tpu.memory_space<semaphore_mem>>
        %dma_start3A_47 = tpu.memref_slice %arg4[%multiple_of3A_26] : memref<320000xi32, #tpu.memory_space<hbm>> -> memref<80xi32, #tpu.memory_space<hbm>>
        %dma_start3A_48 = tpu.memref_slice %arg4[%multiple_of3A_26] : memref<320000xi32, #tpu.memory_space<hbm>> -> memref<80xi32, #tpu.memory_space<hbm>>
        tpu.enqueue_dma source(%dma_start3A_48 : memref<80xi32, #tpu.memory_space<hbm>>) target(%arg11 : memref<80xi32, #tpu.memory_space<vmem>>) target_semaphore(%run_scoped3A : memref<!tpu.dma_semaphore, #tpu.memory_space<semaphore_mem>>)
        %dma_wait3A_49 = tpu.memref_slice %arg4[%multiple_of3A_26] : memref<320000xi32, #tpu.memory_space<hbm>> -> memref<80xi32, #tpu.memory_space<hbm>>
        %dma_wait3A_50 = tpu.memref_slice %arg4[%multiple_of3A_26] : memref<320000xi32, #tpu.memory_space<hbm>> -> memref<80xi32, #tpu.memory_space<hbm>>
        tpu.wait_dma2 semaphore(%run_scoped3A : memref<!tpu.dma_semaphore, #tpu.memory_space<semaphore_mem>>) src(%dma_wait3A_50 : memref<80xi32, #tpu.memory_space<hbm>>) dst(%arg11 : memref<80xi32, #tpu.memory_space<vmem>>)
        tpu.yield
      }) : () -> ()
      %dma_start3A_27 = arith.constant 0 : i32
      %dma_start3A_28 = arith.constant 0 : i32
      %dma_start3A_29 = tpu.memref_slice %arg2[%dma_start3A_27, %dma_start3A_28] : memref<10240x128xf32, #tpu.memory_space<hbm>> -> memref<10240x128xf32, #tpu.memory_space<hbm>>
      tpu.enqueue_indirect_dma source(%dma_start3A_29 : memref<10240x128xf32, #tpu.memory_space<hbm>>) target(%arg12 : memref<80x128xf32, #tpu.memory_space<vmem>>) offsets(%arg10 : memref<80xi32, #tpu.memory_space<vmem>>) semaphore(%arg15 : memref<!tpu.dma_semaphore, #tpu.memory_space<semaphore_mem>>)
      %dma_wait3A_30 = arith.constant 0 : i32
      %dma_wait3A_31 = arith.constant 0 : i32
      %dma_wait3A_32 = tpu.memref_slice %arg2[%dma_wait3A_30, %dma_wait3A_31] : memref<10240x128xf32, #tpu.memory_space<hbm>> -> memref<10240x128xf32, #tpu.memory_space<hbm>>
      tpu.wait_indirect_dma semaphore(%arg14 : memref<!tpu.dma_semaphore, #tpu.memory_space<semaphore_mem>>) src(%dma_wait3A_32 : memref<10240x128xf32, #tpu.memory_space<hbm>>) dst(%arg9 : memref<80x128xf32, #tpu.memory_space<vmem>>)
      "tpu.region"() ({
        %run_scoped3A = tpu.sem_alloc : memref<!tpu.dma_semaphore, #tpu.memory_space<semaphore_mem>>
        %dma_start3A_47 = arith.constant 0 : i32
        %dma_start3A_48 = arith.constant 0 : i32
        %dma_start3A_49 = tpu.memref_slice %arg13[%dma_start3A_47, %dma_start3A_48] : memref<10240x128xf32, #tpu.memory_space<vmem_shared>> -> memref<10240x128xf32, #tpu.memory_space<vmem_shared>>
        tpu.enqueue_indirect_dma source(%arg9 : memref<80x128xf32, #tpu.memory_space<vmem>>) target(%dma_start3A_49 : memref<10240x128xf32, #tpu.memory_space<vmem_shared>>) offsets(%arg8 : memref<80xi32, #tpu.memory_space<vmem>>) semaphore(%run_scoped3A : memref<!tpu.dma_semaphore, #tpu.memory_space<semaphore_mem>>) {add = true}
        %dma_wait3A_50 = arith.constant 0 : i32
        %dma_wait3A_51 = arith.constant 0 : i32
        %dma_wait3A_52 = tpu.memref_slice %arg13[%dma_wait3A_50, %dma_wait3A_51] : memref<10240x128xf32, #tpu.memory_space<vmem_shared>> -> memref<10240x128xf32, #tpu.memory_space<vmem_shared>>
        tpu.wait_indirect_dma semaphore(%run_scoped3A : memref<!tpu.dma_semaphore, #tpu.memory_space<semaphore_mem>>) src(%arg9 : memref<80x128xf32, #tpu.memory_space<vmem>>) dst(%dma_wait3A_52 : memref<10240x128xf32, #tpu.memory_space<vmem_shared>>)
        tpu.yield
      }) : () -> ()
      %mul3A_33 = arith.constant 2 : i32
      %mul3A_34 = arith.muli %mul3A_33, %scan3A_18 : i32
      %add3A_35 = arith.constant 2 : i32
      %add3A_36 = arith.addi %mul3A_34, %add3A_35 : i32
      %mul3A_37 = arith.constant 80 : i32
      %mul3A_38 = arith.muli %add3A_36, %mul3A_37 : i32
      %add3A_39 = arith.addi %mul3A_4, %mul3A_38 : i32
      %multiple_of3A_40 = tpu.assume_multiple %add3A_39, 8 : i32
      "tpu.region"() ({
        %run_scoped3A = tpu.sem_alloc : memref<!tpu.dma_semaphore, #tpu.memory_space<semaphore_mem>>
        %dma_start3A_47 = tpu.memref_slice %arg3[%multiple_of3A_40] : memref<320000xi32, #tpu.memory_space<hbm>> -> memref<80xi32, #tpu.memory_space<hbm>>
        %dma_start3A_48 = tpu.memref_slice %arg3[%multiple_of3A_40] : memref<320000xi32, #tpu.memory_space<hbm>> -> memref<80xi32, #tpu.memory_space<hbm>>
        tpu.enqueue_dma source(%dma_start3A_48 : memref<80xi32, #tpu.memory_space<hbm>>) target(%arg7 : memref<80xi32, #tpu.memory_space<vmem>>) target_semaphore(%run_scoped3A : memref<!tpu.dma_semaphore, #tpu.memory_space<semaphore_mem>>)
        %dma_wait3A_49 = tpu.memref_slice %arg3[%multiple_of3A_40] : memref<320000xi32, #tpu.memory_space<hbm>> -> memref<80xi32, #tpu.memory_space<hbm>>
        %dma_wait3A_50 = tpu.memref_slice %arg3[%multiple_of3A_40] : memref<320000xi32, #tpu.memory_space<hbm>> -> memref<80xi32, #tpu.memory_space<hbm>>
        tpu.wait_dma2 semaphore(%run_scoped3A : memref<!tpu.dma_semaphore, #tpu.memory_space<semaphore_mem>>) src(%dma_wait3A_50 : memref<80xi32, #tpu.memory_space<hbm>>) dst(%arg7 : memref<80xi32, #tpu.memory_space<vmem>>)
        tpu.yield
      }) : () -> ()
      "tpu.region"() ({
        %run_scoped3A = tpu.sem_alloc : memref<!tpu.dma_semaphore, #tpu.memory_space<semaphore_mem>>
        %dma_start3A_47 = tpu.memref_slice %arg4[%multiple_of3A_40] : memref<320000xi32, #tpu.memory_space<hbm>> -> memref<80xi32, #tpu.memory_space<hbm>>
        %dma_start3A_48 = tpu.memref_slice %arg4[%multiple_of3A_40] : memref<320000xi32, #tpu.memory_space<hbm>> -> memref<80xi32, #tpu.memory_space<hbm>>
        tpu.enqueue_dma source(%dma_start3A_48 : memref<80xi32, #tpu.memory_space<hbm>>) target(%arg8 : memref<80xi32, #tpu.memory_space<vmem>>) target_semaphore(%run_scoped3A : memref<!tpu.dma_semaphore, #tpu.memory_space<semaphore_mem>>)
        %dma_wait3A_49 = tpu.memref_slice %arg4[%multiple_of3A_40] : memref<320000xi32, #tpu.memory_space<hbm>> -> memref<80xi32, #tpu.memory_space<hbm>>
        %dma_wait3A_50 = tpu.memref_slice %arg4[%multiple_of3A_40] : memref<320000xi32, #tpu.memory_space<hbm>> -> memref<80xi32, #tpu.memory_space<hbm>>
        tpu.wait_dma2 semaphore(%run_scoped3A : memref<!tpu.dma_semaphore, #tpu.memory_space<semaphore_mem>>) src(%dma_wait3A_50 : memref<80xi32, #tpu.memory_space<hbm>>) dst(%arg8 : memref<80xi32, #tpu.memory_space<vmem>>)
        tpu.yield
      }) : () -> ()
      %dma_start3A_41 = arith.constant 0 : i32
      %dma_start3A_42 = arith.constant 0 : i32
      %dma_start3A_43 = tpu.memref_slice %arg2[%dma_start3A_41, %dma_start3A_42] : memref<10240x128xf32, #tpu.memory_space<hbm>> -> memref<10240x128xf32, #tpu.memory_space<hbm>>
      tpu.enqueue_indirect_dma source(%dma_start3A_43 : memref<10240x128xf32, #tpu.memory_space<hbm>>) target(%arg9 : memref<80x128xf32, #tpu.memory_space<vmem>>) offsets(%arg7 : memref<80xi32, #tpu.memory_space<vmem>>) semaphore(%arg14 : memref<!tpu.dma_semaphore, #tpu.memory_space<semaphore_mem>>)
      %dma_wait3A_44 = arith.constant 0 : i32
      %dma_wait3A_45 = arith.constant 0 : i32
      %dma_wait3A_46 = tpu.memref_slice %arg2[%dma_wait3A_44, %dma_wait3A_45] : memref<10240x128xf32, #tpu.memory_space<hbm>> -> memref<10240x128xf32, #tpu.memory_space<hbm>>
      tpu.wait_indirect_dma semaphore(%arg15 : memref<!tpu.dma_semaphore, #tpu.memory_space<semaphore_mem>>) src(%dma_wait3A_46 : memref<10240x128xf32, #tpu.memory_space<hbm>>) dst(%arg12 : memref<80x128xf32, #tpu.memory_space<vmem>>)
      "tpu.region"() ({
        %run_scoped3A = tpu.sem_alloc : memref<!tpu.dma_semaphore, #tpu.memory_space<semaphore_mem>>
        %dma_start3A_47 = arith.constant 0 : i32
        %dma_start3A_48 = arith.constant 0 : i32
        %dma_start3A_49 = tpu.memref_slice %arg13[%dma_start3A_47, %dma_start3A_48] : memref<10240x128xf32, #tpu.memory_space<vmem_shared>> -> memref<10240x128xf32, #tpu.memory_space<vmem_shared>>
        tpu.enqueue_indirect_dma source(%arg12 : memref<80x128xf32, #tpu.memory_space<vmem>>) target(%dma_start3A_49 : memref<10240x128xf32, #tpu.memory_space<vmem_shared>>) offsets(%arg11 : memref<80xi32, #tpu.memory_space<vmem>>) semaphore(%run_scoped3A : memref<!tpu.dma_semaphore, #tpu.memory_space<semaphore_mem>>) {add = true}
        %dma_wait3A_50 = arith.constant 0 : i32
        %dma_wait3A_51 = arith.constant 0 : i32
        %dma_wait3A_52 = tpu.memref_slice %arg13[%dma_wait3A_50, %dma_wait3A_51] : memref<10240x128xf32, #tpu.memory_space<vmem_shared>> -> memref<10240x128xf32, #tpu.memory_space<vmem_shared>>
        tpu.wait_indirect_dma semaphore(%run_scoped3A : memref<!tpu.dma_semaphore, #tpu.memory_space<semaphore_mem>>) src(%arg12 : memref<80x128xf32, #tpu.memory_space<vmem>>) dst(%dma_wait3A_52 : memref<10240x128xf32, #tpu.memory_space<vmem_shared>>)
        tpu.yield
      }) : () -> ()
    }
    %scan3A_14 = arith.constant 62 : i32
    %dma_wait3A = arith.constant 0 : i32
    %dma_wait3A_15 = arith.constant 0 : i32
    %dma_wait3A_16 = tpu.memref_slice %arg2[%dma_wait3A, %dma_wait3A_15] : memref<10240x128xf32, #tpu.memory_space<hbm>> -> memref<10240x128xf32, #tpu.memory_space<hbm>>
    tpu.wait_indirect_dma semaphore(%arg14 : memref<!tpu.dma_semaphore, #tpu.memory_space<semaphore_mem>>) src(%dma_wait3A_16 : memref<10240x128xf32, #tpu.memory_space<hbm>>) dst(%arg9 : memref<80x128xf32, #tpu.memory_space<vmem>>)
    "tpu.region"() ({
      %run_scoped3A = tpu.sem_alloc : memref<!tpu.dma_semaphore, #tpu.memory_space<semaphore_mem>>
      %dma_start3A_18 = arith.constant 0 : i32
      %dma_start3A_19 = arith.constant 0 : i32
      %dma_start3A_20 = tpu.memref_slice %arg13[%dma_start3A_18, %dma_start3A_19] : memref<10240x128xf32, #tpu.memory_space<vmem_shared>> -> memref<10240x128xf32, #tpu.memory_space<vmem_shared>>
      tpu.enqueue_indirect_dma source(%arg9 : memref<80x128xf32, #tpu.memory_space<vmem>>) target(%dma_start3A_20 : memref<10240x128xf32, #tpu.memory_space<vmem_shared>>) offsets(%arg8 : memref<80xi32, #tpu.memory_space<vmem>>) semaphore(%run_scoped3A : memref<!tpu.dma_semaphore, #tpu.memory_space<semaphore_mem>>) {add = true}
      %dma_wait3A_21 = arith.constant 0 : i32
      %dma_wait3A_22 = arith.constant 0 : i32
      %dma_wait3A_23 = tpu.memref_slice %arg13[%dma_wait3A_21, %dma_wait3A_22] : memref<10240x128xf32, #tpu.memory_space<vmem_shared>> -> memref<10240x128xf32, #tpu.memory_space<vmem_shared>>
      tpu.wait_indirect_dma semaphore(%run_scoped3A : memref<!tpu.dma_semaphore, #tpu.memory_space<semaphore_mem>>) src(%arg9 : memref<80x128xf32, #tpu.memory_space<vmem>>) dst(%dma_wait3A_23 : memref<10240x128xf32, #tpu.memory_space<vmem_shared>>)
      tpu.yield
    }) : () -> ()
    %barrier3A_17 = arith.constant 0 : index
    tpu.barrier barrier_id(%barrier3A_17)
    "tpu.region"() ({
      %run_scoped3A = tpu.sem_alloc : memref<!tpu.dma_semaphore, #tpu.memory_space<semaphore_mem>>
      %dma_start3A_18 = arith.constant 0 : i32
      %dma_start3A_19 = tpu.memref_slice %arg6[%arg0, %multiple_of3A, %dma_start3A_18] : memref<2x10240x128xf32, #tpu.memory_space<hbm>> -> memref<1x640x128xf32, #tpu.memory_space<hbm>>
      %dma_start3A_20 = tpu.memref_squeeze %dma_start3A_19 : memref<1x640x128xf32, #tpu.memory_space<hbm>> -> memref<640x128xf32, #tpu.memory_space<hbm>>
      %dma_start3A_21 = arith.constant 0 : i32
      %dma_start3A_22 = tpu.memref_slice %arg13[%multiple_of3A, %dma_start3A_21] : memref<10240x128xf32, #tpu.memory_space<vmem_shared>> -> memref<640x128xf32, #tpu.memory_space<vmem_shared>>
      tpu.enqueue_dma source(%dma_start3A_22 : memref<640x128xf32, #tpu.memory_space<vmem_shared>>) target(%dma_start3A_20 : memref<640x128xf32, #tpu.memory_space<hbm>>) target_semaphore(%run_scoped3A : memref<!tpu.dma_semaphore, #tpu.memory_space<semaphore_mem>>)
      %dma_wait3A_23 = arith.constant 0 : i32
      %dma_wait3A_24 = tpu.memref_slice %arg6[%arg0, %multiple_of3A, %dma_wait3A_23] : memref<2x10240x128xf32, #tpu.memory_space<hbm>> -> memref<1x640x128xf32, #tpu.memory_space<hbm>>
      %dma_wait3A_25 = tpu.memref_squeeze %dma_wait3A_24 : memref<1x640x128xf32, #tpu.memory_space<hbm>> -> memref<640x128xf32, #tpu.memory_space<hbm>>
      %dma_wait3A_26 = arith.constant 0 : i32
      %dma_wait3A_27 = tpu.memref_slice %arg13[%multiple_of3A, %dma_wait3A_26] : memref<10240x128xf32, #tpu.memory_space<vmem_shared>> -> memref<640x128xf32, #tpu.memory_space<vmem_shared>>
      tpu.wait_dma2 semaphore(%run_scoped3A : memref<!tpu.dma_semaphore, #tpu.memory_space<semaphore_mem>>) src(%dma_wait3A_27 : memref<640x128xf32, #tpu.memory_space<vmem_shared>>) dst(%dma_wait3A_25 : memref<640x128xf32, #tpu.memory_space<hbm>>)
      tpu.yield
    }) : () -> ()
    return
  }
}

module attributes {stable_mosaic.version = 14 : i64} {
  func.func @body(%arg0: i32, %arg1: memref<1x1x8000xi32, #tpu.memory_space<vmem>>, %arg2: memref<80x128xf32, #tpu.memory_space<vmem>>) attributes {dimension_semantics = [#tpu.dimension_semantics<arbitrary>], iteration_bounds = array<i64: 40>, scalar_prefetch = 0 : i64, scratch_operands = 0 : i64, tpu.core_type = #tpu.core_type<tc>, window_params = [{transform_indices = @transform_0, window_bounds = array<i64: 1, 1, 8000>}, {pipeline_mode = #tpu.pipeline_mode<synchronous>, transform_indices = @transform_1, window_bounds = array<i64: 80, 128>}]} {
    %get3A = arith.constant 0 : index
    %get3A_0 = arith.constant 0 : index
    %get3A_1 = arith.constant 0 : index
    %get3A_2 = vector.load %arg1[%get3A, %get3A_0, %get3A_1] : memref<1x1x8000xi32, #tpu.memory_space<vmem>>, vector<1x1x8000xi32>
    %get3A_3 = vector.shape_cast %get3A_2 : vector<1x1x8000xi32> to vector<1x8000xi32>
    %shift_right_arithmetic3A = arith.constant 7 : i32
    %shift_right_arithmetic3A_4 = vector.broadcast %shift_right_arithmetic3A : i32 to vector<1x8000xi32>
    %shift_right_arithmetic3A_5 = arith.shrsi %get3A_3, %shift_right_arithmetic3A_4 : vector<1x8000xi32>
    %and3A = arith.constant 127 : i32
    %and3A_6 = vector.broadcast %and3A : i32 to vector<1x8000xi32>
    %and3A_7 = arith.andi %get3A_3, %and3A_6 : vector<1x8000xi32>
    %iota3A = tpu.iota {dimensions = array<i32: 0>} : vector<80x8000xi32>
    %eq3A = vector.broadcast %shift_right_arithmetic3A_5 : vector<1x8000xi32> to vector<80x8000xi32>
    %eq3A_8 = arith.cmpi eq, %iota3A, %eq3A : vector<80x8000xi32>
    %iota3A_9 = tpu.iota {dimensions = array<i32: 0>} : vector<128x8000xi32>
    %eq3A_10 = vector.broadcast %and3A_7 : vector<1x8000xi32> to vector<128x8000xi32>
    %eq3A_11 = arith.cmpi eq, %iota3A_9, %eq3A_10 : vector<128x8000xi32>
    %convert_element_type3A = arith.extui %eq3A_8 : vector<80x8000xi1> to vector<80x8000xi32>
    %convert_element_type3A_12 = arith.sitofp %convert_element_type3A : vector<80x8000xi32> to vector<80x8000xf32>
    %convert_element_type3A_13 = arith.extui %eq3A_11 : vector<128x8000xi1> to vector<128x8000xi32>
    %convert_element_type3A_14 = arith.sitofp %convert_element_type3A_13 : vector<128x8000xi32> to vector<128x8000xf32>
    %dot_general3A = arith.constant dense<0.000000e+00> : vector<80x128xf32>
    %dot_general3A_15 = tpu.matmul %convert_element_type3A_12, %convert_element_type3A_14, %dot_general3A {dimension_numbers = #tpu.dot_dimension_numbers<[1], [1], [0], [0], [0, 0, 1, 0], [], []>, transpose_lhs_hint = false} : vector<80x8000xf32>, vector<128x8000xf32>, vector<80x128xf32> -> vector<80x128xf32>
    %eq3A_16 = arith.constant 0 : i32
    %eq3A_17 = arith.cmpi eq, %arg0, %eq3A_16 : i32
    %convert_element_type3A_18 = arith.extui %eq3A_17 : i1 to i32
    %cond3A = arith.constant 0 : i32
    %cond3A_19 = arith.cmpi ne, %convert_element_type3A_18, %cond3A : i32
    scf.if %cond3A_19 {
      %broadcast_in_dim3A = arith.constant 0.000000e+00 : f32
      %broadcast_in_dim3A_25 = vector.broadcast %broadcast_in_dim3A : f32 to vector<80x128xf32>
      %swap3A_26 = arith.constant 0 : index
      %swap3A_27 = arith.constant 0 : index
      %swap3A_28 = vector.load %arg2[%swap3A_26, %swap3A_27] : memref<80x128xf32, #tpu.memory_space<vmem>>, vector<80x128xf32>
      tpu.vector_store %arg2[%swap3A_26, %swap3A_27], %broadcast_in_dim3A_25 {strides = array<i32>} : memref<80x128xf32, #tpu.memory_space<vmem>>, vector<80x128xf32>,
    } else {
    }
    %get3A_20 = arith.constant 0 : index
    %get3A_21 = arith.constant 0 : index
    %get3A_22 = vector.load %arg2[%get3A_20, %get3A_21] : memref<80x128xf32, #tpu.memory_space<vmem>>, vector<80x128xf32>
    %add3A = arith.addf %get3A_22, %dot_general3A_15 : vector<80x128xf32>
    %swap3A = arith.constant 0 : index
    %swap3A_23 = arith.constant 0 : index
    %swap3A_24 = vector.load %arg2[%swap3A, %swap3A_23] : memref<80x128xf32, #tpu.memory_space<vmem>>, vector<80x128xf32>
    tpu.vector_store %arg2[%swap3A, %swap3A_23], %add3A {strides = array<i32>} : memref<80x128xf32, #tpu.memory_space<vmem>>, vector<80x128xf32>,
    return
  }
  func.func @transform_0(%arg0: i32) -> (i32, i32, i32) {
    %c0_i32 = arith.constant 0 : i32
    %c0_i32_0 = arith.constant 0 : i32
    %c0_i32_1 = arith.constant 0 : i32
    return %arg0, %c0_i32, %c0_i32_0 : i32, i32, i32
  }
  func.func @transform_1(%arg0: i32) -> (i32, i32) {
    %c0_i32 = arith.constant 0 : i32
    %c0_i32_0 = arith.constant 0 : i32
    %c0_i32_1 = arith.constant 0 : i32
    return %c0_i32, %c0_i32_0 : i32, i32
  }
}

module attributes {stable_mosaic.version = 14 : i64} {
  func.func @body(%arg0: i32, %arg1: memref<2x1024x128xf32, #tpu.memory_space<vmem>>, %arg2: memref<8x128xf32, #tpu.memory_space<vmem>>, %arg3: memref<1024x128xf32, #tpu.memory_space<vmem>>, %arg4: memref<128x64xf32, #tpu.memory_space<vmem>>, %arg5: memref<1x64xf32, #tpu.memory_space<vmem>>, %arg6: memref<128x64xf32, #tpu.memory_space<vmem>>, %arg7: memref<1024x128xf32, #tpu.memory_space<vmem>>) attributes {dimension_semantics = [#tpu.dimension_semantics<parallel>], iteration_bounds = array<i64: 10>, scalar_prefetch = 0 : i64, scratch_operands = 0 : i64, tpu.core_type = #tpu.core_type<tc>, window_params = [{transform_indices = @transform_0, window_bounds = array<i64: 2, 1024, 128>}, {transform_indices = @transform_1, window_bounds = array<i64: 8, 128>}, {transform_indices = @transform_2, window_bounds = array<i64: 1024, 128>}, {pipeline_mode = #tpu.pipeline_mode<synchronous>, transform_indices = @transform_3, window_bounds = array<i64: 128, 64>}, {pipeline_mode = #tpu.pipeline_mode<synchronous>, transform_indices = @transform_4, window_bounds = array<i64: 1, 64>}, {pipeline_mode = #tpu.pipeline_mode<synchronous>, transform_indices = @transform_5, window_bounds = array<i64: 128, 64>}, {transform_indices = @transform_6, window_bounds = array<i64: 1024, 128>}]} {
    %get3A = arith.constant 0 : index
    %get3A_0 = arith.constant 0 : index
    %get3A_1 = arith.constant 0 : index
    %get3A_2 = vector.load %arg1[%get3A, %get3A_0, %get3A_1] : memref<2x1024x128xf32, #tpu.memory_space<vmem>>, vector<1x1024x128xf32>
    %get3A_3 = vector.shape_cast %get3A_2 : vector<1x1024x128xf32> to vector<1024x128xf32>
    %get3A_4 = arith.constant 1 : index
    %get3A_5 = arith.constant 0 : index
    %get3A_6 = arith.constant 0 : index
    %get3A_7 = vector.load %arg1[%get3A_4, %get3A_5, %get3A_6] : memref<2x1024x128xf32, #tpu.memory_space<vmem>>, vector<1x1024x128xf32>
    %get3A_8 = vector.shape_cast %get3A_7 : vector<1x1024x128xf32> to vector<1024x128xf32>
    %add3A = arith.addf %get3A_3, %get3A_8 : vector<1024x128xf32>
    %iota3A = tpu.iota {dimensions = array<i32: 0>} : vector<1024x8xi32>
    %shift_right_arithmetic3A = arith.constant 7 : i32
    %shift_right_arithmetic3A_9 = vector.broadcast %shift_right_arithmetic3A : i32 to vector<1024x8xi32>
    %shift_right_arithmetic3A_10 = arith.shrsi %iota3A, %shift_right_arithmetic3A_9 : vector<1024x8xi32>
    %iota3A_11 = tpu.iota {dimensions = array<i32: 1>} : vector<1024x8xi32>
    %eq3A = arith.cmpi eq, %shift_right_arithmetic3A_10, %iota3A_11 : vector<1024x8xi32>
    %convert_element_type3A = arith.extui %eq3A : vector<1024x8xi1> to vector<1024x8xi32>
    %convert_element_type3A_12 = arith.sitofp %convert_element_type3A : vector<1024x8xi32> to vector<1024x8xf32>
    %get3A_13 = arith.constant 0 : index
    %get3A_14 = arith.constant 0 : index
    %get3A_15 = vector.load %arg2[%get3A_13, %get3A_14] : memref<8x128xf32, #tpu.memory_space<vmem>>, vector<8x128xf32>
    %dot_general3A = arith.constant dense<0.000000e+00> : vector<1024x128xf32>
    %dot_general3A_16 = tpu.matmul %convert_element_type3A_12, %get3A_15, %dot_general3A {dimension_numbers = #tpu.dot_dimension_numbers<[1], [0], [0], [1], [0, 0, 1, 1], [], []>, transpose_lhs_hint = false} : vector<1024x8xf32>, vector<8x128xf32>, vector<1024x128xf32> -> vector<1024x128xf32>
    %iota3A_17 = tpu.iota {dimensions = array<i32: 0>} : vector<1024x128xi32>
    %and3A = arith.constant 127 : i32
    %and3A_18 = vector.broadcast %and3A : i32 to vector<1024x128xi32>
    %and3A_19 = arith.andi %iota3A_17, %and3A_18 : vector<1024x128xi32>
    %iota3A_20 = tpu.iota {dimensions = array<i32: 1>} : vector<1024x128xi32>
    %eq3A_21 = arith.cmpi eq, %and3A_19, %iota3A_20 : vector<1024x128xi32>
    %convert_element_type3A_22 = arith.extui %eq3A_21 : vector<1024x128xi1> to vector<1024x128xi32>
    %convert_element_type3A_23 = arith.sitofp %convert_element_type3A_22 : vector<1024x128xi32> to vector<1024x128xf32>
    %mul3A = arith.mulf %dot_general3A_16, %convert_element_type3A_23 : vector<1024x128xf32>
    %reduce_sum3A = arith.constant dense<0.000000e+00> : vector<1024xf32>
    %reduce_sum3A_24 = vector.multi_reduction <add>, %mul3A, %reduce_sum3A [1] : vector<1024x128xf32> to vector<1024xf32>
    %broadcast_in_dim3A = vector.shape_cast %reduce_sum3A_24 : vector<1024xf32> to vector<1024x1xf32>
    %max3A = arith.constant 1.000000e+00 : f32
    %max3A_25 = vector.broadcast %max3A : f32 to vector<1024x1xf32>
    %max3A_26 = arith.maximumf %broadcast_in_dim3A, %max3A_25 : vector<1024x1xf32>
    %div3A = vector.broadcast %max3A_26 : vector<1024x1xf32> to vector<1024x128xf32>
    %div3A_27 = arith.divf %add3A, %div3A : vector<1024x128xf32>
    %get3A_28 = arith.constant 0 : index
    %get3A_29 = arith.constant 0 : index
    %get3A_30 = vector.load %arg4[%get3A_28, %get3A_29] : memref<128x64xf32, #tpu.memory_space<vmem>>, vector<128x64xf32>
    %dot_general3A_31 = arith.constant dense<0.000000e+00> : vector<1024x64xf32>
    %dot_general3A_32 = tpu.matmul %div3A_27, %get3A_30, %dot_general3A_31 {dimension_numbers = #tpu.dot_dimension_numbers<[1], [0], [0], [1], [0, 0, 1, 1], [], []>, transpose_lhs_hint = false} : vector<1024x128xf32>, vector<128x64xf32>, vector<1024x64xf32> -> vector<1024x64xf32>
    %get3A_33 = arith.constant 0 : index
    %get3A_34 = arith.constant 0 : index
    %get3A_35 = vector.load %arg3[%get3A_33, %get3A_34] : memref<1024x128xf32, #tpu.memory_space<vmem>>, vector<1024x128xf32>
    %get3A_36 = arith.constant 0 : index
    %get3A_37 = arith.constant 0 : index
    %get3A_38 = vector.load %arg6[%get3A_36, %get3A_37] : memref<128x64xf32, #tpu.memory_space<vmem>>, vector<128x64xf32>
    %dot_general3A_39 = arith.constant dense<0.000000e+00> : vector<1024x64xf32>
    %dot_general3A_40 = tpu.matmul %get3A_35, %get3A_38, %dot_general3A_39 {dimension_numbers = #tpu.dot_dimension_numbers<[1], [0], [0], [1], [0, 0, 1, 1], [], []>, transpose_lhs_hint = false} : vector<1024x128xf32>, vector<128x64xf32>, vector<1024x64xf32> -> vector<1024x64xf32>
    %add3A_41 = arith.addf %dot_general3A_32, %dot_general3A_40 : vector<1024x64xf32>
    %get3A_42 = arith.constant 0 : index
    %get3A_43 = arith.constant 0 : index
    %get3A_44 = vector.load %arg5[%get3A_42, %get3A_43] : memref<1x64xf32, #tpu.memory_space<vmem>>, vector<1x64xf32>
    %add3A_45 = vector.broadcast %get3A_44 : vector<1x64xf32> to vector<1024x64xf32>
    %add3A_46 = arith.addf %add3A_41, %add3A_45 : vector<1024x64xf32>
    %max3A_47 = arith.constant 0.000000e+00 : f32
    %max3A_48 = vector.broadcast %max3A_47 : f32 to vector<1024x64xf32>
    %max3A_49 = arith.maximumf %add3A_46, %max3A_48 : vector<1024x64xf32>
    %broadcast_in_dim3A_50 = arith.constant 0.000000e+00 : f32
    %broadcast_in_dim3A_51 = vector.broadcast %broadcast_in_dim3A_50 : f32 to vector<1024x64xf32>
    %concatenate3A = tpu.concatenate %max3A_49, %broadcast_in_dim3A_51 in 1 : vector<1024x64xf32>, vector<1024x64xf32> -> vector<1024x128xf32>
    %swap3A = arith.constant 0 : index
    %swap3A_52 = arith.constant 0 : index
    %swap3A_53 = vector.load %arg7[%swap3A, %swap3A_52] : memref<1024x128xf32, #tpu.memory_space<vmem>>, vector<1024x128xf32>
    tpu.vector_store %arg7[%swap3A, %swap3A_52], %concatenate3A {strides = array<i32>} : memref<1024x128xf32, #tpu.memory_space<vmem>>, vector<1024x128xf32>,
    return
  }
  func.func @transform_0(%arg0: i32) -> (i32, i32, i32) {
    %c0_i32 = arith.constant 0 : i32
    %c0_i32_0 = arith.constant 0 : i32
    %c0_i32_1 = arith.constant 0 : i32
    return %c0_i32, %arg0, %c0_i32_0 : i32, i32, i32
  }
  func.func @transform_1(%arg0: i32) -> (i32, i32) {
    %c0_i32 = arith.constant 0 : i32
    %c0_i32_0 = arith.constant 0 : i32
    return %arg0, %c0_i32 : i32, i32
  }
  func.func @transform_2(%arg0: i32) -> (i32, i32) {
    %c0_i32 = arith.constant 0 : i32
    %c0_i32_0 = arith.constant 0 : i32
    return %arg0, %c0_i32 : i32, i32
  }
  func.func @transform_3(%arg0: i32) -> (i32, i32) {
    %c0_i32 = arith.constant 0 : i32
    %c0_i32_0 = arith.constant 0 : i32
    %c0_i32_1 = arith.constant 0 : i32
    return %c0_i32, %c0_i32_0 : i32, i32
  }
  func.func @transform_4(%arg0: i32) -> (i32, i32) {
    %c0_i32 = arith.constant 0 : i32
    %c0_i32_0 = arith.constant 0 : i32
    %c0_i32_1 = arith.constant 0 : i32
    return %c0_i32, %c0_i32_0 : i32, i32
  }
  func.func @transform_5(%arg0: i32) -> (i32, i32) {
    %c0_i32 = arith.constant 0 : i32
    %c0_i32_0 = arith.constant 0 : i32
    %c0_i32_1 = arith.constant 0 : i32
    return %c0_i32, %c0_i32_0 : i32, i32
  }
  func.func @transform_6(%arg0: i32) -> (i32, i32) {
    %c0_i32 = arith.constant 0 : i32
    %c0_i32_0 = arith.constant 0 : i32
    return %arg0, %c0_i32 : i32, i32
  }
}

module attributes {stable_mosaic.version = 14 : i64} {
  func.func @body(%arg0: i32, %arg1: memref<2x1024x128xf32, #tpu.memory_space<vmem>>, %arg2: memref<8x128xf32, #tpu.memory_space<vmem>>, %arg3: memref<1024x128xf32, #tpu.memory_space<vmem>>, %arg4: memref<128x64xf32, #tpu.memory_space<vmem>>, %arg5: memref<1x64xf32, #tpu.memory_space<vmem>>, %arg6: memref<128x64xf32, #tpu.memory_space<vmem>>, %arg7: memref<1024x64xf32, #tpu.memory_space<vmem>>) attributes {dimension_semantics = [#tpu.dimension_semantics<parallel>], iteration_bounds = array<i64: 10>, scalar_prefetch = 0 : i64, scratch_operands = 0 : i64, tpu.core_type = #tpu.core_type<tc>, window_params = [{transform_indices = @transform_0, window_bounds = array<i64: 2, 1024, 128>}, {transform_indices = @transform_1, window_bounds = array<i64: 8, 128>}, {transform_indices = @transform_2, window_bounds = array<i64: 1024, 128>}, {pipeline_mode = #tpu.pipeline_mode<synchronous>, transform_indices = @transform_3, window_bounds = array<i64: 128, 64>}, {pipeline_mode = #tpu.pipeline_mode<synchronous>, transform_indices = @transform_4, window_bounds = array<i64: 1, 64>}, {pipeline_mode = #tpu.pipeline_mode<synchronous>, transform_indices = @transform_5, window_bounds = array<i64: 128, 64>}, {transform_indices = @transform_6, window_bounds = array<i64: 1024, 64>}]} {
    %get3A = arith.constant 0 : index
    %get3A_0 = arith.constant 0 : index
    %get3A_1 = arith.constant 0 : index
    %get3A_2 = vector.load %arg1[%get3A, %get3A_0, %get3A_1] : memref<2x1024x128xf32, #tpu.memory_space<vmem>>, vector<1x1024x128xf32>
    %get3A_3 = vector.shape_cast %get3A_2 : vector<1x1024x128xf32> to vector<1024x128xf32>
    %get3A_4 = arith.constant 1 : index
    %get3A_5 = arith.constant 0 : index
    %get3A_6 = arith.constant 0 : index
    %get3A_7 = vector.load %arg1[%get3A_4, %get3A_5, %get3A_6] : memref<2x1024x128xf32, #tpu.memory_space<vmem>>, vector<1x1024x128xf32>
    %get3A_8 = vector.shape_cast %get3A_7 : vector<1x1024x128xf32> to vector<1024x128xf32>
    %add3A = arith.addf %get3A_3, %get3A_8 : vector<1024x128xf32>
    %iota3A = tpu.iota {dimensions = array<i32: 0>} : vector<1024x8xi32>
    %shift_right_arithmetic3A = arith.constant 7 : i32
    %shift_right_arithmetic3A_9 = vector.broadcast %shift_right_arithmetic3A : i32 to vector<1024x8xi32>
    %shift_right_arithmetic3A_10 = arith.shrsi %iota3A, %shift_right_arithmetic3A_9 : vector<1024x8xi32>
    %iota3A_11 = tpu.iota {dimensions = array<i32: 1>} : vector<1024x8xi32>
    %eq3A = arith.cmpi eq, %shift_right_arithmetic3A_10, %iota3A_11 : vector<1024x8xi32>
    %convert_element_type3A = arith.extui %eq3A : vector<1024x8xi1> to vector<1024x8xi32>
    %convert_element_type3A_12 = arith.sitofp %convert_element_type3A : vector<1024x8xi32> to vector<1024x8xf32>
    %get3A_13 = arith.constant 0 : index
    %get3A_14 = arith.constant 0 : index
    %get3A_15 = vector.load %arg2[%get3A_13, %get3A_14] : memref<8x128xf32, #tpu.memory_space<vmem>>, vector<8x128xf32>
    %dot_general3A = arith.constant dense<0.000000e+00> : vector<1024x128xf32>
    %dot_general3A_16 = tpu.matmul %convert_element_type3A_12, %get3A_15, %dot_general3A {dimension_numbers = #tpu.dot_dimension_numbers<[1], [0], [0], [1], [0, 0, 1, 1], [], []>, transpose_lhs_hint = false} : vector<1024x8xf32>, vector<8x128xf32>, vector<1024x128xf32> -> vector<1024x128xf32>
    %iota3A_17 = tpu.iota {dimensions = array<i32: 0>} : vector<1024x128xi32>
    %and3A = arith.constant 127 : i32
    %and3A_18 = vector.broadcast %and3A : i32 to vector<1024x128xi32>
    %and3A_19 = arith.andi %iota3A_17, %and3A_18 : vector<1024x128xi32>
    %iota3A_20 = tpu.iota {dimensions = array<i32: 1>} : vector<1024x128xi32>
    %eq3A_21 = arith.cmpi eq, %and3A_19, %iota3A_20 : vector<1024x128xi32>
    %convert_element_type3A_22 = arith.extui %eq3A_21 : vector<1024x128xi1> to vector<1024x128xi32>
    %convert_element_type3A_23 = arith.sitofp %convert_element_type3A_22 : vector<1024x128xi32> to vector<1024x128xf32>
    %mul3A = arith.mulf %dot_general3A_16, %convert_element_type3A_23 : vector<1024x128xf32>
    %reduce_sum3A = arith.constant dense<0.000000e+00> : vector<1024xf32>
    %reduce_sum3A_24 = vector.multi_reduction <add>, %mul3A, %reduce_sum3A [1] : vector<1024x128xf32> to vector<1024xf32>
    %broadcast_in_dim3A = vector.shape_cast %reduce_sum3A_24 : vector<1024xf32> to vector<1024x1xf32>
    %max3A = arith.constant 1.000000e+00 : f32
    %max3A_25 = vector.broadcast %max3A : f32 to vector<1024x1xf32>
    %max3A_26 = arith.maximumf %broadcast_in_dim3A, %max3A_25 : vector<1024x1xf32>
    %div3A = vector.broadcast %max3A_26 : vector<1024x1xf32> to vector<1024x128xf32>
    %div3A_27 = arith.divf %add3A, %div3A : vector<1024x128xf32>
    %get3A_28 = arith.constant 0 : index
    %get3A_29 = arith.constant 0 : index
    %get3A_30 = vector.load %arg4[%get3A_28, %get3A_29] : memref<128x64xf32, #tpu.memory_space<vmem>>, vector<128x64xf32>
    %dot_general3A_31 = arith.constant dense<0.000000e+00> : vector<1024x64xf32>
    %dot_general3A_32 = tpu.matmul %div3A_27, %get3A_30, %dot_general3A_31 {dimension_numbers = #tpu.dot_dimension_numbers<[1], [0], [0], [1], [0, 0, 1, 1], [], []>, transpose_lhs_hint = false} : vector<1024x128xf32>, vector<128x64xf32>, vector<1024x64xf32> -> vector<1024x64xf32>
    %get3A_33 = arith.constant 0 : index
    %get3A_34 = arith.constant 0 : index
    %get3A_35 = vector.load %arg3[%get3A_33, %get3A_34] : memref<1024x128xf32, #tpu.memory_space<vmem>>, vector<1024x128xf32>
    %get3A_36 = arith.constant 0 : index
    %get3A_37 = arith.constant 0 : index
    %get3A_38 = vector.load %arg6[%get3A_36, %get3A_37] : memref<128x64xf32, #tpu.memory_space<vmem>>, vector<128x64xf32>
    %dot_general3A_39 = arith.constant dense<0.000000e+00> : vector<1024x64xf32>
    %dot_general3A_40 = tpu.matmul %get3A_35, %get3A_38, %dot_general3A_39 {dimension_numbers = #tpu.dot_dimension_numbers<[1], [0], [0], [1], [0, 0, 1, 1], [], []>, transpose_lhs_hint = false} : vector<1024x128xf32>, vector<128x64xf32>, vector<1024x64xf32> -> vector<1024x64xf32>
    %add3A_41 = arith.addf %dot_general3A_32, %dot_general3A_40 : vector<1024x64xf32>
    %get3A_42 = arith.constant 0 : index
    %get3A_43 = arith.constant 0 : index
    %get3A_44 = vector.load %arg5[%get3A_42, %get3A_43] : memref<1x64xf32, #tpu.memory_space<vmem>>, vector<1x64xf32>
    %add3A_45 = vector.broadcast %get3A_44 : vector<1x64xf32> to vector<1024x64xf32>
    %add3A_46 = arith.addf %add3A_41, %add3A_45 : vector<1024x64xf32>
    %max3A_47 = arith.constant 0.000000e+00 : f32
    %max3A_48 = vector.broadcast %max3A_47 : f32 to vector<1024x64xf32>
    %max3A_49 = arith.maximumf %add3A_46, %max3A_48 : vector<1024x64xf32>
    %swap3A = arith.constant 0 : index
    %swap3A_50 = arith.constant 0 : index
    %swap3A_51 = vector.load %arg7[%swap3A, %swap3A_50] : memref<1024x64xf32, #tpu.memory_space<vmem>>, vector<1024x64xf32>
    tpu.vector_store %arg7[%swap3A, %swap3A_50], %max3A_49 {strides = array<i32>} : memref<1024x64xf32, #tpu.memory_space<vmem>>, vector<1024x64xf32>,
    return
  }
  func.func @transform_0(%arg0: i32) -> (i32, i32, i32) {
    %c0_i32 = arith.constant 0 : i32
    %c0_i32_0 = arith.constant 0 : i32
    %c0_i32_1 = arith.constant 0 : i32
    return %c0_i32, %arg0, %c0_i32_0 : i32, i32, i32
  }
  func.func @transform_1(%arg0: i32) -> (i32, i32) {
    %c0_i32 = arith.constant 0 : i32
    %c0_i32_0 = arith.constant 0 : i32
    return %arg0, %c0_i32 : i32, i32
  }
  func.func @transform_2(%arg0: i32) -> (i32, i32) {
    %c0_i32 = arith.constant 0 : i32
    %c0_i32_0 = arith.constant 0 : i32
    return %arg0, %c0_i32 : i32, i32
  }
  func.func @transform_3(%arg0: i32) -> (i32, i32) {
    %c0_i32 = arith.constant 0 : i32
    %c0_i32_0 = arith.constant 0 : i32
    %c0_i32_1 = arith.constant 0 : i32
    return %c0_i32, %c0_i32_0 : i32, i32
  }
  func.func @transform_4(%arg0: i32) -> (i32, i32) {
    %c0_i32 = arith.constant 0 : i32
    %c0_i32_0 = arith.constant 0 : i32
    %c0_i32_1 = arith.constant 0 : i32
    return %c0_i32, %c0_i32_0 : i32, i32
  }
  func.func @transform_5(%arg0: i32) -> (i32, i32) {
    %c0_i32 = arith.constant 0 : i32
    %c0_i32_0 = arith.constant 0 : i32
    %c0_i32_1 = arith.constant 0 : i32
    return %c0_i32, %c0_i32_0 : i32, i32
  }
  func.func @transform_6(%arg0: i32) -> (i32, i32) {
    %c0_i32 = arith.constant 0 : i32
    %c0_i32_0 = arith.constant 0 : i32
    return %arg0, %c0_i32 : i32, i32
  }
}

module attributes {stable_mosaic.version = 14 : i64} {
  func.func @body(%arg0: memref<10000x64xf32, #tpu.memory_space<vmem>>, %arg1: memref<1x10000xi32, #tpu.memory_space<vmem>>, %arg2: memref<64x8xf32, #tpu.memory_space<vmem>>, %arg3: memref<1x8xf32, #tpu.memory_space<vmem>>, %arg4: memref<4x8xf32, #tpu.memory_space<vmem>>, %arg5: memref<8x2xf32, #tpu.memory_space<vmem>>, %arg6: memref<1x2xf32, #tpu.memory_space<vmem>>, %arg7: memref<64x2xf32, #tpu.memory_space<vmem>>) attributes {dimension_semantics = [], scalar_prefetch = 0 : i64, scratch_operands = 0 : i64, tpu.core_type = #tpu.core_type<tc>} {
    %get3A = arith.constant 0 : index
    %get3A_0 = arith.constant 0 : index
    %get3A_1 = vector.load %arg0[%get3A, %get3A_0] : memref<10000x64xf32, #tpu.memory_space<vmem>>, vector<10000x64xf32>
    %get3A_2 = arith.constant 0 : index
    %get3A_3 = arith.constant 0 : index
    %get3A_4 = vector.load %arg1[%get3A_2, %get3A_3] : memref<1x10000xi32, #tpu.memory_space<vmem>>, vector<1x10000xi32>
    %iota3A = tpu.iota {dimensions = array<i32: 0>} : vector<64x10000xi32>
    %eq3A = vector.broadcast %get3A_4 : vector<1x10000xi32> to vector<64x10000xi32>
    %eq3A_5 = arith.cmpi eq, %eq3A, %iota3A : vector<64x10000xi32>
    %convert_element_type3A = arith.extui %eq3A_5 : vector<64x10000xi1> to vector<64x10000xi32>
    %convert_element_type3A_6 = arith.sitofp %convert_element_type3A : vector<64x10000xi32> to vector<64x10000xf32>
    %dot_general3A = arith.constant dense<0.000000e+00> : vector<64x64xf32>
    %dot_general3A_7 = tpu.matmul %convert_element_type3A_6, %get3A_1, %dot_general3A {dimension_numbers = #tpu.dot_dimension_numbers<[1], [0], [0], [1], [0, 0, 1, 1], [], []>, precision = #tpu.contract_precision<fp32>, transpose_lhs_hint = false} : vector<64x10000xf32>, vector<10000x64xf32>, vector<64x64xf32> -> vector<64x64xf32>
    %reduce_sum3A = arith.constant dense<0.000000e+00> : vector<64xf32>
    %reduce_sum3A_8 = vector.multi_reduction <add>, %convert_element_type3A_6, %reduce_sum3A [1] : vector<64x10000xf32> to vector<64xf32>
    %broadcast_in_dim3A = vector.shape_cast %reduce_sum3A_8 : vector<64xf32> to vector<64x1xf32>
    %max3A = arith.constant 1.000000e+00 : f32
    %max3A_9 = vector.broadcast %max3A : f32 to vector<64x1xf32>
    %max3A_10 = arith.maximumf %broadcast_in_dim3A, %max3A_9 : vector<64x1xf32>
    %div3A = vector.broadcast %max3A_10 : vector<64x1xf32> to vector<64x64xf32>
    %div3A_11 = arith.divf %dot_general3A_7, %div3A : vector<64x64xf32>
    %get3A_12 = arith.constant 0 : index
    %get3A_13 = arith.constant 0 : index
    %get3A_14 = vector.load %arg2[%get3A_12, %get3A_13] : memref<64x8xf32, #tpu.memory_space<vmem>>, vector<64x8xf32>
    %dot_general3A_15 = arith.constant dense<0.000000e+00> : vector<64x8xf32>
    %dot_general3A_16 = tpu.matmul %div3A_11, %get3A_14, %dot_general3A_15 {dimension_numbers = #tpu.dot_dimension_numbers<[1], [0], [0], [1], [0, 0, 1, 1], [], []>, precision = #tpu.contract_precision<fp32>, transpose_lhs_hint = false} : vector<64x64xf32>, vector<64x8xf32>, vector<64x8xf32> -> vector<64x8xf32>
    %get3A_17 = arith.constant 0 : index
    %get3A_18 = arith.constant 0 : index
    %get3A_19 = vector.load %arg3[%get3A_17, %get3A_18] : memref<1x8xf32, #tpu.memory_space<vmem>>, vector<1x8xf32>
    %add3A = vector.broadcast %get3A_19 : vector<1x8xf32> to vector<64x8xf32>
    %add3A_20 = arith.addf %dot_general3A_16, %add3A : vector<64x8xf32>
    %tanh3A = math.tanh %add3A_20 : vector<64x8xf32>
    %mul3A = arith.constant 3.14159274 : f32
    %mul3A_21 = vector.broadcast %mul3A : f32 to vector<64x8xf32>
    %mul3A_22 = arith.mulf %tanh3A, %mul3A_21 : vector<64x8xf32>
    %mul3A_23 = arith.constant 5.000000e-01 : f32
    %mul3A_24 = vector.broadcast %mul3A_23 : f32 to vector<64x8xf32>
    %mul3A_25 = arith.mulf %mul3A_22, %mul3A_24 : vector<64x8xf32>
    %cos3A = math.cos %mul3A_25 : vector<64x8xf32>
    %sin3A = math.sin %mul3A_25 : vector<64x8xf32>
    %iota3A_26 = tpu.iota {dimensions = array<i32: 0>} : vector<256x256xi32>
    %iota3A_27 = tpu.iota {dimensions = array<i32: 1>} : vector<256x256xi32>
    %xor3A = arith.constant 128 : i32
    %xor3A_28 = vector.broadcast %xor3A : i32 to vector<256x256xi32>
    %xor3A_29 = arith.xori %iota3A_27, %xor3A_28 : vector<256x256xi32>
    %eq3A_30 = arith.cmpi eq, %iota3A_26, %xor3A_29 : vector<256x256xi32>
    %convert_element_type3A_31 = arith.extui %eq3A_30 : vector<256x256xi1> to vector<256x256xi32>
    %convert_element_type3A_32 = arith.sitofp %convert_element_type3A_31 : vector<256x256xi32> to vector<256x256xf32>
    %xor3A_33 = arith.constant 64 : i32
    %xor3A_34 = vector.broadcast %xor3A_33 : i32 to vector<256x256xi32>
    %xor3A_35 = arith.xori %iota3A_27, %xor3A_34 : vector<256x256xi32>
    %eq3A_36 = arith.cmpi eq, %iota3A_26, %xor3A_35 : vector<256x256xi32>
    %convert_element_type3A_37 = arith.extui %eq3A_36 : vector<256x256xi1> to vector<256x256xi32>
    %convert_element_type3A_38 = arith.sitofp %convert_element_type3A_37 : vector<256x256xi32> to vector<256x256xf32>
    %xor3A_39 = arith.constant 32 : i32
    %xor3A_40 = vector.broadcast %xor3A_39 : i32 to vector<256x256xi32>
    %xor3A_41 = arith.xori %iota3A_27, %xor3A_40 : vector<256x256xi32>
    %eq3A_42 = arith.cmpi eq, %iota3A_26, %xor3A_41 : vector<256x256xi32>
    %convert_element_type3A_43 = arith.extui %eq3A_42 : vector<256x256xi1> to vector<256x256xi32>
    %convert_element_type3A_44 = arith.sitofp %convert_element_type3A_43 : vector<256x256xi32> to vector<256x256xf32>
    %xor3A_45 = arith.constant 16 : i32
    %xor3A_46 = vector.broadcast %xor3A_45 : i32 to vector<256x256xi32>
    %xor3A_47 = arith.xori %iota3A_27, %xor3A_46 : vector<256x256xi32>
    %eq3A_48 = arith.cmpi eq, %iota3A_26, %xor3A_47 : vector<256x256xi32>
    %convert_element_type3A_49 = arith.extui %eq3A_48 : vector<256x256xi1> to vector<256x256xi32>
    %convert_element_type3A_50 = arith.sitofp %convert_element_type3A_49 : vector<256x256xi32> to vector<256x256xf32>
    %xor3A_51 = arith.constant 8 : i32
    %xor3A_52 = vector.broadcast %xor3A_51 : i32 to vector<256x256xi32>
    %xor3A_53 = arith.xori %iota3A_27, %xor3A_52 : vector<256x256xi32>
    %eq3A_54 = arith.cmpi eq, %iota3A_26, %xor3A_53 : vector<256x256xi32>
    %convert_element_type3A_55 = arith.extui %eq3A_54 : vector<256x256xi1> to vector<256x256xi32>
    %convert_element_type3A_56 = arith.sitofp %convert_element_type3A_55 : vector<256x256xi32> to vector<256x256xf32>
    %xor3A_57 = arith.constant 4 : i32
    %xor3A_58 = vector.broadcast %xor3A_57 : i32 to vector<256x256xi32>
    %xor3A_59 = arith.xori %iota3A_27, %xor3A_58 : vector<256x256xi32>
    %eq3A_60 = arith.cmpi eq, %iota3A_26, %xor3A_59 : vector<256x256xi32>
    %convert_element_type3A_61 = arith.extui %eq3A_60 : vector<256x256xi1> to vector<256x256xi32>
    %convert_element_type3A_62 = arith.sitofp %convert_element_type3A_61 : vector<256x256xi32> to vector<256x256xf32>
    %xor3A_63 = arith.constant 2 : i32
    %xor3A_64 = vector.broadcast %xor3A_63 : i32 to vector<256x256xi32>
    %xor3A_65 = arith.xori %iota3A_27, %xor3A_64 : vector<256x256xi32>
    %eq3A_66 = arith.cmpi eq, %iota3A_26, %xor3A_65 : vector<256x256xi32>
    %convert_element_type3A_67 = arith.extui %eq3A_66 : vector<256x256xi1> to vector<256x256xi32>
    %convert_element_type3A_68 = arith.sitofp %convert_element_type3A_67 : vector<256x256xi32> to vector<256x256xf32>
    %xor3A_69 = arith.constant 1 : i32
    %xor3A_70 = vector.broadcast %xor3A_69 : i32 to vector<256x256xi32>
    %xor3A_71 = arith.xori %iota3A_27, %xor3A_70 : vector<256x256xi32>
    %eq3A_72 = arith.cmpi eq, %iota3A_26, %xor3A_71 : vector<256x256xi32>
    %convert_element_type3A_73 = arith.extui %eq3A_72 : vector<256x256xi1> to vector<256x256xi32>
    %convert_element_type3A_74 = arith.sitofp %convert_element_type3A_73 : vector<256x256xi32> to vector<256x256xf32>
    %shift_right_arithmetic3A = arith.constant 7 : i32
    %shift_right_arithmetic3A_75 = vector.broadcast %shift_right_arithmetic3A : i32 to vector<256x256xi32>
    %shift_right_arithmetic3A_76 = arith.shrsi %iota3A_27, %shift_right_arithmetic3A_75 : vector<256x256xi32>
    %and3A = arith.constant 1 : i32
    %and3A_77 = vector.broadcast %and3A : i32 to vector<256x256xi32>
    %and3A_78 = arith.andi %shift_right_arithmetic3A_76, %and3A_77 : vector<256x256xi32>
    %mul3A_79 = arith.constant 64 : i32
    %mul3A_80 = vector.broadcast %mul3A_79 : i32 to vector<256x256xi32>
    %mul3A_81 = arith.muli %and3A_78, %mul3A_80 : vector<256x256xi32>
    %xor3A_82 = arith.xori %iota3A_27, %mul3A_81 : vector<256x256xi32>
    %eq3A_83 = arith.cmpi eq, %iota3A_26, %xor3A_82 : vector<256x256xi32>
    %convert_element_type3A_84 = arith.extui %eq3A_83 : vector<256x256xi1> to vector<256x256xi32>
    %convert_element_type3A_85 = arith.sitofp %convert_element_type3A_84 : vector<256x256xi32> to vector<256x256xf32>
    %shift_right_arithmetic3A_86 = arith.constant 6 : i32
    %shift_right_arithmetic3A_87 = vector.broadcast %shift_right_arithmetic3A_86 : i32 to vector<256x256xi32>
    %shift_right_arithmetic3A_88 = arith.shrsi %iota3A_27, %shift_right_arithmetic3A_87 : vector<256x256xi32>
    %and3A_89 = arith.constant 1 : i32
    %and3A_90 = vector.broadcast %and3A_89 : i32 to vector<256x256xi32>
    %and3A_91 = arith.andi %shift_right_arithmetic3A_88, %and3A_90 : vector<256x256xi32>
    %mul3A_92 = arith.constant 32 : i32
    %mul3A_93 = vector.broadcast %mul3A_92 : i32 to vector<256x256xi32>
    %mul3A_94 = arith.muli %and3A_91, %mul3A_93 : vector<256x256xi32>
    %xor3A_95 = arith.xori %iota3A_27, %mul3A_94 : vector<256x256xi32>
    %eq3A_96 = arith.cmpi eq, %iota3A_26, %xor3A_95 : vector<256x256xi32>
    %convert_element_type3A_97 = arith.extui %eq3A_96 : vector<256x256xi1> to vector<256x256xi32>
    %convert_element_type3A_98 = arith.sitofp %convert_element_type3A_97 : vector<256x256xi32> to vector<256x256xf32>
    %shift_right_arithmetic3A_99 = arith.constant 5 : i32
    %shift_right_arithmetic3A_100 = vector.broadcast %shift_right_arithmetic3A_99 : i32 to vector<256x256xi32>
    %shift_right_arithmetic3A_101 = arith.shrsi %iota3A_27, %shift_right_arithmetic3A_100 : vector<256x256xi32>
    %and3A_102 = arith.constant 1 : i32
    %and3A_103 = vector.broadcast %and3A_102 : i32 to vector<256x256xi32>
    %and3A_104 = arith.andi %shift_right_arithmetic3A_101, %and3A_103 : vector<256x256xi32>
    %mul3A_105 = arith.constant 16 : i32
    %mul3A_106 = vector.broadcast %mul3A_105 : i32 to vector<256x256xi32>
    %mul3A_107 = arith.muli %and3A_104, %mul3A_106 : vector<256x256xi32>
    %xor3A_108 = arith.xori %iota3A_27, %mul3A_107 : vector<256x256xi32>
    %eq3A_109 = arith.cmpi eq, %iota3A_26, %xor3A_108 : vector<256x256xi32>
    %convert_element_type3A_110 = arith.extui %eq3A_109 : vector<256x256xi1> to vector<256x256xi32>
    %convert_element_type3A_111 = arith.sitofp %convert_element_type3A_110 : vector<256x256xi32> to vector<256x256xf32>
    %shift_right_arithmetic3A_112 = arith.constant 4 : i32
    %shift_right_arithmetic3A_113 = vector.broadcast %shift_right_arithmetic3A_112 : i32 to vector<256x256xi32>
    %shift_right_arithmetic3A_114 = arith.shrsi %iota3A_27, %shift_right_arithmetic3A_113 : vector<256x256xi32>
    %and3A_115 = arith.constant 1 : i32
    %and3A_116 = vector.broadcast %and3A_115 : i32 to vector<256x256xi32>
    %and3A_117 = arith.andi %shift_right_arithmetic3A_114, %and3A_116 : vector<256x256xi32>
    %mul3A_118 = arith.constant 8 : i32
    %mul3A_119 = vector.broadcast %mul3A_118 : i32 to vector<256x256xi32>
    %mul3A_120 = arith.muli %and3A_117, %mul3A_119 : vector<256x256xi32>
    %xor3A_121 = arith.xori %iota3A_27, %mul3A_120 : vector<256x256xi32>
    %eq3A_122 = arith.cmpi eq, %iota3A_26, %xor3A_121 : vector<256x256xi32>
    %convert_element_type3A_123 = arith.extui %eq3A_122 : vector<256x256xi1> to vector<256x256xi32>
    %convert_element_type3A_124 = arith.sitofp %convert_element_type3A_123 : vector<256x256xi32> to vector<256x256xf32>
    %shift_right_arithmetic3A_125 = arith.constant 3 : i32
    %shift_right_arithmetic3A_126 = vector.broadcast %shift_right_arithmetic3A_125 : i32 to vector<256x256xi32>
    %shift_right_arithmetic3A_127 = arith.shrsi %iota3A_27, %shift_right_arithmetic3A_126 : vector<256x256xi32>
    %and3A_128 = arith.constant 1 : i32
    %and3A_129 = vector.broadcast %and3A_128 : i32 to vector<256x256xi32>
    %and3A_130 = arith.andi %shift_right_arithmetic3A_127, %and3A_129 : vector<256x256xi32>
    %mul3A_131 = arith.constant 4 : i32
    %mul3A_132 = vector.broadcast %mul3A_131 : i32 to vector<256x256xi32>
    %mul3A_133 = arith.muli %and3A_130, %mul3A_132 : vector<256x256xi32>
    %xor3A_134 = arith.xori %iota3A_27, %mul3A_133 : vector<256x256xi32>
    %eq3A_135 = arith.cmpi eq, %iota3A_26, %xor3A_134 : vector<256x256xi32>
    %convert_element_type3A_136 = arith.extui %eq3A_135 : vector<256x256xi1> to vector<256x256xi32>
    %convert_element_type3A_137 = arith.sitofp %convert_element_type3A_136 : vector<256x256xi32> to vector<256x256xf32>
    %shift_right_arithmetic3A_138 = arith.constant 2 : i32
    %shift_right_arithmetic3A_139 = vector.broadcast %shift_right_arithmetic3A_138 : i32 to vector<256x256xi32>
    %shift_right_arithmetic3A_140 = arith.shrsi %iota3A_27, %shift_right_arithmetic3A_139 : vector<256x256xi32>
    %and3A_141 = arith.constant 1 : i32
    %and3A_142 = vector.broadcast %and3A_141 : i32 to vector<256x256xi32>
    %and3A_143 = arith.andi %shift_right_arithmetic3A_140, %and3A_142 : vector<256x256xi32>
    %mul3A_144 = arith.constant 2 : i32
    %mul3A_145 = vector.broadcast %mul3A_144 : i32 to vector<256x256xi32>
    %mul3A_146 = arith.muli %and3A_143, %mul3A_145 : vector<256x256xi32>
    %xor3A_147 = arith.xori %iota3A_27, %mul3A_146 : vector<256x256xi32>
    %eq3A_148 = arith.cmpi eq, %iota3A_26, %xor3A_147 : vector<256x256xi32>
    %convert_element_type3A_149 = arith.extui %eq3A_148 : vector<256x256xi1> to vector<256x256xi32>
    %convert_element_type3A_150 = arith.sitofp %convert_element_type3A_149 : vector<256x256xi32> to vector<256x256xf32>
    %shift_right_arithmetic3A_151 = arith.constant 1 : i32
    %shift_right_arithmetic3A_152 = vector.broadcast %shift_right_arithmetic3A_151 : i32 to vector<256x256xi32>
    %shift_right_arithmetic3A_153 = arith.shrsi %iota3A_27, %shift_right_arithmetic3A_152 : vector<256x256xi32>
    %and3A_154 = arith.constant 1 : i32
    %and3A_155 = vector.broadcast %and3A_154 : i32 to vector<256x256xi32>
    %and3A_156 = arith.andi %shift_right_arithmetic3A_153, %and3A_155 : vector<256x256xi32>
    %mul3A_157 = arith.constant 1 : i32
    %mul3A_158 = vector.broadcast %mul3A_157 : i32 to vector<256x256xi32>
    %mul3A_159 = arith.muli %and3A_156, %mul3A_158 : vector<256x256xi32>
    %xor3A_160 = arith.xori %iota3A_27, %mul3A_159 : vector<256x256xi32>
    %eq3A_161 = arith.cmpi eq, %iota3A_26, %xor3A_160 : vector<256x256xi32>
    %convert_element_type3A_162 = arith.extui %eq3A_161 : vector<256x256xi1> to vector<256x256xi32>
    %convert_element_type3A_163 = arith.sitofp %convert_element_type3A_162 : vector<256x256xi32> to vector<256x256xf32>
    %shift_right_arithmetic3A_164 = arith.constant 0 : i32
    %shift_right_arithmetic3A_165 = vector.broadcast %shift_right_arithmetic3A_164 : i32 to vector<256x256xi32>
    %shift_right_arithmetic3A_166 = arith.shrsi %iota3A_27, %shift_right_arithmetic3A_165 : vector<256x256xi32>
    %and3A_167 = arith.constant 1 : i32
    %and3A_168 = vector.broadcast %and3A_167 : i32 to vector<256x256xi32>
    %and3A_169 = arith.andi %shift_right_arithmetic3A_166, %and3A_168 : vector<256x256xi32>
    %mul3A_170 = arith.constant 128 : i32
    %mul3A_171 = vector.broadcast %mul3A_170 : i32 to vector<256x256xi32>
    %mul3A_172 = arith.muli %and3A_169, %mul3A_171 : vector<256x256xi32>
    %xor3A_173 = arith.xori %iota3A_27, %mul3A_172 : vector<256x256xi32>
    %eq3A_174 = arith.cmpi eq, %iota3A_26, %xor3A_173 : vector<256x256xi32>
    %convert_element_type3A_175 = arith.extui %eq3A_174 : vector<256x256xi1> to vector<256x256xi32>
    %convert_element_type3A_176 = arith.sitofp %convert_element_type3A_175 : vector<256x256xi32> to vector<256x256xf32>
    %iota3A_177 = tpu.iota {dimensions = array<i32: 1>} : vector<64x256xi32>
    %eq3A_178 = arith.constant 0 : i32
    %eq3A_179 = vector.broadcast %eq3A_178 : i32 to vector<64x256xi32>
    %eq3A_180 = arith.cmpi eq, %iota3A_177, %eq3A_179 : vector<64x256xi32>
    %convert_element_type3A_181 = arith.extui %eq3A_180 : vector<64x256xi1> to vector<64x256xi32>
    %convert_element_type3A_182 = arith.sitofp %convert_element_type3A_181 : vector<64x256xi32> to vector<64x256xf32>
    %broadcast_in_dim3A_183 = arith.constant 0.000000e+00 : f32
    %broadcast_in_dim3A_184 = vector.broadcast %broadcast_in_dim3A_183 : f32 to vector<64x256xf32>
    %slice3A = vector.extract_strided_slice %cos3A {offsets = [0, 0], sizes = [64, 1], strides = [1, 1]} : vector<64x8xf32> to vector<64x1xf32>
    %slice3A_185 = vector.extract_strided_slice %sin3A {offsets = [0, 0], sizes = [64, 1], strides = [1, 1]} : vector<64x8xf32> to vector<64x1xf32>
    %dot_general3A_186 = arith.constant dense<0.000000e+00> : vector<64x256xf32>
    %dot_general3A_187 = tpu.matmul %convert_element_type3A_182, %convert_element_type3A_32, %dot_general3A_186 {dimension_numbers = #tpu.dot_dimension_numbers<[1], [0], [0], [1], [0, 0, 1, 1], [], []>, precision = #tpu.contract_precision<fp32>, transpose_lhs_hint = false} : vector<64x256xf32>, vector<256x256xf32>, vector<64x256xf32> -> vector<64x256xf32>
    %dot_general3A_188 = arith.constant dense<0.000000e+00> : vector<64x256xf32>
    %dot_general3A_189 = tpu.matmul %broadcast_in_dim3A_184, %convert_element_type3A_32, %dot_general3A_188 {dimension_numbers = #tpu.dot_dimension_numbers<[1], [0], [0], [1], [0, 0, 1, 1], [], []>, precision = #tpu.contract_precision<fp32>, transpose_lhs_hint = false} : vector<64x256xf32>, vector<256x256xf32>, vector<64x256xf32> -> vector<64x256xf32>
    %mul3A_190 = vector.broadcast %slice3A : vector<64x1xf32> to vector<64x256xf32>
    %mul3A_191 = arith.mulf %mul3A_190, %convert_element_type3A_182 : vector<64x256xf32>
    %mul3A_192 = vector.broadcast %slice3A_185 : vector<64x1xf32> to vector<64x256xf32>
    %mul3A_193 = arith.mulf %mul3A_192, %dot_general3A_189 : vector<64x256xf32>
    %add3A_194 = arith.addf %mul3A_191, %mul3A_193 : vector<64x256xf32>
    %mul3A_195 = vector.broadcast %slice3A : vector<64x1xf32> to vector<64x256xf32>
    %mul3A_196 = arith.mulf %mul3A_195, %broadcast_in_dim3A_184 : vector<64x256xf32>
    %mul3A_197 = vector.broadcast %slice3A_185 : vector<64x1xf32> to vector<64x256xf32>
    %mul3A_198 = arith.mulf %mul3A_197, %dot_general3A_187 : vector<64x256xf32>
    %sub3A = arith.subf %mul3A_196, %mul3A_198 : vector<64x256xf32>
    %slice3A_199 = vector.extract_strided_slice %cos3A {offsets = [0, 1], sizes = [64, 1], strides = [1, 1]} : vector<64x8xf32> to vector<64x1xf32>
    %slice3A_200 = vector.extract_strided_slice %sin3A {offsets = [0, 1], sizes = [64, 1], strides = [1, 1]} : vector<64x8xf32> to vector<64x1xf32>
    %dot_general3A_201 = arith.constant dense<0.000000e+00> : vector<64x256xf32>
    %dot_general3A_202 = tpu.matmul %add3A_194, %convert_element_type3A_38, %dot_general3A_201 {dimension_numbers = #tpu.dot_dimension_numbers<[1], [0], [0], [1], [0, 0, 1, 1], [], []>, precision = #tpu.contract_precision<fp32>, transpose_lhs_hint = false} : vector<64x256xf32>, vector<256x256xf32>, vector<64x256xf32> -> vector<64x256xf32>
    %dot_general3A_203 = arith.constant dense<0.000000e+00> : vector<64x256xf32>
    %dot_general3A_204 = tpu.matmul %sub3A, %convert_element_type3A_38, %dot_general3A_203 {dimension_numbers = #tpu.dot_dimension_numbers<[1], [0], [0], [1], [0, 0, 1, 1], [], []>, precision = #tpu.contract_precision<fp32>, transpose_lhs_hint = false} : vector<64x256xf32>, vector<256x256xf32>, vector<64x256xf32> -> vector<64x256xf32>
    %mul3A_205 = vector.broadcast %slice3A_199 : vector<64x1xf32> to vector<64x256xf32>
    %mul3A_206 = arith.mulf %mul3A_205, %add3A_194 : vector<64x256xf32>
    %mul3A_207 = vector.broadcast %slice3A_200 : vector<64x1xf32> to vector<64x256xf32>
    %mul3A_208 = arith.mulf %mul3A_207, %dot_general3A_204 : vector<64x256xf32>
    %add3A_209 = arith.addf %mul3A_206, %mul3A_208 : vector<64x256xf32>
    %mul3A_210 = vector.broadcast %slice3A_199 : vector<64x1xf32> to vector<64x256xf32>
    %mul3A_211 = arith.mulf %mul3A_210, %sub3A : vector<64x256xf32>
    %mul3A_212 = vector.broadcast %slice3A_200 : vector<64x1xf32> to vector<64x256xf32>
    %mul3A_213 = arith.mulf %mul3A_212, %dot_general3A_202 : vector<64x256xf32>
    %sub3A_214 = arith.subf %mul3A_211, %mul3A_213 : vector<64x256xf32>
    %slice3A_215 = vector.extract_strided_slice %cos3A {offsets = [0, 2], sizes = [64, 1], strides = [1, 1]} : vector<64x8xf32> to vector<64x1xf32>
    %slice3A_216 = vector.extract_strided_slice %sin3A {offsets = [0, 2], sizes = [64, 1], strides = [1, 1]} : vector<64x8xf32> to vector<64x1xf32>
    %dot_general3A_217 = arith.constant dense<0.000000e+00> : vector<64x256xf32>
    %dot_general3A_218 = tpu.matmul %add3A_209, %convert_element_type3A_44, %dot_general3A_217 {dimension_numbers = #tpu.dot_dimension_numbers<[1], [0], [0], [1], [0, 0, 1, 1], [], []>, precision = #tpu.contract_precision<fp32>, transpose_lhs_hint = false} : vector<64x256xf32>, vector<256x256xf32>, vector<64x256xf32> -> vector<64x256xf32>
    %dot_general3A_219 = arith.constant dense<0.000000e+00> : vector<64x256xf32>
    %dot_general3A_220 = tpu.matmul %sub3A_214, %convert_element_type3A_44, %dot_general3A_219 {dimension_numbers = #tpu.dot_dimension_numbers<[1], [0], [0], [1], [0, 0, 1, 1], [], []>, precision = #tpu.contract_precision<fp32>, transpose_lhs_hint = false} : vector<64x256xf32>, vector<256x256xf32>, vector<64x256xf32> -> vector<64x256xf32>
    %mul3A_221 = vector.broadcast %slice3A_215 : vector<64x1xf32> to vector<64x256xf32>
    %mul3A_222 = arith.mulf %mul3A_221, %add3A_209 : vector<64x256xf32>
    %mul3A_223 = vector.broadcast %slice3A_216 : vector<64x1xf32> to vector<64x256xf32>
    %mul3A_224 = arith.mulf %mul3A_223, %dot_general3A_220 : vector<64x256xf32>
    %add3A_225 = arith.addf %mul3A_222, %mul3A_224 : vector<64x256xf32>
    %mul3A_226 = vector.broadcast %slice3A_215 : vector<64x1xf32> to vector<64x256xf32>
    %mul3A_227 = arith.mulf %mul3A_226, %sub3A_214 : vector<64x256xf32>
    %mul3A_228 = vector.broadcast %slice3A_216 : vector<64x1xf32> to vector<64x256xf32>
    %mul3A_229 = arith.mulf %mul3A_228, %dot_general3A_218 : vector<64x256xf32>
    %sub3A_230 = arith.subf %mul3A_227, %mul3A_229 : vector<64x256xf32>
    %slice3A_231 = vector.extract_strided_slice %cos3A {offsets = [0, 3], sizes = [64, 1], strides = [1, 1]} : vector<64x8xf32> to vector<64x1xf32>
    %slice3A_232 = vector.extract_strided_slice %sin3A {offsets = [0, 3], sizes = [64, 1], strides = [1, 1]} : vector<64x8xf32> to vector<64x1xf32>
    %dot_general3A_233 = arith.constant dense<0.000000e+00> : vector<64x256xf32>
    %dot_general3A_234 = tpu.matmul %add3A_225, %convert_element_type3A_50, %dot_general3A_233 {dimension_numbers = #tpu.dot_dimension_numbers<[1], [0], [0], [1], [0, 0, 1, 1], [], []>, precision = #tpu.contract_precision<fp32>, transpose_lhs_hint = false} : vector<64x256xf32>, vector<256x256xf32>, vector<64x256xf32> -> vector<64x256xf32>
    %dot_general3A_235 = arith.constant dense<0.000000e+00> : vector<64x256xf32>
    %dot_general3A_236 = tpu.matmul %sub3A_230, %convert_element_type3A_50, %dot_general3A_235 {dimension_numbers = #tpu.dot_dimension_numbers<[1], [0], [0], [1], [0, 0, 1, 1], [], []>, precision = #tpu.contract_precision<fp32>, transpose_lhs_hint = false} : vector<64x256xf32>, vector<256x256xf32>, vector<64x256xf32> -> vector<64x256xf32>
    %mul3A_237 = vector.broadcast %slice3A_231 : vector<64x1xf32> to vector<64x256xf32>
    %mul3A_238 = arith.mulf %mul3A_237, %add3A_225 : vector<64x256xf32>
    %mul3A_239 = vector.broadcast %slice3A_232 : vector<64x1xf32> to vector<64x256xf32>
    %mul3A_240 = arith.mulf %mul3A_239, %dot_general3A_236 : vector<64x256xf32>
    %add3A_241 = arith.addf %mul3A_238, %mul3A_240 : vector<64x256xf32>
    %mul3A_242 = vector.broadcast %slice3A_231 : vector<64x1xf32> to vector<64x256xf32>
    %mul3A_243 = arith.mulf %mul3A_242, %sub3A_230 : vector<64x256xf32>
    %mul3A_244 = vector.broadcast %slice3A_232 : vector<64x1xf32> to vector<64x256xf32>
    %mul3A_245 = arith.mulf %mul3A_244, %dot_general3A_234 : vector<64x256xf32>
    %sub3A_246 = arith.subf %mul3A_243, %mul3A_245 : vector<64x256xf32>
    %slice3A_247 = vector.extract_strided_slice %cos3A {offsets = [0, 4], sizes = [64, 1], strides = [1, 1]} : vector<64x8xf32> to vector<64x1xf32>
    %slice3A_248 = vector.extract_strided_slice %sin3A {offsets = [0, 4], sizes = [64, 1], strides = [1, 1]} : vector<64x8xf32> to vector<64x1xf32>
    %dot_general3A_249 = arith.constant dense<0.000000e+00> : vector<64x256xf32>
    %dot_general3A_250 = tpu.matmul %add3A_241, %convert_element_type3A_56, %dot_general3A_249 {dimension_numbers = #tpu.dot_dimension_numbers<[1], [0], [0], [1], [0, 0, 1, 1], [], []>, precision = #tpu.contract_precision<fp32>, transpose_lhs_hint = false} : vector<64x256xf32>, vector<256x256xf32>, vector<64x256xf32> -> vector<64x256xf32>
    %dot_general3A_251 = arith.constant dense<0.000000e+00> : vector<64x256xf32>
    %dot_general3A_252 = tpu.matmul %sub3A_246, %convert_element_type3A_56, %dot_general3A_251 {dimension_numbers = #tpu.dot_dimension_numbers<[1], [0], [0], [1], [0, 0, 1, 1], [], []>, precision = #tpu.contract_precision<fp32>, transpose_lhs_hint = false} : vector<64x256xf32>, vector<256x256xf32>, vector<64x256xf32> -> vector<64x256xf32>
    %mul3A_253 = vector.broadcast %slice3A_247 : vector<64x1xf32> to vector<64x256xf32>
    %mul3A_254 = arith.mulf %mul3A_253, %add3A_241 : vector<64x256xf32>
    %mul3A_255 = vector.broadcast %slice3A_248 : vector<64x1xf32> to vector<64x256xf32>
    %mul3A_256 = arith.mulf %mul3A_255, %dot_general3A_252 : vector<64x256xf32>
    %add3A_257 = arith.addf %mul3A_254, %mul3A_256 : vector<64x256xf32>
    %mul3A_258 = vector.broadcast %slice3A_247 : vector<64x1xf32> to vector<64x256xf32>
    %mul3A_259 = arith.mulf %mul3A_258, %sub3A_246 : vector<64x256xf32>
    %mul3A_260 = vector.broadcast %slice3A_248 : vector<64x1xf32> to vector<64x256xf32>
    %mul3A_261 = arith.mulf %mul3A_260, %dot_general3A_250 : vector<64x256xf32>
    %sub3A_262 = arith.subf %mul3A_259, %mul3A_261 : vector<64x256xf32>
    %slice3A_263 = vector.extract_strided_slice %cos3A {offsets = [0, 5], sizes = [64, 1], strides = [1, 1]} : vector<64x8xf32> to vector<64x1xf32>
    %slice3A_264 = vector.extract_strided_slice %sin3A {offsets = [0, 5], sizes = [64, 1], strides = [1, 1]} : vector<64x8xf32> to vector<64x1xf32>
    %dot_general3A_265 = arith.constant dense<0.000000e+00> : vector<64x256xf32>
    %dot_general3A_266 = tpu.matmul %add3A_257, %convert_element_type3A_62, %dot_general3A_265 {dimension_numbers = #tpu.dot_dimension_numbers<[1], [0], [0], [1], [0, 0, 1, 1], [], []>, precision = #tpu.contract_precision<fp32>, transpose_lhs_hint = false} : vector<64x256xf32>, vector<256x256xf32>, vector<64x256xf32> -> vector<64x256xf32>
    %dot_general3A_267 = arith.constant dense<0.000000e+00> : vector<64x256xf32>
    %dot_general3A_268 = tpu.matmul %sub3A_262, %convert_element_type3A_62, %dot_general3A_267 {dimension_numbers = #tpu.dot_dimension_numbers<[1], [0], [0], [1], [0, 0, 1, 1], [], []>, precision = #tpu.contract_precision<fp32>, transpose_lhs_hint = false} : vector<64x256xf32>, vector<256x256xf32>, vector<64x256xf32> -> vector<64x256xf32>
    %mul3A_269 = vector.broadcast %slice3A_263 : vector<64x1xf32> to vector<64x256xf32>
    %mul3A_270 = arith.mulf %mul3A_269, %add3A_257 : vector<64x256xf32>
    %mul3A_271 = vector.broadcast %slice3A_264 : vector<64x1xf32> to vector<64x256xf32>
    %mul3A_272 = arith.mulf %mul3A_271, %dot_general3A_268 : vector<64x256xf32>
    %add3A_273 = arith.addf %mul3A_270, %mul3A_272 : vector<64x256xf32>
    %mul3A_274 = vector.broadcast %slice3A_263 : vector<64x1xf32> to vector<64x256xf32>
    %mul3A_275 = arith.mulf %mul3A_274, %sub3A_262 : vector<64x256xf32>
    %mul3A_276 = vector.broadcast %slice3A_264 : vector<64x1xf32> to vector<64x256xf32>
    %mul3A_277 = arith.mulf %mul3A_276, %dot_general3A_266 : vector<64x256xf32>
    %sub3A_278 = arith.subf %mul3A_275, %mul3A_277 : vector<64x256xf32>
    %slice3A_279 = vector.extract_strided_slice %cos3A {offsets = [0, 6], sizes = [64, 1], strides = [1, 1]} : vector<64x8xf32> to vector<64x1xf32>
    %slice3A_280 = vector.extract_strided_slice %sin3A {offsets = [0, 6], sizes = [64, 1], strides = [1, 1]} : vector<64x8xf32> to vector<64x1xf32>
    %dot_general3A_281 = arith.constant dense<0.000000e+00> : vector<64x256xf32>
    %dot_general3A_282 = tpu.matmul %add3A_273, %convert_element_type3A_68, %dot_general3A_281 {dimension_numbers = #tpu.dot_dimension_numbers<[1], [0], [0], [1], [0, 0, 1, 1], [], []>, precision = #tpu.contract_precision<fp32>, transpose_lhs_hint = false} : vector<64x256xf32>, vector<256x256xf32>, vector<64x256xf32> -> vector<64x256xf32>
    %dot_general3A_283 = arith.constant dense<0.000000e+00> : vector<64x256xf32>
    %dot_general3A_284 = tpu.matmul %sub3A_278, %convert_element_type3A_68, %dot_general3A_283 {dimension_numbers = #tpu.dot_dimension_numbers<[1], [0], [0], [1], [0, 0, 1, 1], [], []>, precision = #tpu.contract_precision<fp32>, transpose_lhs_hint = false} : vector<64x256xf32>, vector<256x256xf32>, vector<64x256xf32> -> vector<64x256xf32>
    %mul3A_285 = vector.broadcast %slice3A_279 : vector<64x1xf32> to vector<64x256xf32>
    %mul3A_286 = arith.mulf %mul3A_285, %add3A_273 : vector<64x256xf32>
    %mul3A_287 = vector.broadcast %slice3A_280 : vector<64x1xf32> to vector<64x256xf32>
    %mul3A_288 = arith.mulf %mul3A_287, %dot_general3A_284 : vector<64x256xf32>
    %add3A_289 = arith.addf %mul3A_286, %mul3A_288 : vector<64x256xf32>
    %mul3A_290 = vector.broadcast %slice3A_279 : vector<64x1xf32> to vector<64x256xf32>
    %mul3A_291 = arith.mulf %mul3A_290, %sub3A_278 : vector<64x256xf32>
    %mul3A_292 = vector.broadcast %slice3A_280 : vector<64x1xf32> to vector<64x256xf32>
    %mul3A_293 = arith.mulf %mul3A_292, %dot_general3A_282 : vector<64x256xf32>
    %sub3A_294 = arith.subf %mul3A_291, %mul3A_293 : vector<64x256xf32>
    %slice3A_295 = vector.extract_strided_slice %cos3A {offsets = [0, 7], sizes = [64, 1], strides = [1, 1]} : vector<64x8xf32> to vector<64x1xf32>
    %slice3A_296 = vector.extract_strided_slice %sin3A {offsets = [0, 7], sizes = [64, 1], strides = [1, 1]} : vector<64x8xf32> to vector<64x1xf32>
    %dot_general3A_297 = arith.constant dense<0.000000e+00> : vector<64x256xf32>
    %dot_general3A_298 = tpu.matmul %add3A_289, %convert_element_type3A_74, %dot_general3A_297 {dimension_numbers = #tpu.dot_dimension_numbers<[1], [0], [0], [1], [0, 0, 1, 1], [], []>, precision = #tpu.contract_precision<fp32>, transpose_lhs_hint = false} : vector<64x256xf32>, vector<256x256xf32>, vector<64x256xf32> -> vector<64x256xf32>
    %dot_general3A_299 = arith.constant dense<0.000000e+00> : vector<64x256xf32>
    %dot_general3A_300 = tpu.matmul %sub3A_294, %convert_element_type3A_74, %dot_general3A_299 {dimension_numbers = #tpu.dot_dimension_numbers<[1], [0], [0], [1], [0, 0, 1, 1], [], []>, precision = #tpu.contract_precision<fp32>, transpose_lhs_hint = false} : vector<64x256xf32>, vector<256x256xf32>, vector<64x256xf32> -> vector<64x256xf32>
    %mul3A_301 = vector.broadcast %slice3A_295 : vector<64x1xf32> to vector<64x256xf32>
    %mul3A_302 = arith.mulf %mul3A_301, %add3A_289 : vector<64x256xf32>
    %mul3A_303 = vector.broadcast %slice3A_296 : vector<64x1xf32> to vector<64x256xf32>
    %mul3A_304 = arith.mulf %mul3A_303, %dot_general3A_300 : vector<64x256xf32>
    %add3A_305 = arith.addf %mul3A_302, %mul3A_304 : vector<64x256xf32>
    %mul3A_306 = vector.broadcast %slice3A_295 : vector<64x1xf32> to vector<64x256xf32>
    %mul3A_307 = arith.mulf %mul3A_306, %sub3A_294 : vector<64x256xf32>
    %mul3A_308 = vector.broadcast %slice3A_296 : vector<64x1xf32> to vector<64x256xf32>
    %mul3A_309 = arith.mulf %mul3A_308, %dot_general3A_298 : vector<64x256xf32>
    %sub3A_310 = arith.subf %mul3A_307, %mul3A_309 : vector<64x256xf32>
    %get3A_311 = arith.constant 0 : index
    %get3A_312 = arith.constant 0 : index
    %get3A_313 = vector.load %arg4[%get3A_311, %get3A_312] : memref<4x8xf32, #tpu.memory_space<vmem>>, vector<4x8xf32>
    %mul3A_314 = arith.constant 5.000000e-01 : f32
    %mul3A_315 = vector.broadcast %mul3A_314 : f32 to vector<4x8xf32>
    %mul3A_316 = arith.mulf %get3A_313, %mul3A_315 : vector<4x8xf32>
    %cos3A_317 = math.cos %mul3A_316 : vector<4x8xf32>
    %sin3A_318 = math.sin %mul3A_316 : vector<4x8xf32>
    %slice3A_319 = vector.extract_strided_slice %cos3A_317 {offsets = [0, 0], sizes = [1, 1], strides = [1, 1]} : vector<4x8xf32> to vector<1x1xf32>
    %slice3A_320 = vector.extract_strided_slice %sin3A_318 {offsets = [0, 0], sizes = [1, 1], strides = [1, 1]} : vector<4x8xf32> to vector<1x1xf32>
    %dot_general3A_321 = arith.constant dense<0.000000e+00> : vector<64x256xf32>
    %dot_general3A_322 = tpu.matmul %add3A_305, %convert_element_type3A_32, %dot_general3A_321 {dimension_numbers = #tpu.dot_dimension_numbers<[1], [0], [0], [1], [0, 0, 1, 1], [], []>, precision = #tpu.contract_precision<fp32>, transpose_lhs_hint = false} : vector<64x256xf32>, vector<256x256xf32>, vector<64x256xf32> -> vector<64x256xf32>
    %dot_general3A_323 = arith.constant dense<0.000000e+00> : vector<64x256xf32>
    %dot_general3A_324 = tpu.matmul %sub3A_310, %convert_element_type3A_32, %dot_general3A_323 {dimension_numbers = #tpu.dot_dimension_numbers<[1], [0], [0], [1], [0, 0, 1, 1], [], []>, precision = #tpu.contract_precision<fp32>, transpose_lhs_hint = false} : vector<64x256xf32>, vector<256x256xf32>, vector<64x256xf32> -> vector<64x256xf32>
    %mul3A_325 = vector.broadcast %slice3A_319 : vector<1x1xf32> to vector<64x256xf32>
    %mul3A_326 = arith.mulf %mul3A_325, %add3A_305 : vector<64x256xf32>
    %mul3A_327 = vector.broadcast %slice3A_320 : vector<1x1xf32> to vector<64x256xf32>
    %mul3A_328 = arith.mulf %mul3A_327, %dot_general3A_324 : vector<64x256xf32>
    %add3A_329 = arith.addf %mul3A_326, %mul3A_328 : vector<64x256xf32>
    %mul3A_330 = vector.broadcast %slice3A_319 : vector<1x1xf32> to vector<64x256xf32>
    %mul3A_331 = arith.mulf %mul3A_330, %sub3A_310 : vector<64x256xf32>
    %mul3A_332 = vector.broadcast %slice3A_320 : vector<1x1xf32> to vector<64x256xf32>
    %mul3A_333 = arith.mulf %mul3A_332, %dot_general3A_322 : vector<64x256xf32>
    %sub3A_334 = arith.subf %mul3A_331, %mul3A_333 : vector<64x256xf32>
    %slice3A_335 = vector.extract_strided_slice %cos3A_317 {offsets = [0, 1], sizes = [1, 1], strides = [1, 1]} : vector<4x8xf32> to vector<1x1xf32>
    %slice3A_336 = vector.extract_strided_slice %sin3A_318 {offsets = [0, 1], sizes = [1, 1], strides = [1, 1]} : vector<4x8xf32> to vector<1x1xf32>
    %dot_general3A_337 = arith.constant dense<0.000000e+00> : vector<64x256xf32>
    %dot_general3A_338 = tpu.matmul %add3A_329, %convert_element_type3A_38, %dot_general3A_337 {dimension_numbers = #tpu.dot_dimension_numbers<[1], [0], [0], [1], [0, 0, 1, 1], [], []>, precision = #tpu.contract_precision<fp32>, transpose_lhs_hint = false} : vector<64x256xf32>, vector<256x256xf32>, vector<64x256xf32> -> vector<64x256xf32>
    %dot_general3A_339 = arith.constant dense<0.000000e+00> : vector<64x256xf32>
    %dot_general3A_340 = tpu.matmul %sub3A_334, %convert_element_type3A_38, %dot_general3A_339 {dimension_numbers = #tpu.dot_dimension_numbers<[1], [0], [0], [1], [0, 0, 1, 1], [], []>, precision = #tpu.contract_precision<fp32>, transpose_lhs_hint = false} : vector<64x256xf32>, vector<256x256xf32>, vector<64x256xf32> -> vector<64x256xf32>
    %mul3A_341 = vector.broadcast %slice3A_335 : vector<1x1xf32> to vector<64x256xf32>
    %mul3A_342 = arith.mulf %mul3A_341, %add3A_329 : vector<64x256xf32>
    %mul3A_343 = vector.broadcast %slice3A_336 : vector<1x1xf32> to vector<64x256xf32>
    %mul3A_344 = arith.mulf %mul3A_343, %dot_general3A_340 : vector<64x256xf32>
    %add3A_345 = arith.addf %mul3A_342, %mul3A_344 : vector<64x256xf32>
    %mul3A_346 = vector.broadcast %slice3A_335 : vector<1x1xf32> to vector<64x256xf32>
    %mul3A_347 = arith.mulf %mul3A_346, %sub3A_334 : vector<64x256xf32>
    %mul3A_348 = vector.broadcast %slice3A_336 : vector<1x1xf32> to vector<64x256xf32>
    %mul3A_349 = arith.mulf %mul3A_348, %dot_general3A_338 : vector<64x256xf32>
    %sub3A_350 = arith.subf %mul3A_347, %mul3A_349 : vector<64x256xf32>
    %slice3A_351 = vector.extract_strided_slice %cos3A_317 {offsets = [0, 2], sizes = [1, 1], strides = [1, 1]} : vector<4x8xf32> to vector<1x1xf32>
    %slice3A_352 = vector.extract_strided_slice %sin3A_318 {offsets = [0, 2], sizes = [1, 1], strides = [1, 1]} : vector<4x8xf32> to vector<1x1xf32>
    %dot_general3A_353 = arith.constant dense<0.000000e+00> : vector<64x256xf32>
    %dot_general3A_354 = tpu.matmul %add3A_345, %convert_element_type3A_44, %dot_general3A_353 {dimension_numbers = #tpu.dot_dimension_numbers<[1], [0], [0], [1], [0, 0, 1, 1], [], []>, precision = #tpu.contract_precision<fp32>, transpose_lhs_hint = false} : vector<64x256xf32>, vector<256x256xf32>, vector<64x256xf32> -> vector<64x256xf32>
    %dot_general3A_355 = arith.constant dense<0.000000e+00> : vector<64x256xf32>
    %dot_general3A_356 = tpu.matmul %sub3A_350, %convert_element_type3A_44, %dot_general3A_355 {dimension_numbers = #tpu.dot_dimension_numbers<[1], [0], [0], [1], [0, 0, 1, 1], [], []>, precision = #tpu.contract_precision<fp32>, transpose_lhs_hint = false} : vector<64x256xf32>, vector<256x256xf32>, vector<64x256xf32> -> vector<64x256xf32>
    %mul3A_357 = vector.broadcast %slice3A_351 : vector<1x1xf32> to vector<64x256xf32>
    %mul3A_358 = arith.mulf %mul3A_357, %add3A_345 : vector<64x256xf32>
    %mul3A_359 = vector.broadcast %slice3A_352 : vector<1x1xf32> to vector<64x256xf32>
    %mul3A_360 = arith.mulf %mul3A_359, %dot_general3A_356 : vector<64x256xf32>
    %add3A_361 = arith.addf %mul3A_358, %mul3A_360 : vector<64x256xf32>
    %mul3A_362 = vector.broadcast %slice3A_351 : vector<1x1xf32> to vector<64x256xf32>
    %mul3A_363 = arith.mulf %mul3A_362, %sub3A_350 : vector<64x256xf32>
    %mul3A_364 = vector.broadcast %slice3A_352 : vector<1x1xf32> to vector<64x256xf32>
    %mul3A_365 = arith.mulf %mul3A_364, %dot_general3A_354 : vector<64x256xf32>
    %sub3A_366 = arith.subf %mul3A_363, %mul3A_365 : vector<64x256xf32>
    %slice3A_367 = vector.extract_strided_slice %cos3A_317 {offsets = [0, 3], sizes = [1, 1], strides = [1, 1]} : vector<4x8xf32> to vector<1x1xf32>
    %slice3A_368 = vector.extract_strided_slice %sin3A_318 {offsets = [0, 3], sizes = [1, 1], strides = [1, 1]} : vector<4x8xf32> to vector<1x1xf32>
    %dot_general3A_369 = arith.constant dense<0.000000e+00> : vector<64x256xf32>
    %dot_general3A_370 = tpu.matmul %add3A_361, %convert_element_type3A_50, %dot_general3A_369 {dimension_numbers = #tpu.dot_dimension_numbers<[1], [0], [0], [1], [0, 0, 1, 1], [], []>, precision = #tpu.contract_precision<fp32>, transpose_lhs_hint = false} : vector<64x256xf32>, vector<256x256xf32>, vector<64x256xf32> -> vector<64x256xf32>
    %dot_general3A_371 = arith.constant dense<0.000000e+00> : vector<64x256xf32>
    %dot_general3A_372 = tpu.matmul %sub3A_366, %convert_element_type3A_50, %dot_general3A_371 {dimension_numbers = #tpu.dot_dimension_numbers<[1], [0], [0], [1], [0, 0, 1, 1], [], []>, precision = #tpu.contract_precision<fp32>, transpose_lhs_hint = false} : vector<64x256xf32>, vector<256x256xf32>, vector<64x256xf32> -> vector<64x256xf32>
    %mul3A_373 = vector.broadcast %slice3A_367 : vector<1x1xf32> to vector<64x256xf32>
    %mul3A_374 = arith.mulf %mul3A_373, %add3A_361 : vector<64x256xf32>
    %mul3A_375 = vector.broadcast %slice3A_368 : vector<1x1xf32> to vector<64x256xf32>
    %mul3A_376 = arith.mulf %mul3A_375, %dot_general3A_372 : vector<64x256xf32>
    %add3A_377 = arith.addf %mul3A_374, %mul3A_376 : vector<64x256xf32>
    %mul3A_378 = vector.broadcast %slice3A_367 : vector<1x1xf32> to vector<64x256xf32>
    %mul3A_379 = arith.mulf %mul3A_378, %sub3A_366 : vector<64x256xf32>
    %mul3A_380 = vector.broadcast %slice3A_368 : vector<1x1xf32> to vector<64x256xf32>
    %mul3A_381 = arith.mulf %mul3A_380, %dot_general3A_370 : vector<64x256xf32>
    %sub3A_382 = arith.subf %mul3A_379, %mul3A_381 : vector<64x256xf32>
    %slice3A_383 = vector.extract_strided_slice %cos3A_317 {offsets = [0, 4], sizes = [1, 1], strides = [1, 1]} : vector<4x8xf32> to vector<1x1xf32>
    %slice3A_384 = vector.extract_strided_slice %sin3A_318 {offsets = [0, 4], sizes = [1, 1], strides = [1, 1]} : vector<4x8xf32> to vector<1x1xf32>
    %dot_general3A_385 = arith.constant dense<0.000000e+00> : vector<64x256xf32>
    %dot_general3A_386 = tpu.matmul %add3A_377, %convert_element_type3A_56, %dot_general3A_385 {dimension_numbers = #tpu.dot_dimension_numbers<[1], [0], [0], [1], [0, 0, 1, 1], [], []>, precision = #tpu.contract_precision<fp32>, transpose_lhs_hint = false} : vector<64x256xf32>, vector<256x256xf32>, vector<64x256xf32> -> vector<64x256xf32>
    %dot_general3A_387 = arith.constant dense<0.000000e+00> : vector<64x256xf32>
    %dot_general3A_388 = tpu.matmul %sub3A_382, %convert_element_type3A_56, %dot_general3A_387 {dimension_numbers = #tpu.dot_dimension_numbers<[1], [0], [0], [1], [0, 0, 1, 1], [], []>, precision = #tpu.contract_precision<fp32>, transpose_lhs_hint = false} : vector<64x256xf32>, vector<256x256xf32>, vector<64x256xf32> -> vector<64x256xf32>
    %mul3A_389 = vector.broadcast %slice3A_383 : vector<1x1xf32> to vector<64x256xf32>
    %mul3A_390 = arith.mulf %mul3A_389, %add3A_377 : vector<64x256xf32>
    %mul3A_391 = vector.broadcast %slice3A_384 : vector<1x1xf32> to vector<64x256xf32>
    %mul3A_392 = arith.mulf %mul3A_391, %dot_general3A_388 : vector<64x256xf32>
    %add3A_393 = arith.addf %mul3A_390, %mul3A_392 : vector<64x256xf32>
    %mul3A_394 = vector.broadcast %slice3A_383 : vector<1x1xf32> to vector<64x256xf32>
    %mul3A_395 = arith.mulf %mul3A_394, %sub3A_382 : vector<64x256xf32>
    %mul3A_396 = vector.broadcast %slice3A_384 : vector<1x1xf32> to vector<64x256xf32>
    %mul3A_397 = arith.mulf %mul3A_396, %dot_general3A_386 : vector<64x256xf32>
    %sub3A_398 = arith.subf %mul3A_395, %mul3A_397 : vector<64x256xf32>
    %slice3A_399 = vector.extract_strided_slice %cos3A_317 {offsets = [0, 5], sizes = [1, 1], strides = [1, 1]} : vector<4x8xf32> to vector<1x1xf32>
    %slice3A_400 = vector.extract_strided_slice %sin3A_318 {offsets = [0, 5], sizes = [1, 1], strides = [1, 1]} : vector<4x8xf32> to vector<1x1xf32>
    %dot_general3A_401 = arith.constant dense<0.000000e+00> : vector<64x256xf32>
    %dot_general3A_402 = tpu.matmul %add3A_393, %convert_element_type3A_62, %dot_general3A_401 {dimension_numbers = #tpu.dot_dimension_numbers<[1], [0], [0], [1], [0, 0, 1, 1], [], []>, precision = #tpu.contract_precision<fp32>, transpose_lhs_hint = false} : vector<64x256xf32>, vector<256x256xf32>, vector<64x256xf32> -> vector<64x256xf32>
    %dot_general3A_403 = arith.constant dense<0.000000e+00> : vector<64x256xf32>
    %dot_general3A_404 = tpu.matmul %sub3A_398, %convert_element_type3A_62, %dot_general3A_403 {dimension_numbers = #tpu.dot_dimension_numbers<[1], [0], [0], [1], [0, 0, 1, 1], [], []>, precision = #tpu.contract_precision<fp32>, transpose_lhs_hint = false} : vector<64x256xf32>, vector<256x256xf32>, vector<64x256xf32> -> vector<64x256xf32>
    %mul3A_405 = vector.broadcast %slice3A_399 : vector<1x1xf32> to vector<64x256xf32>
    %mul3A_406 = arith.mulf %mul3A_405, %add3A_393 : vector<64x256xf32>
    %mul3A_407 = vector.broadcast %slice3A_400 : vector<1x1xf32> to vector<64x256xf32>
    %mul3A_408 = arith.mulf %mul3A_407, %dot_general3A_404 : vector<64x256xf32>
    %add3A_409 = arith.addf %mul3A_406, %mul3A_408 : vector<64x256xf32>
    %mul3A_410 = vector.broadcast %slice3A_399 : vector<1x1xf32> to vector<64x256xf32>
    %mul3A_411 = arith.mulf %mul3A_410, %sub3A_398 : vector<64x256xf32>
    %mul3A_412 = vector.broadcast %slice3A_400 : vector<1x1xf32> to vector<64x256xf32>
    %mul3A_413 = arith.mulf %mul3A_412, %dot_general3A_402 : vector<64x256xf32>
    %sub3A_414 = arith.subf %mul3A_411, %mul3A_413 : vector<64x256xf32>
    %slice3A_415 = vector.extract_strided_slice %cos3A_317 {offsets = [0, 6], sizes = [1, 1], strides = [1, 1]} : vector<4x8xf32> to vector<1x1xf32>
    %slice3A_416 = vector.extract_strided_slice %sin3A_318 {offsets = [0, 6], sizes = [1, 1], strides = [1, 1]} : vector<4x8xf32> to vector<1x1xf32>
    %dot_general3A_417 = arith.constant dense<0.000000e+00> : vector<64x256xf32>
    %dot_general3A_418 = tpu.matmul %add3A_409, %convert_element_type3A_68, %dot_general3A_417 {dimension_numbers = #tpu.dot_dimension_numbers<[1], [0], [0], [1], [0, 0, 1, 1], [], []>, precision = #tpu.contract_precision<fp32>, transpose_lhs_hint = false} : vector<64x256xf32>, vector<256x256xf32>, vector<64x256xf32> -> vector<64x256xf32>
    %dot_general3A_419 = arith.constant dense<0.000000e+00> : vector<64x256xf32>
    %dot_general3A_420 = tpu.matmul %sub3A_414, %convert_element_type3A_68, %dot_general3A_419 {dimension_numbers = #tpu.dot_dimension_numbers<[1], [0], [0], [1], [0, 0, 1, 1], [], []>, precision = #tpu.contract_precision<fp32>, transpose_lhs_hint = false} : vector<64x256xf32>, vector<256x256xf32>, vector<64x256xf32> -> vector<64x256xf32>
    %mul3A_421 = vector.broadcast %slice3A_415 : vector<1x1xf32> to vector<64x256xf32>
    %mul3A_422 = arith.mulf %mul3A_421, %add3A_409 : vector<64x256xf32>
    %mul3A_423 = vector.broadcast %slice3A_416 : vector<1x1xf32> to vector<64x256xf32>
    %mul3A_424 = arith.mulf %mul3A_423, %dot_general3A_420 : vector<64x256xf32>
    %add3A_425 = arith.addf %mul3A_422, %mul3A_424 : vector<64x256xf32>
    %mul3A_426 = vector.broadcast %slice3A_415 : vector<1x1xf32> to vector<64x256xf32>
    %mul3A_427 = arith.mulf %mul3A_426, %sub3A_414 : vector<64x256xf32>
    %mul3A_428 = vector.broadcast %slice3A_416 : vector<1x1xf32> to vector<64x256xf32>
    %mul3A_429 = arith.mulf %mul3A_428, %dot_general3A_418 : vector<64x256xf32>
    %sub3A_430 = arith.subf %mul3A_427, %mul3A_429 : vector<64x256xf32>
    %slice3A_431 = vector.extract_strided_slice %cos3A_317 {offsets = [0, 7], sizes = [1, 1], strides = [1, 1]} : vector<4x8xf32> to vector<1x1xf32>
    %slice3A_432 = vector.extract_strided_slice %sin3A_318 {offsets = [0, 7], sizes = [1, 1], strides = [1, 1]} : vector<4x8xf32> to vector<1x1xf32>
    %dot_general3A_433 = arith.constant dense<0.000000e+00> : vector<64x256xf32>
    %dot_general3A_434 = tpu.matmul %add3A_425, %convert_element_type3A_74, %dot_general3A_433 {dimension_numbers = #tpu.dot_dimension_numbers<[1], [0], [0], [1], [0, 0, 1, 1], [], []>, precision = #tpu.contract_precision<fp32>, transpose_lhs_hint = false} : vector<64x256xf32>, vector<256x256xf32>, vector<64x256xf32> -> vector<64x256xf32>
    %dot_general3A_435 = arith.constant dense<0.000000e+00> : vector<64x256xf32>
    %dot_general3A_436 = tpu.matmul %sub3A_430, %convert_element_type3A_74, %dot_general3A_435 {dimension_numbers = #tpu.dot_dimension_numbers<[1], [0], [0], [1], [0, 0, 1, 1], [], []>, precision = #tpu.contract_precision<fp32>, transpose_lhs_hint = false} : vector<64x256xf32>, vector<256x256xf32>, vector<64x256xf32> -> vector<64x256xf32>
    %mul3A_437 = vector.broadcast %slice3A_431 : vector<1x1xf32> to vector<64x256xf32>
    %mul3A_438 = arith.mulf %mul3A_437, %add3A_425 : vector<64x256xf32>
    %mul3A_439 = vector.broadcast %slice3A_432 : vector<1x1xf32> to vector<64x256xf32>
    %mul3A_440 = arith.mulf %mul3A_439, %dot_general3A_436 : vector<64x256xf32>
    %add3A_441 = arith.addf %mul3A_438, %mul3A_440 : vector<64x256xf32>
    %mul3A_442 = vector.broadcast %slice3A_431 : vector<1x1xf32> to vector<64x256xf32>
    %mul3A_443 = arith.mulf %mul3A_442, %sub3A_430 : vector<64x256xf32>
    %mul3A_444 = vector.broadcast %slice3A_432 : vector<1x1xf32> to vector<64x256xf32>
    %mul3A_445 = arith.mulf %mul3A_444, %dot_general3A_434 : vector<64x256xf32>
    %sub3A_446 = arith.subf %mul3A_443, %mul3A_445 : vector<64x256xf32>
    %dot_general3A_447 = arith.constant dense<0.000000e+00> : vector<64x256xf32>
    %dot_general3A_448 = tpu.matmul %add3A_441, %convert_element_type3A_85, %dot_general3A_447 {dimension_numbers = #tpu.dot_dimension_numbers<[1], [0], [0], [1], [0, 0, 1, 1], [], []>, precision = #tpu.contract_precision<fp32>, transpose_lhs_hint = false} : vector<64x256xf32>, vector<256x256xf32>, vector<64x256xf32> -> vector<64x256xf32>
    %dot_general3A_449 = arith.constant dense<0.000000e+00> : vector<64x256xf32>
    %dot_general3A_450 = tpu.matmul %sub3A_446, %convert_element_type3A_85, %dot_general3A_449 {dimension_numbers = #tpu.dot_dimension_numbers<[1], [0], [0], [1], [0, 0, 1, 1], [], []>, precision = #tpu.contract_precision<fp32>, transpose_lhs_hint = false} : vector<64x256xf32>, vector<256x256xf32>, vector<64x256xf32> -> vector<64x256xf32>
    %dot_general3A_451 = arith.constant dense<0.000000e+00> : vector<64x256xf32>
    %dot_general3A_452 = tpu.matmul %dot_general3A_448, %convert_element_type3A_98, %dot_general3A_451 {dimension_numbers = #tpu.dot_dimension_numbers<[1], [0], [0], [1], [0, 0, 1, 1], [], []>, precision = #tpu.contract_precision<fp32>, transpose_lhs_hint = false} : vector<64x256xf32>, vector<256x256xf32>, vector<64x256xf32> -> vector<64x256xf32>
    %dot_general3A_453 = arith.constant dense<0.000000e+00> : vector<64x256xf32>
    %dot_general3A_454 = tpu.matmul %dot_general3A_450, %convert_element_type3A_98, %dot_general3A_453 {dimension_numbers = #tpu.dot_dimension_numbers<[1], [0], [0], [1], [0, 0, 1, 1], [], []>, precision = #tpu.contract_precision<fp32>, transpose_lhs_hint = false} : vector<64x256xf32>, vector<256x256xf32>, vector<64x256xf32> -> vector<64x256xf32>
    %dot_general3A_455 = arith.constant dense<0.000000e+00> : vector<64x256xf32>
    %dot_general3A_456 = tpu.matmul %dot_general3A_452, %convert_element_type3A_111, %dot_general3A_455 {dimension_numbers = #tpu.dot_dimension_numbers<[1], [0], [0], [1], [0, 0, 1, 1], [], []>, precision = #tpu.contract_precision<fp32>, transpose_lhs_hint = false} : vector<64x256xf32>, vector<256x256xf32>, vector<64x256xf32> -> vector<64x256xf32>
    %dot_general3A_457 = arith.constant dense<0.000000e+00> : vector<64x256xf32>
    %dot_general3A_458 = tpu.matmul %dot_general3A_454, %convert_element_type3A_111, %dot_general3A_457 {dimension_numbers = #tpu.dot_dimension_numbers<[1], [0], [0], [1], [0, 0, 1, 1], [], []>, precision = #tpu.contract_precision<fp32>, transpose_lhs_hint = false} : vector<64x256xf32>, vector<256x256xf32>, vector<64x256xf32> -> vector<64x256xf32>
    %dot_general3A_459 = arith.constant dense<0.000000e+00> : vector<64x256xf32>
    %dot_general3A_460 = tpu.matmul %dot_general3A_456, %convert_element_type3A_124, %dot_general3A_459 {dimension_numbers = #tpu.dot_dimension_numbers<[1], [0], [0], [1], [0, 0, 1, 1], [], []>, precision = #tpu.contract_precision<fp32>, transpose_lhs_hint = false} : vector<64x256xf32>, vector<256x256xf32>, vector<64x256xf32> -> vector<64x256xf32>
    %dot_general3A_461 = arith.constant dense<0.000000e+00> : vector<64x256xf32>
    %dot_general3A_462 = tpu.matmul %dot_general3A_458, %convert_element_type3A_124, %dot_general3A_461 {dimension_numbers = #tpu.dot_dimension_numbers<[1], [0], [0], [1], [0, 0, 1, 1], [], []>, precision = #tpu.contract_precision<fp32>, transpose_lhs_hint = false} : vector<64x256xf32>, vector<256x256xf32>, vector<64x256xf32> -> vector<64x256xf32>
    %dot_general3A_463 = arith.constant dense<0.000000e+00> : vector<64x256xf32>
    %dot_general3A_464 = tpu.matmul %dot_general3A_460, %convert_element_type3A_137, %dot_general3A_463 {dimension_numbers = #tpu.dot_dimension_numbers<[1], [0], [0], [1], [0, 0, 1, 1], [], []>, precision = #tpu.contract_precision<fp32>, transpose_lhs_hint = false} : vector<64x256xf32>, vector<256x256xf32>, vector<64x256xf32> -> vector<64x256xf32>
    %dot_general3A_465 = arith.constant dense<0.000000e+00> : vector<64x256xf32>
    %dot_general3A_466 = tpu.matmul %dot_general3A_462, %convert_element_type3A_137, %dot_general3A_465 {dimension_numbers = #tpu.dot_dimension_numbers<[1], [0], [0], [1], [0, 0, 1, 1], [], []>, precision = #tpu.contract_precision<fp32>, transpose_lhs_hint = false} : vector<64x256xf32>, vector<256x256xf32>, vector<64x256xf32> -> vector<64x256xf32>
    %dot_general3A_467 = arith.constant dense<0.000000e+00> : vector<64x256xf32>
    %dot_general3A_468 = tpu.matmul %dot_general3A_464, %convert_element_type3A_150, %dot_general3A_467 {dimension_numbers = #tpu.dot_dimension_numbers<[1], [0], [0], [1], [0, 0, 1, 1], [], []>, precision = #tpu.contract_precision<fp32>, transpose_lhs_hint = false} : vector<64x256xf32>, vector<256x256xf32>, vector<64x256xf32> -> vector<64x256xf32>
    %dot_general3A_469 = arith.constant dense<0.000000e+00> : vector<64x256xf32>
    %dot_general3A_470 = tpu.matmul %dot_general3A_466, %convert_element_type3A_150, %dot_general3A_469 {dimension_numbers = #tpu.dot_dimension_numbers<[1], [0], [0], [1], [0, 0, 1, 1], [], []>, precision = #tpu.contract_precision<fp32>, transpose_lhs_hint = false} : vector<64x256xf32>, vector<256x256xf32>, vector<64x256xf32> -> vector<64x256xf32>
    %dot_general3A_471 = arith.constant dense<0.000000e+00> : vector<64x256xf32>
    %dot_general3A_472 = tpu.matmul %dot_general3A_468, %convert_element_type3A_163, %dot_general3A_471 {dimension_numbers = #tpu.dot_dimension_numbers<[1], [0], [0], [1], [0, 0, 1, 1], [], []>, precision = #tpu.contract_precision<fp32>, transpose_lhs_hint = false} : vector<64x256xf32>, vector<256x256xf32>, vector<64x256xf32> -> vector<64x256xf32>
    %dot_general3A_473 = arith.constant dense<0.000000e+00> : vector<64x256xf32>
    %dot_general3A_474 = tpu.matmul %dot_general3A_470, %convert_element_type3A_163, %dot_general3A_473 {dimension_numbers = #tpu.dot_dimension_numbers<[1], [0], [0], [1], [0, 0, 1, 1], [], []>, precision = #tpu.contract_precision<fp32>, transpose_lhs_hint = false} : vector<64x256xf32>, vector<256x256xf32>, vector<64x256xf32> -> vector<64x256xf32>
    %dot_general3A_475 = arith.constant dense<0.000000e+00> : vector<64x256xf32>
    %dot_general3A_476 = tpu.matmul %dot_general3A_472, %convert_element_type3A_176, %dot_general3A_475 {dimension_numbers = #tpu.dot_dimension_numbers<[1], [0], [0], [1], [0, 0, 1, 1], [], []>, precision = #tpu.contract_precision<fp32>, transpose_lhs_hint = false} : vector<64x256xf32>, vector<256x256xf32>, vector<64x256xf32> -> vector<64x256xf32>
    %dot_general3A_477 = arith.constant dense<0.000000e+00> : vector<64x256xf32>
    %dot_general3A_478 = tpu.matmul %dot_general3A_474, %convert_element_type3A_176, %dot_general3A_477 {dimension_numbers = #tpu.dot_dimension_numbers<[1], [0], [0], [1], [0, 0, 1, 1], [], []>, precision = #tpu.contract_precision<fp32>, transpose_lhs_hint = false} : vector<64x256xf32>, vector<256x256xf32>, vector<64x256xf32> -> vector<64x256xf32>
    %slice3A_479 = vector.extract_strided_slice %cos3A_317 {offsets = [1, 0], sizes = [1, 1], strides = [1, 1]} : vector<4x8xf32> to vector<1x1xf32>
    %slice3A_480 = vector.extract_strided_slice %sin3A_318 {offsets = [1, 0], sizes = [1, 1], strides = [1, 1]} : vector<4x8xf32> to vector<1x1xf32>
    %dot_general3A_481 = arith.constant dense<0.000000e+00> : vector<64x256xf32>
    %dot_general3A_482 = tpu.matmul %dot_general3A_476, %convert_element_type3A_32, %dot_general3A_481 {dimension_numbers = #tpu.dot_dimension_numbers<[1], [0], [0], [1], [0, 0, 1, 1], [], []>, precision = #tpu.contract_precision<fp32>, transpose_lhs_hint = false} : vector<64x256xf32>, vector<256x256xf32>, vector<64x256xf32> -> vector<64x256xf32>
    %dot_general3A_483 = arith.constant dense<0.000000e+00> : vector<64x256xf32>
    %dot_general3A_484 = tpu.matmul %dot_general3A_478, %convert_element_type3A_32, %dot_general3A_483 {dimension_numbers = #tpu.dot_dimension_numbers<[1], [0], [0], [1], [0, 0, 1, 1], [], []>, precision = #tpu.contract_precision<fp32>, transpose_lhs_hint = false} : vector<64x256xf32>, vector<256x256xf32>, vector<64x256xf32> -> vector<64x256xf32>
    %mul3A_485 = vector.broadcast %slice3A_479 : vector<1x1xf32> to vector<64x256xf32>
    %mul3A_486 = arith.mulf %mul3A_485, %dot_general3A_476 : vector<64x256xf32>
    %mul3A_487 = vector.broadcast %slice3A_480 : vector<1x1xf32> to vector<64x256xf32>
    %mul3A_488 = arith.mulf %mul3A_487, %dot_general3A_484 : vector<64x256xf32>
    %add3A_489 = arith.addf %mul3A_486, %mul3A_488 : vector<64x256xf32>
    %mul3A_490 = vector.broadcast %slice3A_479 : vector<1x1xf32> to vector<64x256xf32>
    %mul3A_491 = arith.mulf %mul3A_490, %dot_general3A_478 : vector<64x256xf32>
    %mul3A_492 = vector.broadcast %slice3A_480 : vector<1x1xf32> to vector<64x256xf32>
    %mul3A_493 = arith.mulf %mul3A_492, %dot_general3A_482 : vector<64x256xf32>
    %sub3A_494 = arith.subf %mul3A_491, %mul3A_493 : vector<64x256xf32>
    %slice3A_495 = vector.extract_strided_slice %cos3A_317 {offsets = [1, 1], sizes = [1, 1], strides = [1, 1]} : vector<4x8xf32> to vector<1x1xf32>
    %slice3A_496 = vector.extract_strided_slice %sin3A_318 {offsets = [1, 1], sizes = [1, 1], strides = [1, 1]} : vector<4x8xf32> to vector<1x1xf32>
    %dot_general3A_497 = arith.constant dense<0.000000e+00> : vector<64x256xf32>
    %dot_general3A_498 = tpu.matmul %add3A_489, %convert_element_type3A_38, %dot_general3A_497 {dimension_numbers = #tpu.dot_dimension_numbers<[1], [0], [0], [1], [0, 0, 1, 1], [], []>, precision = #tpu.contract_precision<fp32>, transpose_lhs_hint = false} : vector<64x256xf32>, vector<256x256xf32>, vector<64x256xf32> -> vector<64x256xf32>
    %dot_general3A_499 = arith.constant dense<0.000000e+00> : vector<64x256xf32>
    %dot_general3A_500 = tpu.matmul %sub3A_494, %convert_element_type3A_38, %dot_general3A_499 {dimension_numbers = #tpu.dot_dimension_numbers<[1], [0], [0], [1], [0, 0, 1, 1], [], []>, precision = #tpu.contract_precision<fp32>, transpose_lhs_hint = false} : vector<64x256xf32>, vector<256x256xf32>, vector<64x256xf32> -> vector<64x256xf32>
    %mul3A_501 = vector.broadcast %slice3A_495 : vector<1x1xf32> to vector<64x256xf32>
    %mul3A_502 = arith.mulf %mul3A_501, %add3A_489 : vector<64x256xf32>
    %mul3A_503 = vector.broadcast %slice3A_496 : vector<1x1xf32> to vector<64x256xf32>
    %mul3A_504 = arith.mulf %mul3A_503, %dot_general3A_500 : vector<64x256xf32>
    %add3A_505 = arith.addf %mul3A_502, %mul3A_504 : vector<64x256xf32>
    %mul3A_506 = vector.broadcast %slice3A_495 : vector<1x1xf32> to vector<64x256xf32>
    %mul3A_507 = arith.mulf %mul3A_506, %sub3A_494 : vector<64x256xf32>
    %mul3A_508 = vector.broadcast %slice3A_496 : vector<1x1xf32> to vector<64x256xf32>
    %mul3A_509 = arith.mulf %mul3A_508, %dot_general3A_498 : vector<64x256xf32>
    %sub3A_510 = arith.subf %mul3A_507, %mul3A_509 : vector<64x256xf32>
    %slice3A_511 = vector.extract_strided_slice %cos3A_317 {offsets = [1, 2], sizes = [1, 1], strides = [1, 1]} : vector<4x8xf32> to vector<1x1xf32>
    %slice3A_512 = vector.extract_strided_slice %sin3A_318 {offsets = [1, 2], sizes = [1, 1], strides = [1, 1]} : vector<4x8xf32> to vector<1x1xf32>
    %dot_general3A_513 = arith.constant dense<0.000000e+00> : vector<64x256xf32>
    %dot_general3A_514 = tpu.matmul %add3A_505, %convert_element_type3A_44, %dot_general3A_513 {dimension_numbers = #tpu.dot_dimension_numbers<[1], [0], [0], [1], [0, 0, 1, 1], [], []>, precision = #tpu.contract_precision<fp32>, transpose_lhs_hint = false} : vector<64x256xf32>, vector<256x256xf32>, vector<64x256xf32> -> vector<64x256xf32>
    %dot_general3A_515 = arith.constant dense<0.000000e+00> : vector<64x256xf32>
    %dot_general3A_516 = tpu.matmul %sub3A_510, %convert_element_type3A_44, %dot_general3A_515 {dimension_numbers = #tpu.dot_dimension_numbers<[1], [0], [0], [1], [0, 0, 1, 1], [], []>, precision = #tpu.contract_precision<fp32>, transpose_lhs_hint = false} : vector<64x256xf32>, vector<256x256xf32>, vector<64x256xf32> -> vector<64x256xf32>
    %mul3A_517 = vector.broadcast %slice3A_511 : vector<1x1xf32> to vector<64x256xf32>
    %mul3A_518 = arith.mulf %mul3A_517, %add3A_505 : vector<64x256xf32>
    %mul3A_519 = vector.broadcast %slice3A_512 : vector<1x1xf32> to vector<64x256xf32>
    %mul3A_520 = arith.mulf %mul3A_519, %dot_general3A_516 : vector<64x256xf32>
    %add3A_521 = arith.addf %mul3A_518, %mul3A_520 : vector<64x256xf32>
    %mul3A_522 = vector.broadcast %slice3A_511 : vector<1x1xf32> to vector<64x256xf32>
    %mul3A_523 = arith.mulf %mul3A_522, %sub3A_510 : vector<64x256xf32>
    %mul3A_524 = vector.broadcast %slice3A_512 : vector<1x1xf32> to vector<64x256xf32>
    %mul3A_525 = arith.mulf %mul3A_524, %dot_general3A_514 : vector<64x256xf32>
    %sub3A_526 = arith.subf %mul3A_523, %mul3A_525 : vector<64x256xf32>
    %slice3A_527 = vector.extract_strided_slice %cos3A_317 {offsets = [1, 3], sizes = [1, 1], strides = [1, 1]} : vector<4x8xf32> to vector<1x1xf32>
    %slice3A_528 = vector.extract_strided_slice %sin3A_318 {offsets = [1, 3], sizes = [1, 1], strides = [1, 1]} : vector<4x8xf32> to vector<1x1xf32>
    %dot_general3A_529 = arith.constant dense<0.000000e+00> : vector<64x256xf32>
    %dot_general3A_530 = tpu.matmul %add3A_521, %convert_element_type3A_50, %dot_general3A_529 {dimension_numbers = #tpu.dot_dimension_numbers<[1], [0], [0], [1], [0, 0, 1, 1], [], []>, precision = #tpu.contract_precision<fp32>, transpose_lhs_hint = false} : vector<64x256xf32>, vector<256x256xf32>, vector<64x256xf32> -> vector<64x256xf32>
    %dot_general3A_531 = arith.constant dense<0.000000e+00> : vector<64x256xf32>
    %dot_general3A_532 = tpu.matmul %sub3A_526, %convert_element_type3A_50, %dot_general3A_531 {dimension_numbers = #tpu.dot_dimension_numbers<[1], [0], [0], [1], [0, 0, 1, 1], [], []>, precision = #tpu.contract_precision<fp32>, transpose_lhs_hint = false} : vector<64x256xf32>, vector<256x256xf32>, vector<64x256xf32> -> vector<64x256xf32>
    %mul3A_533 = vector.broadcast %slice3A_527 : vector<1x1xf32> to vector<64x256xf32>
    %mul3A_534 = arith.mulf %mul3A_533, %add3A_521 : vector<64x256xf32>
    %mul3A_535 = vector.broadcast %slice3A_528 : vector<1x1xf32> to vector<64x256xf32>
    %mul3A_536 = arith.mulf %mul3A_535, %dot_general3A_532 : vector<64x256xf32>
    %add3A_537 = arith.addf %mul3A_534, %mul3A_536 : vector<64x256xf32>
    %mul3A_538 = vector.broadcast %slice3A_527 : vector<1x1xf32> to vector<64x256xf32>
    %mul3A_539 = arith.mulf %mul3A_538, %sub3A_526 : vector<64x256xf32>
    %mul3A_540 = vector.broadcast %slice3A_528 : vector<1x1xf32> to vector<64x256xf32>
    %mul3A_541 = arith.mulf %mul3A_540, %dot_general3A_530 : vector<64x256xf32>
    %sub3A_542 = arith.subf %mul3A_539, %mul3A_541 : vector<64x256xf32>
    %slice3A_543 = vector.extract_strided_slice %cos3A_317 {offsets = [1, 4], sizes = [1, 1], strides = [1, 1]} : vector<4x8xf32> to vector<1x1xf32>
    %slice3A_544 = vector.extract_strided_slice %sin3A_318 {offsets = [1, 4], sizes = [1, 1], strides = [1, 1]} : vector<4x8xf32> to vector<1x1xf32>
    %dot_general3A_545 = arith.constant dense<0.000000e+00> : vector<64x256xf32>
    %dot_general3A_546 = tpu.matmul %add3A_537, %convert_element_type3A_56, %dot_general3A_545 {dimension_numbers = #tpu.dot_dimension_numbers<[1], [0], [0], [1], [0, 0, 1, 1], [], []>, precision = #tpu.contract_precision<fp32>, transpose_lhs_hint = false} : vector<64x256xf32>, vector<256x256xf32>, vector<64x256xf32> -> vector<64x256xf32>
    %dot_general3A_547 = arith.constant dense<0.000000e+00> : vector<64x256xf32>
    %dot_general3A_548 = tpu.matmul %sub3A_542, %convert_element_type3A_56, %dot_general3A_547 {dimension_numbers = #tpu.dot_dimension_numbers<[1], [0], [0], [1], [0, 0, 1, 1], [], []>, precision = #tpu.contract_precision<fp32>, transpose_lhs_hint = false} : vector<64x256xf32>, vector<256x256xf32>, vector<64x256xf32> -> vector<64x256xf32>
    %mul3A_549 = vector.broadcast %slice3A_543 : vector<1x1xf32> to vector<64x256xf32>
    %mul3A_550 = arith.mulf %mul3A_549, %add3A_537 : vector<64x256xf32>
    %mul3A_551 = vector.broadcast %slice3A_544 : vector<1x1xf32> to vector<64x256xf32>
    %mul3A_552 = arith.mulf %mul3A_551, %dot_general3A_548 : vector<64x256xf32>
    %add3A_553 = arith.addf %mul3A_550, %mul3A_552 : vector<64x256xf32>
    %mul3A_554 = vector.broadcast %slice3A_543 : vector<1x1xf32> to vector<64x256xf32>
    %mul3A_555 = arith.mulf %mul3A_554, %sub3A_542 : vector<64x256xf32>
    %mul3A_556 = vector.broadcast %slice3A_544 : vector<1x1xf32> to vector<64x256xf32>
    %mul3A_557 = arith.mulf %mul3A_556, %dot_general3A_546 : vector<64x256xf32>
    %sub3A_558 = arith.subf %mul3A_555, %mul3A_557 : vector<64x256xf32>
    %slice3A_559 = vector.extract_strided_slice %cos3A_317 {offsets = [1, 5], sizes = [1, 1], strides = [1, 1]} : vector<4x8xf32> to vector<1x1xf32>
    %slice3A_560 = vector.extract_strided_slice %sin3A_318 {offsets = [1, 5], sizes = [1, 1], strides = [1, 1]} : vector<4x8xf32> to vector<1x1xf32>
    %dot_general3A_561 = arith.constant dense<0.000000e+00> : vector<64x256xf32>
    %dot_general3A_562 = tpu.matmul %add3A_553, %convert_element_type3A_62, %dot_general3A_561 {dimension_numbers = #tpu.dot_dimension_numbers<[1], [0], [0], [1], [0, 0, 1, 1], [], []>, precision = #tpu.contract_precision<fp32>, transpose_lhs_hint = false} : vector<64x256xf32>, vector<256x256xf32>, vector<64x256xf32> -> vector<64x256xf32>
    %dot_general3A_563 = arith.constant dense<0.000000e+00> : vector<64x256xf32>
    %dot_general3A_564 = tpu.matmul %sub3A_558, %convert_element_type3A_62, %dot_general3A_563 {dimension_numbers = #tpu.dot_dimension_numbers<[1], [0], [0], [1], [0, 0, 1, 1], [], []>, precision = #tpu.contract_precision<fp32>, transpose_lhs_hint = false} : vector<64x256xf32>, vector<256x256xf32>, vector<64x256xf32> -> vector<64x256xf32>
    %mul3A_565 = vector.broadcast %slice3A_559 : vector<1x1xf32> to vector<64x256xf32>
    %mul3A_566 = arith.mulf %mul3A_565, %add3A_553 : vector<64x256xf32>
    %mul3A_567 = vector.broadcast %slice3A_560 : vector<1x1xf32> to vector<64x256xf32>
    %mul3A_568 = arith.mulf %mul3A_567, %dot_general3A_564 : vector<64x256xf32>
    %add3A_569 = arith.addf %mul3A_566, %mul3A_568 : vector<64x256xf32>
    %mul3A_570 = vector.broadcast %slice3A_559 : vector<1x1xf32> to vector<64x256xf32>
    %mul3A_571 = arith.mulf %mul3A_570, %sub3A_558 : vector<64x256xf32>
    %mul3A_572 = vector.broadcast %slice3A_560 : vector<1x1xf32> to vector<64x256xf32>
    %mul3A_573 = arith.mulf %mul3A_572, %dot_general3A_562 : vector<64x256xf32>
    %sub3A_574 = arith.subf %mul3A_571, %mul3A_573 : vector<64x256xf32>
    %slice3A_575 = vector.extract_strided_slice %cos3A_317 {offsets = [1, 6], sizes = [1, 1], strides = [1, 1]} : vector<4x8xf32> to vector<1x1xf32>
    %slice3A_576 = vector.extract_strided_slice %sin3A_318 {offsets = [1, 6], sizes = [1, 1], strides = [1, 1]} : vector<4x8xf32> to vector<1x1xf32>
    %dot_general3A_577 = arith.constant dense<0.000000e+00> : vector<64x256xf32>
    %dot_general3A_578 = tpu.matmul %add3A_569, %convert_element_type3A_68, %dot_general3A_577 {dimension_numbers = #tpu.dot_dimension_numbers<[1], [0], [0], [1], [0, 0, 1, 1], [], []>, precision = #tpu.contract_precision<fp32>, transpose_lhs_hint = false} : vector<64x256xf32>, vector<256x256xf32>, vector<64x256xf32> -> vector<64x256xf32>
    %dot_general3A_579 = arith.constant dense<0.000000e+00> : vector<64x256xf32>
    %dot_general3A_580 = tpu.matmul %sub3A_574, %convert_element_type3A_68, %dot_general3A_579 {dimension_numbers = #tpu.dot_dimension_numbers<[1], [0], [0], [1], [0, 0, 1, 1], [], []>, precision = #tpu.contract_precision<fp32>, transpose_lhs_hint = false} : vector<64x256xf32>, vector<256x256xf32>, vector<64x256xf32> -> vector<64x256xf32>
    %mul3A_581 = vector.broadcast %slice3A_575 : vector<1x1xf32> to vector<64x256xf32>
    %mul3A_582 = arith.mulf %mul3A_581, %add3A_569 : vector<64x256xf32>
    %mul3A_583 = vector.broadcast %slice3A_576 : vector<1x1xf32> to vector<64x256xf32>
    %mul3A_584 = arith.mulf %mul3A_583, %dot_general3A_580 : vector<64x256xf32>
    %add3A_585 = arith.addf %mul3A_582, %mul3A_584 : vector<64x256xf32>
    %mul3A_586 = vector.broadcast %slice3A_575 : vector<1x1xf32> to vector<64x256xf32>
    %mul3A_587 = arith.mulf %mul3A_586, %sub3A_574 : vector<64x256xf32>
    %mul3A_588 = vector.broadcast %slice3A_576 : vector<1x1xf32> to vector<64x256xf32>
    %mul3A_589 = arith.mulf %mul3A_588, %dot_general3A_578 : vector<64x256xf32>
    %sub3A_590 = arith.subf %mul3A_587, %mul3A_589 : vector<64x256xf32>
    %slice3A_591 = vector.extract_strided_slice %cos3A_317 {offsets = [1, 7], sizes = [1, 1], strides = [1, 1]} : vector<4x8xf32> to vector<1x1xf32>
    %slice3A_592 = vector.extract_strided_slice %sin3A_318 {offsets = [1, 7], sizes = [1, 1], strides = [1, 1]} : vector<4x8xf32> to vector<1x1xf32>
    %dot_general3A_593 = arith.constant dense<0.000000e+00> : vector<64x256xf32>
    %dot_general3A_594 = tpu.matmul %add3A_585, %convert_element_type3A_74, %dot_general3A_593 {dimension_numbers = #tpu.dot_dimension_numbers<[1], [0], [0], [1], [0, 0, 1, 1], [], []>, precision = #tpu.contract_precision<fp32>, transpose_lhs_hint = false} : vector<64x256xf32>, vector<256x256xf32>, vector<64x256xf32> -> vector<64x256xf32>
    %dot_general3A_595 = arith.constant dense<0.000000e+00> : vector<64x256xf32>
    %dot_general3A_596 = tpu.matmul %sub3A_590, %convert_element_type3A_74, %dot_general3A_595 {dimension_numbers = #tpu.dot_dimension_numbers<[1], [0], [0], [1], [0, 0, 1, 1], [], []>, precision = #tpu.contract_precision<fp32>, transpose_lhs_hint = false} : vector<64x256xf32>, vector<256x256xf32>, vector<64x256xf32> -> vector<64x256xf32>
    %mul3A_597 = vector.broadcast %slice3A_591 : vector<1x1xf32> to vector<64x256xf32>
    %mul3A_598 = arith.mulf %mul3A_597, %add3A_585 : vector<64x256xf32>
    %mul3A_599 = vector.broadcast %slice3A_592 : vector<1x1xf32> to vector<64x256xf32>
    %mul3A_600 = arith.mulf %mul3A_599, %dot_general3A_596 : vector<64x256xf32>
    %add3A_601 = arith.addf %mul3A_598, %mul3A_600 : vector<64x256xf32>
    %mul3A_602 = vector.broadcast %slice3A_591 : vector<1x1xf32> to vector<64x256xf32>
    %mul3A_603 = arith.mulf %mul3A_602, %sub3A_590 : vector<64x256xf32>
    %mul3A_604 = vector.broadcast %slice3A_592 : vector<1x1xf32> to vector<64x256xf32>
    %mul3A_605 = arith.mulf %mul3A_604, %dot_general3A_594 : vector<64x256xf32>
    %sub3A_606 = arith.subf %mul3A_603, %mul3A_605 : vector<64x256xf32>
    %dot_general3A_607 = arith.constant dense<0.000000e+00> : vector<64x256xf32>
    %dot_general3A_608 = tpu.matmul %add3A_601, %convert_element_type3A_85, %dot_general3A_607 {dimension_numbers = #tpu.dot_dimension_numbers<[1], [0], [0], [1], [0, 0, 1, 1], [], []>, precision = #tpu.contract_precision<fp32>, transpose_lhs_hint = false} : vector<64x256xf32>, vector<256x256xf32>, vector<64x256xf32> -> vector<64x256xf32>
    %dot_general3A_609 = arith.constant dense<0.000000e+00> : vector<64x256xf32>
    %dot_general3A_610 = tpu.matmul %sub3A_606, %convert_element_type3A_85, %dot_general3A_609 {dimension_numbers = #tpu.dot_dimension_numbers<[1], [0], [0], [1], [0, 0, 1, 1], [], []>, precision = #tpu.contract_precision<fp32>, transpose_lhs_hint = false} : vector<64x256xf32>, vector<256x256xf32>, vector<64x256xf32> -> vector<64x256xf32>
    %dot_general3A_611 = arith.constant dense<0.000000e+00> : vector<64x256xf32>
    %dot_general3A_612 = tpu.matmul %dot_general3A_608, %convert_element_type3A_98, %dot_general3A_611 {dimension_numbers = #tpu.dot_dimension_numbers<[1], [0], [0], [1], [0, 0, 1, 1], [], []>, precision = #tpu.contract_precision<fp32>, transpose_lhs_hint = false} : vector<64x256xf32>, vector<256x256xf32>, vector<64x256xf32> -> vector<64x256xf32>
    %dot_general3A_613 = arith.constant dense<0.000000e+00> : vector<64x256xf32>
    %dot_general3A_614 = tpu.matmul %dot_general3A_610, %convert_element_type3A_98, %dot_general3A_613 {dimension_numbers = #tpu.dot_dimension_numbers<[1], [0], [0], [1], [0, 0, 1, 1], [], []>, precision = #tpu.contract_precision<fp32>, transpose_lhs_hint = false} : vector<64x256xf32>, vector<256x256xf32>, vector<64x256xf32> -> vector<64x256xf32>
    %dot_general3A_615 = arith.constant dense<0.000000e+00> : vector<64x256xf32>
    %dot_general3A_616 = tpu.matmul %dot_general3A_612, %convert_element_type3A_111, %dot_general3A_615 {dimension_numbers = #tpu.dot_dimension_numbers<[1], [0], [0], [1], [0, 0, 1, 1], [], []>, precision = #tpu.contract_precision<fp32>, transpose_lhs_hint = false} : vector<64x256xf32>, vector<256x256xf32>, vector<64x256xf32> -> vector<64x256xf32>
    %dot_general3A_617 = arith.constant dense<0.000000e+00> : vector<64x256xf32>
    %dot_general3A_618 = tpu.matmul %dot_general3A_614, %convert_element_type3A_111, %dot_general3A_617 {dimension_numbers = #tpu.dot_dimension_numbers<[1], [0], [0], [1], [0, 0, 1, 1], [], []>, precision = #tpu.contract_precision<fp32>, transpose_lhs_hint = false} : vector<64x256xf32>, vector<256x256xf32>, vector<64x256xf32> -> vector<64x256xf32>
    %dot_general3A_619 = arith.constant dense<0.000000e+00> : vector<64x256xf32>
    %dot_general3A_620 = tpu.matmul %dot_general3A_616, %convert_element_type3A_124, %dot_general3A_619 {dimension_numbers = #tpu.dot_dimension_numbers<[1], [0], [0], [1], [0, 0, 1, 1], [], []>, precision = #tpu.contract_precision<fp32>, transpose_lhs_hint = false} : vector<64x256xf32>, vector<256x256xf32>, vector<64x256xf32> -> vector<64x256xf32>
    %dot_general3A_621 = arith.constant dense<0.000000e+00> : vector<64x256xf32>
    %dot_general3A_622 = tpu.matmul %dot_general3A_618, %convert_element_type3A_124, %dot_general3A_621 {dimension_numbers = #tpu.dot_dimension_numbers<[1], [0], [0], [1], [0, 0, 1, 1], [], []>, precision = #tpu.contract_precision<fp32>, transpose_lhs_hint = false} : vector<64x256xf32>, vector<256x256xf32>, vector<64x256xf32> -> vector<64x256xf32>
    %dot_general3A_623 = arith.constant dense<0.000000e+00> : vector<64x256xf32>
    %dot_general3A_624 = tpu.matmul %dot_general3A_620, %convert_element_type3A_137, %dot_general3A_623 {dimension_numbers = #tpu.dot_dimension_numbers<[1], [0], [0], [1], [0, 0, 1, 1], [], []>, precision = #tpu.contract_precision<fp32>, transpose_lhs_hint = false} : vector<64x256xf32>, vector<256x256xf32>, vector<64x256xf32> -> vector<64x256xf32>
    %dot_general3A_625 = arith.constant dense<0.000000e+00> : vector<64x256xf32>
    %dot_general3A_626 = tpu.matmul %dot_general3A_622, %convert_element_type3A_137, %dot_general3A_625 {dimension_numbers = #tpu.dot_dimension_numbers<[1], [0], [0], [1], [0, 0, 1, 1], [], []>, precision = #tpu.contract_precision<fp32>, transpose_lhs_hint = false} : vector<64x256xf32>, vector<256x256xf32>, vector<64x256xf32> -> vector<64x256xf32>
    %dot_general3A_627 = arith.constant dense<0.000000e+00> : vector<64x256xf32>
    %dot_general3A_628 = tpu.matmul %dot_general3A_624, %convert_element_type3A_150, %dot_general3A_627 {dimension_numbers = #tpu.dot_dimension_numbers<[1], [0], [0], [1], [0, 0, 1, 1], [], []>, precision = #tpu.contract_precision<fp32>, transpose_lhs_hint = false} : vector<64x256xf32>, vector<256x256xf32>, vector<64x256xf32> -> vector<64x256xf32>
    %dot_general3A_629 = arith.constant dense<0.000000e+00> : vector<64x256xf32>
    %dot_general3A_630 = tpu.matmul %dot_general3A_626, %convert_element_type3A_150, %dot_general3A_629 {dimension_numbers = #tpu.dot_dimension_numbers<[1], [0], [0], [1], [0, 0, 1, 1], [], []>, precision = #tpu.contract_precision<fp32>, transpose_lhs_hint = false} : vector<64x256xf32>, vector<256x256xf32>, vector<64x256xf32> -> vector<64x256xf32>
    %dot_general3A_631 = arith.constant dense<0.000000e+00> : vector<64x256xf32>
    %dot_general3A_632 = tpu.matmul %dot_general3A_628, %convert_element_type3A_163, %dot_general3A_631 {dimension_numbers = #tpu.dot_dimension_numbers<[1], [0], [0], [1], [0, 0, 1, 1], [], []>, precision = #tpu.contract_precision<fp32>, transpose_lhs_hint = false} : vector<64x256xf32>, vector<256x256xf32>, vector<64x256xf32> -> vector<64x256xf32>
    %dot_general3A_633 = arith.constant dense<0.000000e+00> : vector<64x256xf32>
    %dot_general3A_634 = tpu.matmul %dot_general3A_630, %convert_element_type3A_163, %dot_general3A_633 {dimension_numbers = #tpu.dot_dimension_numbers<[1], [0], [0], [1], [0, 0, 1, 1], [], []>, precision = #tpu.contract_precision<fp32>, transpose_lhs_hint = false} : vector<64x256xf32>, vector<256x256xf32>, vector<64x256xf32> -> vector<64x256xf32>
    %dot_general3A_635 = arith.constant dense<0.000000e+00> : vector<64x256xf32>
    %dot_general3A_636 = tpu.matmul %dot_general3A_632, %convert_element_type3A_176, %dot_general3A_635 {dimension_numbers = #tpu.dot_dimension_numbers<[1], [0], [0], [1], [0, 0, 1, 1], [], []>, precision = #tpu.contract_precision<fp32>, transpose_lhs_hint = false} : vector<64x256xf32>, vector<256x256xf32>, vector<64x256xf32> -> vector<64x256xf32>
    %dot_general3A_637 = arith.constant dense<0.000000e+00> : vector<64x256xf32>
    %dot_general3A_638 = tpu.matmul %dot_general3A_634, %convert_element_type3A_176, %dot_general3A_637 {dimension_numbers = #tpu.dot_dimension_numbers<[1], [0], [0], [1], [0, 0, 1, 1], [], []>, precision = #tpu.contract_precision<fp32>, transpose_lhs_hint = false} : vector<64x256xf32>, vector<256x256xf32>, vector<64x256xf32> -> vector<64x256xf32>
    %slice3A_639 = vector.extract_strided_slice %cos3A_317 {offsets = [2, 0], sizes = [1, 1], strides = [1, 1]} : vector<4x8xf32> to vector<1x1xf32>
    %slice3A_640 = vector.extract_strided_slice %sin3A_318 {offsets = [2, 0], sizes = [1, 1], strides = [1, 1]} : vector<4x8xf32> to vector<1x1xf32>
    %dot_general3A_641 = arith.constant dense<0.000000e+00> : vector<64x256xf32>
    %dot_general3A_642 = tpu.matmul %dot_general3A_636, %convert_element_type3A_32, %dot_general3A_641 {dimension_numbers = #tpu.dot_dimension_numbers<[1], [0], [0], [1], [0, 0, 1, 1], [], []>, precision = #tpu.contract_precision<fp32>, transpose_lhs_hint = false} : vector<64x256xf32>, vector<256x256xf32>, vector<64x256xf32> -> vector<64x256xf32>
    %dot_general3A_643 = arith.constant dense<0.000000e+00> : vector<64x256xf32>
    %dot_general3A_644 = tpu.matmul %dot_general3A_638, %convert_element_type3A_32, %dot_general3A_643 {dimension_numbers = #tpu.dot_dimension_numbers<[1], [0], [0], [1], [0, 0, 1, 1], [], []>, precision = #tpu.contract_precision<fp32>, transpose_lhs_hint = false} : vector<64x256xf32>, vector<256x256xf32>, vector<64x256xf32> -> vector<64x256xf32>
    %mul3A_645 = vector.broadcast %slice3A_639 : vector<1x1xf32> to vector<64x256xf32>
    %mul3A_646 = arith.mulf %mul3A_645, %dot_general3A_636 : vector<64x256xf32>
    %mul3A_647 = vector.broadcast %slice3A_640 : vector<1x1xf32> to vector<64x256xf32>
    %mul3A_648 = arith.mulf %mul3A_647, %dot_general3A_644 : vector<64x256xf32>
    %add3A_649 = arith.addf %mul3A_646, %mul3A_648 : vector<64x256xf32>
    %mul3A_650 = vector.broadcast %slice3A_639 : vector<1x1xf32> to vector<64x256xf32>
    %mul3A_651 = arith.mulf %mul3A_650, %dot_general3A_638 : vector<64x256xf32>
    %mul3A_652 = vector.broadcast %slice3A_640 : vector<1x1xf32> to vector<64x256xf32>
    %mul3A_653 = arith.mulf %mul3A_652, %dot_general3A_642 : vector<64x256xf32>
    %sub3A_654 = arith.subf %mul3A_651, %mul3A_653 : vector<64x256xf32>
    %slice3A_655 = vector.extract_strided_slice %cos3A_317 {offsets = [2, 1], sizes = [1, 1], strides = [1, 1]} : vector<4x8xf32> to vector<1x1xf32>
    %slice3A_656 = vector.extract_strided_slice %sin3A_318 {offsets = [2, 1], sizes = [1, 1], strides = [1, 1]} : vector<4x8xf32> to vector<1x1xf32>
    %dot_general3A_657 = arith.constant dense<0.000000e+00> : vector<64x256xf32>
    %dot_general3A_658 = tpu.matmul %add3A_649, %convert_element_type3A_38, %dot_general3A_657 {dimension_numbers = #tpu.dot_dimension_numbers<[1], [0], [0], [1], [0, 0, 1, 1], [], []>, precision = #tpu.contract_precision<fp32>, transpose_lhs_hint = false} : vector<64x256xf32>, vector<256x256xf32>, vector<64x256xf32> -> vector<64x256xf32>
    %dot_general3A_659 = arith.constant dense<0.000000e+00> : vector<64x256xf32>
    %dot_general3A_660 = tpu.matmul %sub3A_654, %convert_element_type3A_38, %dot_general3A_659 {dimension_numbers = #tpu.dot_dimension_numbers<[1], [0], [0], [1], [0, 0, 1, 1], [], []>, precision = #tpu.contract_precision<fp32>, transpose_lhs_hint = false} : vector<64x256xf32>, vector<256x256xf32>, vector<64x256xf32> -> vector<64x256xf32>
    %mul3A_661 = vector.broadcast %slice3A_655 : vector<1x1xf32> to vector<64x256xf32>
    %mul3A_662 = arith.mulf %mul3A_661, %add3A_649 : vector<64x256xf32>
    %mul3A_663 = vector.broadcast %slice3A_656 : vector<1x1xf32> to vector<64x256xf32>
    %mul3A_664 = arith.mulf %mul3A_663, %dot_general3A_660 : vector<64x256xf32>
    %add3A_665 = arith.addf %mul3A_662, %mul3A_664 : vector<64x256xf32>
    %mul3A_666 = vector.broadcast %slice3A_655 : vector<1x1xf32> to vector<64x256xf32>
    %mul3A_667 = arith.mulf %mul3A_666, %sub3A_654 : vector<64x256xf32>
    %mul3A_668 = vector.broadcast %slice3A_656 : vector<1x1xf32> to vector<64x256xf32>
    %mul3A_669 = arith.mulf %mul3A_668, %dot_general3A_658 : vector<64x256xf32>
    %sub3A_670 = arith.subf %mul3A_667, %mul3A_669 : vector<64x256xf32>
    %slice3A_671 = vector.extract_strided_slice %cos3A_317 {offsets = [2, 2], sizes = [1, 1], strides = [1, 1]} : vector<4x8xf32> to vector<1x1xf32>
    %slice3A_672 = vector.extract_strided_slice %sin3A_318 {offsets = [2, 2], sizes = [1, 1], strides = [1, 1]} : vector<4x8xf32> to vector<1x1xf32>
    %dot_general3A_673 = arith.constant dense<0.000000e+00> : vector<64x256xf32>
    %dot_general3A_674 = tpu.matmul %add3A_665, %convert_element_type3A_44, %dot_general3A_673 {dimension_numbers = #tpu.dot_dimension_numbers<[1], [0], [0], [1], [0, 0, 1, 1], [], []>, precision = #tpu.contract_precision<fp32>, transpose_lhs_hint = false} : vector<64x256xf32>, vector<256x256xf32>, vector<64x256xf32> -> vector<64x256xf32>
    %dot_general3A_675 = arith.constant dense<0.000000e+00> : vector<64x256xf32>
    %dot_general3A_676 = tpu.matmul %sub3A_670, %convert_element_type3A_44, %dot_general3A_675 {dimension_numbers = #tpu.dot_dimension_numbers<[1], [0], [0], [1], [0, 0, 1, 1], [], []>, precision = #tpu.contract_precision<fp32>, transpose_lhs_hint = false} : vector<64x256xf32>, vector<256x256xf32>, vector<64x256xf32> -> vector<64x256xf32>
    %mul3A_677 = vector.broadcast %slice3A_671 : vector<1x1xf32> to vector<64x256xf32>
    %mul3A_678 = arith.mulf %mul3A_677, %add3A_665 : vector<64x256xf32>
    %mul3A_679 = vector.broadcast %slice3A_672 : vector<1x1xf32> to vector<64x256xf32>
    %mul3A_680 = arith.mulf %mul3A_679, %dot_general3A_676 : vector<64x256xf32>
    %add3A_681 = arith.addf %mul3A_678, %mul3A_680 : vector<64x256xf32>
    %mul3A_682 = vector.broadcast %slice3A_671 : vector<1x1xf32> to vector<64x256xf32>
    %mul3A_683 = arith.mulf %mul3A_682, %sub3A_670 : vector<64x256xf32>
    %mul3A_684 = vector.broadcast %slice3A_672 : vector<1x1xf32> to vector<64x256xf32>
    %mul3A_685 = arith.mulf %mul3A_684, %dot_general3A_674 : vector<64x256xf32>
    %sub3A_686 = arith.subf %mul3A_683, %mul3A_685 : vector<64x256xf32>
    %slice3A_687 = vector.extract_strided_slice %cos3A_317 {offsets = [2, 3], sizes = [1, 1], strides = [1, 1]} : vector<4x8xf32> to vector<1x1xf32>
    %slice3A_688 = vector.extract_strided_slice %sin3A_318 {offsets = [2, 3], sizes = [1, 1], strides = [1, 1]} : vector<4x8xf32> to vector<1x1xf32>
    %dot_general3A_689 = arith.constant dense<0.000000e+00> : vector<64x256xf32>
    %dot_general3A_690 = tpu.matmul %add3A_681, %convert_element_type3A_50, %dot_general3A_689 {dimension_numbers = #tpu.dot_dimension_numbers<[1], [0], [0], [1], [0, 0, 1, 1], [], []>, precision = #tpu.contract_precision<fp32>, transpose_lhs_hint = false} : vector<64x256xf32>, vector<256x256xf32>, vector<64x256xf32> -> vector<64x256xf32>
    %dot_general3A_691 = arith.constant dense<0.000000e+00> : vector<64x256xf32>
    %dot_general3A_692 = tpu.matmul %sub3A_686, %convert_element_type3A_50, %dot_general3A_691 {dimension_numbers = #tpu.dot_dimension_numbers<[1], [0], [0], [1], [0, 0, 1, 1], [], []>, precision = #tpu.contract_precision<fp32>, transpose_lhs_hint = false} : vector<64x256xf32>, vector<256x256xf32>, vector<64x256xf32> -> vector<64x256xf32>
    %mul3A_693 = vector.broadcast %slice3A_687 : vector<1x1xf32> to vector<64x256xf32>
    %mul3A_694 = arith.mulf %mul3A_693, %add3A_681 : vector<64x256xf32>
    %mul3A_695 = vector.broadcast %slice3A_688 : vector<1x1xf32> to vector<64x256xf32>
    %mul3A_696 = arith.mulf %mul3A_695, %dot_general3A_692 : vector<64x256xf32>
    %add3A_697 = arith.addf %mul3A_694, %mul3A_696 : vector<64x256xf32>
    %mul3A_698 = vector.broadcast %slice3A_687 : vector<1x1xf32> to vector<64x256xf32>
    %mul3A_699 = arith.mulf %mul3A_698, %sub3A_686 : vector<64x256xf32>
    %mul3A_700 = vector.broadcast %slice3A_688 : vector<1x1xf32> to vector<64x256xf32>
    %mul3A_701 = arith.mulf %mul3A_700, %dot_general3A_690 : vector<64x256xf32>
    %sub3A_702 = arith.subf %mul3A_699, %mul3A_701 : vector<64x256xf32>
    %slice3A_703 = vector.extract_strided_slice %cos3A_317 {offsets = [2, 4], sizes = [1, 1], strides = [1, 1]} : vector<4x8xf32> to vector<1x1xf32>
    %slice3A_704 = vector.extract_strided_slice %sin3A_318 {offsets = [2, 4], sizes = [1, 1], strides = [1, 1]} : vector<4x8xf32> to vector<1x1xf32>
    %dot_general3A_705 = arith.constant dense<0.000000e+00> : vector<64x256xf32>
    %dot_general3A_706 = tpu.matmul %add3A_697, %convert_element_type3A_56, %dot_general3A_705 {dimension_numbers = #tpu.dot_dimension_numbers<[1], [0], [0], [1], [0, 0, 1, 1], [], []>, precision = #tpu.contract_precision<fp32>, transpose_lhs_hint = false} : vector<64x256xf32>, vector<256x256xf32>, vector<64x256xf32> -> vector<64x256xf32>
    %dot_general3A_707 = arith.constant dense<0.000000e+00> : vector<64x256xf32>
    %dot_general3A_708 = tpu.matmul %sub3A_702, %convert_element_type3A_56, %dot_general3A_707 {dimension_numbers = #tpu.dot_dimension_numbers<[1], [0], [0], [1], [0, 0, 1, 1], [], []>, precision = #tpu.contract_precision<fp32>, transpose_lhs_hint = false} : vector<64x256xf32>, vector<256x256xf32>, vector<64x256xf32> -> vector<64x256xf32>
    %mul3A_709 = vector.broadcast %slice3A_703 : vector<1x1xf32> to vector<64x256xf32>
    %mul3A_710 = arith.mulf %mul3A_709, %add3A_697 : vector<64x256xf32>
    %mul3A_711 = vector.broadcast %slice3A_704 : vector<1x1xf32> to vector<64x256xf32>
    %mul3A_712 = arith.mulf %mul3A_711, %dot_general3A_708 : vector<64x256xf32>
    %add3A_713 = arith.addf %mul3A_710, %mul3A_712 : vector<64x256xf32>
    %mul3A_714 = vector.broadcast %slice3A_703 : vector<1x1xf32> to vector<64x256xf32>
    %mul3A_715 = arith.mulf %mul3A_714, %sub3A_702 : vector<64x256xf32>
    %mul3A_716 = vector.broadcast %slice3A_704 : vector<1x1xf32> to vector<64x256xf32>
    %mul3A_717 = arith.mulf %mul3A_716, %dot_general3A_706 : vector<64x256xf32>
    %sub3A_718 = arith.subf %mul3A_715, %mul3A_717 : vector<64x256xf32>
    %slice3A_719 = vector.extract_strided_slice %cos3A_317 {offsets = [2, 5], sizes = [1, 1], strides = [1, 1]} : vector<4x8xf32> to vector<1x1xf32>
    %slice3A_720 = vector.extract_strided_slice %sin3A_318 {offsets = [2, 5], sizes = [1, 1], strides = [1, 1]} : vector<4x8xf32> to vector<1x1xf32>
    %dot_general3A_721 = arith.constant dense<0.000000e+00> : vector<64x256xf32>
    %dot_general3A_722 = tpu.matmul %add3A_713, %convert_element_type3A_62, %dot_general3A_721 {dimension_numbers = #tpu.dot_dimension_numbers<[1], [0], [0], [1], [0, 0, 1, 1], [], []>, precision = #tpu.contract_precision<fp32>, transpose_lhs_hint = false} : vector<64x256xf32>, vector<256x256xf32>, vector<64x256xf32> -> vector<64x256xf32>
    %dot_general3A_723 = arith.constant dense<0.000000e+00> : vector<64x256xf32>
    %dot_general3A_724 = tpu.matmul %sub3A_718, %convert_element_type3A_62, %dot_general3A_723 {dimension_numbers = #tpu.dot_dimension_numbers<[1], [0], [0], [1], [0, 0, 1, 1], [], []>, precision = #tpu.contract_precision<fp32>, transpose_lhs_hint = false} : vector<64x256xf32>, vector<256x256xf32>, vector<64x256xf32> -> vector<64x256xf32>
    %mul3A_725 = vector.broadcast %slice3A_719 : vector<1x1xf32> to vector<64x256xf32>
    %mul3A_726 = arith.mulf %mul3A_725, %add3A_713 : vector<64x256xf32>
    %mul3A_727 = vector.broadcast %slice3A_720 : vector<1x1xf32> to vector<64x256xf32>
    %mul3A_728 = arith.mulf %mul3A_727, %dot_general3A_724 : vector<64x256xf32>
    %add3A_729 = arith.addf %mul3A_726, %mul3A_728 : vector<64x256xf32>
    %mul3A_730 = vector.broadcast %slice3A_719 : vector<1x1xf32> to vector<64x256xf32>
    %mul3A_731 = arith.mulf %mul3A_730, %sub3A_718 : vector<64x256xf32>
    %mul3A_732 = vector.broadcast %slice3A_720 : vector<1x1xf32> to vector<64x256xf32>
    %mul3A_733 = arith.mulf %mul3A_732, %dot_general3A_722 : vector<64x256xf32>
    %sub3A_734 = arith.subf %mul3A_731, %mul3A_733 : vector<64x256xf32>
    %slice3A_735 = vector.extract_strided_slice %cos3A_317 {offsets = [2, 6], sizes = [1, 1], strides = [1, 1]} : vector<4x8xf32> to vector<1x1xf32>
    %slice3A_736 = vector.extract_strided_slice %sin3A_318 {offsets = [2, 6], sizes = [1, 1], strides = [1, 1]} : vector<4x8xf32> to vector<1x1xf32>
    %dot_general3A_737 = arith.constant dense<0.000000e+00> : vector<64x256xf32>
    %dot_general3A_738 = tpu.matmul %add3A_729, %convert_element_type3A_68, %dot_general3A_737 {dimension_numbers = #tpu.dot_dimension_numbers<[1], [0], [0], [1], [0, 0, 1, 1], [], []>, precision = #tpu.contract_precision<fp32>, transpose_lhs_hint = false} : vector<64x256xf32>, vector<256x256xf32>, vector<64x256xf32> -> vector<64x256xf32>
    %dot_general3A_739 = arith.constant dense<0.000000e+00> : vector<64x256xf32>
    %dot_general3A_740 = tpu.matmul %sub3A_734, %convert_element_type3A_68, %dot_general3A_739 {dimension_numbers = #tpu.dot_dimension_numbers<[1], [0], [0], [1], [0, 0, 1, 1], [], []>, precision = #tpu.contract_precision<fp32>, transpose_lhs_hint = false} : vector<64x256xf32>, vector<256x256xf32>, vector<64x256xf32> -> vector<64x256xf32>
    %mul3A_741 = vector.broadcast %slice3A_735 : vector<1x1xf32> to vector<64x256xf32>
    %mul3A_742 = arith.mulf %mul3A_741, %add3A_729 : vector<64x256xf32>
    %mul3A_743 = vector.broadcast %slice3A_736 : vector<1x1xf32> to vector<64x256xf32>
    %mul3A_744 = arith.mulf %mul3A_743, %dot_general3A_740 : vector<64x256xf32>
    %add3A_745 = arith.addf %mul3A_742, %mul3A_744 : vector<64x256xf32>
    %mul3A_746 = vector.broadcast %slice3A_735 : vector<1x1xf32> to vector<64x256xf32>
    %mul3A_747 = arith.mulf %mul3A_746, %sub3A_734 : vector<64x256xf32>
    %mul3A_748 = vector.broadcast %slice3A_736 : vector<1x1xf32> to vector<64x256xf32>
    %mul3A_749 = arith.mulf %mul3A_748, %dot_general3A_738 : vector<64x256xf32>
    %sub3A_750 = arith.subf %mul3A_747, %mul3A_749 : vector<64x256xf32>
    %slice3A_751 = vector.extract_strided_slice %cos3A_317 {offsets = [2, 7], sizes = [1, 1], strides = [1, 1]} : vector<4x8xf32> to vector<1x1xf32>
    %slice3A_752 = vector.extract_strided_slice %sin3A_318 {offsets = [2, 7], sizes = [1, 1], strides = [1, 1]} : vector<4x8xf32> to vector<1x1xf32>
    %dot_general3A_753 = arith.constant dense<0.000000e+00> : vector<64x256xf32>
    %dot_general3A_754 = tpu.matmul %add3A_745, %convert_element_type3A_74, %dot_general3A_753 {dimension_numbers = #tpu.dot_dimension_numbers<[1], [0], [0], [1], [0, 0, 1, 1], [], []>, precision = #tpu.contract_precision<fp32>, transpose_lhs_hint = false} : vector<64x256xf32>, vector<256x256xf32>, vector<64x256xf32> -> vector<64x256xf32>
    %dot_general3A_755 = arith.constant dense<0.000000e+00> : vector<64x256xf32>
    %dot_general3A_756 = tpu.matmul %sub3A_750, %convert_element_type3A_74, %dot_general3A_755 {dimension_numbers = #tpu.dot_dimension_numbers<[1], [0], [0], [1], [0, 0, 1, 1], [], []>, precision = #tpu.contract_precision<fp32>, transpose_lhs_hint = false} : vector<64x256xf32>, vector<256x256xf32>, vector<64x256xf32> -> vector<64x256xf32>
    %mul3A_757 = vector.broadcast %slice3A_751 : vector<1x1xf32> to vector<64x256xf32>
    %mul3A_758 = arith.mulf %mul3A_757, %add3A_745 : vector<64x256xf32>
    %mul3A_759 = vector.broadcast %slice3A_752 : vector<1x1xf32> to vector<64x256xf32>
    %mul3A_760 = arith.mulf %mul3A_759, %dot_general3A_756 : vector<64x256xf32>
    %add3A_761 = arith.addf %mul3A_758, %mul3A_760 : vector<64x256xf32>
    %mul3A_762 = vector.broadcast %slice3A_751 : vector<1x1xf32> to vector<64x256xf32>
    %mul3A_763 = arith.mulf %mul3A_762, %sub3A_750 : vector<64x256xf32>
    %mul3A_764 = vector.broadcast %slice3A_752 : vector<1x1xf32> to vector<64x256xf32>
    %mul3A_765 = arith.mulf %mul3A_764, %dot_general3A_754 : vector<64x256xf32>
    %sub3A_766 = arith.subf %mul3A_763, %mul3A_765 : vector<64x256xf32>
    %dot_general3A_767 = arith.constant dense<0.000000e+00> : vector<64x256xf32>
    %dot_general3A_768 = tpu.matmul %add3A_761, %convert_element_type3A_85, %dot_general3A_767 {dimension_numbers = #tpu.dot_dimension_numbers<[1], [0], [0], [1], [0, 0, 1, 1], [], []>, precision = #tpu.contract_precision<fp32>, transpose_lhs_hint = false} : vector<64x256xf32>, vector<256x256xf32>, vector<64x256xf32> -> vector<64x256xf32>
    %dot_general3A_769 = arith.constant dense<0.000000e+00> : vector<64x256xf32>
    %dot_general3A_770 = tpu.matmul %sub3A_766, %convert_element_type3A_85, %dot_general3A_769 {dimension_numbers = #tpu.dot_dimension_numbers<[1], [0], [0], [1], [0, 0, 1, 1], [], []>, precision = #tpu.contract_precision<fp32>, transpose_lhs_hint = false} : vector<64x256xf32>, vector<256x256xf32>, vector<64x256xf32> -> vector<64x256xf32>
    %dot_general3A_771 = arith.constant dense<0.000000e+00> : vector<64x256xf32>
    %dot_general3A_772 = tpu.matmul %dot_general3A_768, %convert_element_type3A_98, %dot_general3A_771 {dimension_numbers = #tpu.dot_dimension_numbers<[1], [0], [0], [1], [0, 0, 1, 1], [], []>, precision = #tpu.contract_precision<fp32>, transpose_lhs_hint = false} : vector<64x256xf32>, vector<256x256xf32>, vector<64x256xf32> -> vector<64x256xf32>
    %dot_general3A_773 = arith.constant dense<0.000000e+00> : vector<64x256xf32>
    %dot_general3A_774 = tpu.matmul %dot_general3A_770, %convert_element_type3A_98, %dot_general3A_773 {dimension_numbers = #tpu.dot_dimension_numbers<[1], [0], [0], [1], [0, 0, 1, 1], [], []>, precision = #tpu.contract_precision<fp32>, transpose_lhs_hint = false} : vector<64x256xf32>, vector<256x256xf32>, vector<64x256xf32> -> vector<64x256xf32>
    %dot_general3A_775 = arith.constant dense<0.000000e+00> : vector<64x256xf32>
    %dot_general3A_776 = tpu.matmul %dot_general3A_772, %convert_element_type3A_111, %dot_general3A_775 {dimension_numbers = #tpu.dot_dimension_numbers<[1], [0], [0], [1], [0, 0, 1, 1], [], []>, precision = #tpu.contract_precision<fp32>, transpose_lhs_hint = false} : vector<64x256xf32>, vector<256x256xf32>, vector<64x256xf32> -> vector<64x256xf32>
    %dot_general3A_777 = arith.constant dense<0.000000e+00> : vector<64x256xf32>
    %dot_general3A_778 = tpu.matmul %dot_general3A_774, %convert_element_type3A_111, %dot_general3A_777 {dimension_numbers = #tpu.dot_dimension_numbers<[1], [0], [0], [1], [0, 0, 1, 1], [], []>, precision = #tpu.contract_precision<fp32>, transpose_lhs_hint = false} : vector<64x256xf32>, vector<256x256xf32>, vector<64x256xf32> -> vector<64x256xf32>
    %dot_general3A_779 = arith.constant dense<0.000000e+00> : vector<64x256xf32>
    %dot_general3A_780 = tpu.matmul %dot_general3A_776, %convert_element_type3A_124, %dot_general3A_779 {dimension_numbers = #tpu.dot_dimension_numbers<[1], [0], [0], [1], [0, 0, 1, 1], [], []>, precision = #tpu.contract_precision<fp32>, transpose_lhs_hint = false} : vector<64x256xf32>, vector<256x256xf32>, vector<64x256xf32> -> vector<64x256xf32>
    %dot_general3A_781 = arith.constant dense<0.000000e+00> : vector<64x256xf32>
    %dot_general3A_782 = tpu.matmul %dot_general3A_778, %convert_element_type3A_124, %dot_general3A_781 {dimension_numbers = #tpu.dot_dimension_numbers<[1], [0], [0], [1], [0, 0, 1, 1], [], []>, precision = #tpu.contract_precision<fp32>, transpose_lhs_hint = false} : vector<64x256xf32>, vector<256x256xf32>, vector<64x256xf32> -> vector<64x256xf32>
    %dot_general3A_783 = arith.constant dense<0.000000e+00> : vector<64x256xf32>
    %dot_general3A_784 = tpu.matmul %dot_general3A_780, %convert_element_type3A_137, %dot_general3A_783 {dimension_numbers = #tpu.dot_dimension_numbers<[1], [0], [0], [1], [0, 0, 1, 1], [], []>, precision = #tpu.contract_precision<fp32>, transpose_lhs_hint = false} : vector<64x256xf32>, vector<256x256xf32>, vector<64x256xf32> -> vector<64x256xf32>
    %dot_general3A_785 = arith.constant dense<0.000000e+00> : vector<64x256xf32>
    %dot_general3A_786 = tpu.matmul %dot_general3A_782, %convert_element_type3A_137, %dot_general3A_785 {dimension_numbers = #tpu.dot_dimension_numbers<[1], [0], [0], [1], [0, 0, 1, 1], [], []>, precision = #tpu.contract_precision<fp32>, transpose_lhs_hint = false} : vector<64x256xf32>, vector<256x256xf32>, vector<64x256xf32> -> vector<64x256xf32>
    %dot_general3A_787 = arith.constant dense<0.000000e+00> : vector<64x256xf32>
    %dot_general3A_788 = tpu.matmul %dot_general3A_784, %convert_element_type3A_150, %dot_general3A_787 {dimension_numbers = #tpu.dot_dimension_numbers<[1], [0], [0], [1], [0, 0, 1, 1], [], []>, precision = #tpu.contract_precision<fp32>, transpose_lhs_hint = false} : vector<64x256xf32>, vector<256x256xf32>, vector<64x256xf32> -> vector<64x256xf32>
    %dot_general3A_789 = arith.constant dense<0.000000e+00> : vector<64x256xf32>
    %dot_general3A_790 = tpu.matmul %dot_general3A_786, %convert_element_type3A_150, %dot_general3A_789 {dimension_numbers = #tpu.dot_dimension_numbers<[1], [0], [0], [1], [0, 0, 1, 1], [], []>, precision = #tpu.contract_precision<fp32>, transpose_lhs_hint = false} : vector<64x256xf32>, vector<256x256xf32>, vector<64x256xf32> -> vector<64x256xf32>
    %dot_general3A_791 = arith.constant dense<0.000000e+00> : vector<64x256xf32>
    %dot_general3A_792 = tpu.matmul %dot_general3A_788, %convert_element_type3A_163, %dot_general3A_791 {dimension_numbers = #tpu.dot_dimension_numbers<[1], [0], [0], [1], [0, 0, 1, 1], [], []>, precision = #tpu.contract_precision<fp32>, transpose_lhs_hint = false} : vector<64x256xf32>, vector<256x256xf32>, vector<64x256xf32> -> vector<64x256xf32>
    %dot_general3A_793 = arith.constant dense<0.000000e+00> : vector<64x256xf32>
    %dot_general3A_794 = tpu.matmul %dot_general3A_790, %convert_element_type3A_163, %dot_general3A_793 {dimension_numbers = #tpu.dot_dimension_numbers<[1], [0], [0], [1], [0, 0, 1, 1], [], []>, precision = #tpu.contract_precision<fp32>, transpose_lhs_hint = false} : vector<64x256xf32>, vector<256x256xf32>, vector<64x256xf32> -> vector<64x256xf32>
    %dot_general3A_795 = arith.constant dense<0.000000e+00> : vector<64x256xf32>
    %dot_general3A_796 = tpu.matmul %dot_general3A_792, %convert_element_type3A_176, %dot_general3A_795 {dimension_numbers = #tpu.dot_dimension_numbers<[1], [0], [0], [1], [0, 0, 1, 1], [], []>, precision = #tpu.contract_precision<fp32>, transpose_lhs_hint = false} : vector<64x256xf32>, vector<256x256xf32>, vector<64x256xf32> -> vector<64x256xf32>
    %dot_general3A_797 = arith.constant dense<0.000000e+00> : vector<64x256xf32>
    %dot_general3A_798 = tpu.matmul %dot_general3A_794, %convert_element_type3A_176, %dot_general3A_797 {dimension_numbers = #tpu.dot_dimension_numbers<[1], [0], [0], [1], [0, 0, 1, 1], [], []>, precision = #tpu.contract_precision<fp32>, transpose_lhs_hint = false} : vector<64x256xf32>, vector<256x256xf32>, vector<64x256xf32> -> vector<64x256xf32>
    %slice3A_799 = vector.extract_strided_slice %cos3A_317 {offsets = [3, 0], sizes = [1, 1], strides = [1, 1]} : vector<4x8xf32> to vector<1x1xf32>
    %slice3A_800 = vector.extract_strided_slice %sin3A_318 {offsets = [3, 0], sizes = [1, 1], strides = [1, 1]} : vector<4x8xf32> to vector<1x1xf32>
    %dot_general3A_801 = arith.constant dense<0.000000e+00> : vector<64x256xf32>
    %dot_general3A_802 = tpu.matmul %dot_general3A_796, %convert_element_type3A_32, %dot_general3A_801 {dimension_numbers = #tpu.dot_dimension_numbers<[1], [0], [0], [1], [0, 0, 1, 1], [], []>, precision = #tpu.contract_precision<fp32>, transpose_lhs_hint = false} : vector<64x256xf32>, vector<256x256xf32>, vector<64x256xf32> -> vector<64x256xf32>
    %dot_general3A_803 = arith.constant dense<0.000000e+00> : vector<64x256xf32>
    %dot_general3A_804 = tpu.matmul %dot_general3A_798, %convert_element_type3A_32, %dot_general3A_803 {dimension_numbers = #tpu.dot_dimension_numbers<[1], [0], [0], [1], [0, 0, 1, 1], [], []>, precision = #tpu.contract_precision<fp32>, transpose_lhs_hint = false} : vector<64x256xf32>, vector<256x256xf32>, vector<64x256xf32> -> vector<64x256xf32>
    %mul3A_805 = vector.broadcast %slice3A_799 : vector<1x1xf32> to vector<64x256xf32>
    %mul3A_806 = arith.mulf %mul3A_805, %dot_general3A_796 : vector<64x256xf32>
    %mul3A_807 = vector.broadcast %slice3A_800 : vector<1x1xf32> to vector<64x256xf32>
    %mul3A_808 = arith.mulf %mul3A_807, %dot_general3A_804 : vector<64x256xf32>
    %add3A_809 = arith.addf %mul3A_806, %mul3A_808 : vector<64x256xf32>
    %mul3A_810 = vector.broadcast %slice3A_799 : vector<1x1xf32> to vector<64x256xf32>
    %mul3A_811 = arith.mulf %mul3A_810, %dot_general3A_798 : vector<64x256xf32>
    %mul3A_812 = vector.broadcast %slice3A_800 : vector<1x1xf32> to vector<64x256xf32>
    %mul3A_813 = arith.mulf %mul3A_812, %dot_general3A_802 : vector<64x256xf32>
    %sub3A_814 = arith.subf %mul3A_811, %mul3A_813 : vector<64x256xf32>
    %slice3A_815 = vector.extract_strided_slice %cos3A_317 {offsets = [3, 1], sizes = [1, 1], strides = [1, 1]} : vector<4x8xf32> to vector<1x1xf32>
    %slice3A_816 = vector.extract_strided_slice %sin3A_318 {offsets = [3, 1], sizes = [1, 1], strides = [1, 1]} : vector<4x8xf32> to vector<1x1xf32>
    %dot_general3A_817 = arith.constant dense<0.000000e+00> : vector<64x256xf32>
    %dot_general3A_818 = tpu.matmul %add3A_809, %convert_element_type3A_38, %dot_general3A_817 {dimension_numbers = #tpu.dot_dimension_numbers<[1], [0], [0], [1], [0, 0, 1, 1], [], []>, precision = #tpu.contract_precision<fp32>, transpose_lhs_hint = false} : vector<64x256xf32>, vector<256x256xf32>, vector<64x256xf32> -> vector<64x256xf32>
    %dot_general3A_819 = arith.constant dense<0.000000e+00> : vector<64x256xf32>
    %dot_general3A_820 = tpu.matmul %sub3A_814, %convert_element_type3A_38, %dot_general3A_819 {dimension_numbers = #tpu.dot_dimension_numbers<[1], [0], [0], [1], [0, 0, 1, 1], [], []>, precision = #tpu.contract_precision<fp32>, transpose_lhs_hint = false} : vector<64x256xf32>, vector<256x256xf32>, vector<64x256xf32> -> vector<64x256xf32>
    %mul3A_821 = vector.broadcast %slice3A_815 : vector<1x1xf32> to vector<64x256xf32>
    %mul3A_822 = arith.mulf %mul3A_821, %add3A_809 : vector<64x256xf32>
    %mul3A_823 = vector.broadcast %slice3A_816 : vector<1x1xf32> to vector<64x256xf32>
    %mul3A_824 = arith.mulf %mul3A_823, %dot_general3A_820 : vector<64x256xf32>
    %add3A_825 = arith.addf %mul3A_822, %mul3A_824 : vector<64x256xf32>
    %mul3A_826 = vector.broadcast %slice3A_815 : vector<1x1xf32> to vector<64x256xf32>
    %mul3A_827 = arith.mulf %mul3A_826, %sub3A_814 : vector<64x256xf32>
    %mul3A_828 = vector.broadcast %slice3A_816 : vector<1x1xf32> to vector<64x256xf32>
    %mul3A_829 = arith.mulf %mul3A_828, %dot_general3A_818 : vector<64x256xf32>
    %sub3A_830 = arith.subf %mul3A_827, %mul3A_829 : vector<64x256xf32>
    %slice3A_831 = vector.extract_strided_slice %cos3A_317 {offsets = [3, 2], sizes = [1, 1], strides = [1, 1]} : vector<4x8xf32> to vector<1x1xf32>
    %slice3A_832 = vector.extract_strided_slice %sin3A_318 {offsets = [3, 2], sizes = [1, 1], strides = [1, 1]} : vector<4x8xf32> to vector<1x1xf32>
    %dot_general3A_833 = arith.constant dense<0.000000e+00> : vector<64x256xf32>
    %dot_general3A_834 = tpu.matmul %add3A_825, %convert_element_type3A_44, %dot_general3A_833 {dimension_numbers = #tpu.dot_dimension_numbers<[1], [0], [0], [1], [0, 0, 1, 1], [], []>, precision = #tpu.contract_precision<fp32>, transpose_lhs_hint = false} : vector<64x256xf32>, vector<256x256xf32>, vector<64x256xf32> -> vector<64x256xf32>
    %dot_general3A_835 = arith.constant dense<0.000000e+00> : vector<64x256xf32>
    %dot_general3A_836 = tpu.matmul %sub3A_830, %convert_element_type3A_44, %dot_general3A_835 {dimension_numbers = #tpu.dot_dimension_numbers<[1], [0], [0], [1], [0, 0, 1, 1], [], []>, precision = #tpu.contract_precision<fp32>, transpose_lhs_hint = false} : vector<64x256xf32>, vector<256x256xf32>, vector<64x256xf32> -> vector<64x256xf32>
    %mul3A_837 = vector.broadcast %slice3A_831 : vector<1x1xf32> to vector<64x256xf32>
    %mul3A_838 = arith.mulf %mul3A_837, %add3A_825 : vector<64x256xf32>
    %mul3A_839 = vector.broadcast %slice3A_832 : vector<1x1xf32> to vector<64x256xf32>
    %mul3A_840 = arith.mulf %mul3A_839, %dot_general3A_836 : vector<64x256xf32>
    %add3A_841 = arith.addf %mul3A_838, %mul3A_840 : vector<64x256xf32>
    %mul3A_842 = vector.broadcast %slice3A_831 : vector<1x1xf32> to vector<64x256xf32>
    %mul3A_843 = arith.mulf %mul3A_842, %sub3A_830 : vector<64x256xf32>
    %mul3A_844 = vector.broadcast %slice3A_832 : vector<1x1xf32> to vector<64x256xf32>
    %mul3A_845 = arith.mulf %mul3A_844, %dot_general3A_834 : vector<64x256xf32>
    %sub3A_846 = arith.subf %mul3A_843, %mul3A_845 : vector<64x256xf32>
    %slice3A_847 = vector.extract_strided_slice %cos3A_317 {offsets = [3, 3], sizes = [1, 1], strides = [1, 1]} : vector<4x8xf32> to vector<1x1xf32>
    %slice3A_848 = vector.extract_strided_slice %sin3A_318 {offsets = [3, 3], sizes = [1, 1], strides = [1, 1]} : vector<4x8xf32> to vector<1x1xf32>
    %dot_general3A_849 = arith.constant dense<0.000000e+00> : vector<64x256xf32>
    %dot_general3A_850 = tpu.matmul %add3A_841, %convert_element_type3A_50, %dot_general3A_849 {dimension_numbers = #tpu.dot_dimension_numbers<[1], [0], [0], [1], [0, 0, 1, 1], [], []>, precision = #tpu.contract_precision<fp32>, transpose_lhs_hint = false} : vector<64x256xf32>, vector<256x256xf32>, vector<64x256xf32> -> vector<64x256xf32>
    %dot_general3A_851 = arith.constant dense<0.000000e+00> : vector<64x256xf32>
    %dot_general3A_852 = tpu.matmul %sub3A_846, %convert_element_type3A_50, %dot_general3A_851 {dimension_numbers = #tpu.dot_dimension_numbers<[1], [0], [0], [1], [0, 0, 1, 1], [], []>, precision = #tpu.contract_precision<fp32>, transpose_lhs_hint = false} : vector<64x256xf32>, vector<256x256xf32>, vector<64x256xf32> -> vector<64x256xf32>
    %mul3A_853 = vector.broadcast %slice3A_847 : vector<1x1xf32> to vector<64x256xf32>
    %mul3A_854 = arith.mulf %mul3A_853, %add3A_841 : vector<64x256xf32>
    %mul3A_855 = vector.broadcast %slice3A_848 : vector<1x1xf32> to vector<64x256xf32>
    %mul3A_856 = arith.mulf %mul3A_855, %dot_general3A_852 : vector<64x256xf32>
    %add3A_857 = arith.addf %mul3A_854, %mul3A_856 : vector<64x256xf32>
    %mul3A_858 = vector.broadcast %slice3A_847 : vector<1x1xf32> to vector<64x256xf32>
    %mul3A_859 = arith.mulf %mul3A_858, %sub3A_846 : vector<64x256xf32>
    %mul3A_860 = vector.broadcast %slice3A_848 : vector<1x1xf32> to vector<64x256xf32>
    %mul3A_861 = arith.mulf %mul3A_860, %dot_general3A_850 : vector<64x256xf32>
    %sub3A_862 = arith.subf %mul3A_859, %mul3A_861 : vector<64x256xf32>
    %slice3A_863 = vector.extract_strided_slice %cos3A_317 {offsets = [3, 4], sizes = [1, 1], strides = [1, 1]} : vector<4x8xf32> to vector<1x1xf32>
    %slice3A_864 = vector.extract_strided_slice %sin3A_318 {offsets = [3, 4], sizes = [1, 1], strides = [1, 1]} : vector<4x8xf32> to vector<1x1xf32>
    %dot_general3A_865 = arith.constant dense<0.000000e+00> : vector<64x256xf32>
    %dot_general3A_866 = tpu.matmul %add3A_857, %convert_element_type3A_56, %dot_general3A_865 {dimension_numbers = #tpu.dot_dimension_numbers<[1], [0], [0], [1], [0, 0, 1, 1], [], []>, precision = #tpu.contract_precision<fp32>, transpose_lhs_hint = false} : vector<64x256xf32>, vector<256x256xf32>, vector<64x256xf32> -> vector<64x256xf32>
    %dot_general3A_867 = arith.constant dense<0.000000e+00> : vector<64x256xf32>
    %dot_general3A_868 = tpu.matmul %sub3A_862, %convert_element_type3A_56, %dot_general3A_867 {dimension_numbers = #tpu.dot_dimension_numbers<[1], [0], [0], [1], [0, 0, 1, 1], [], []>, precision = #tpu.contract_precision<fp32>, transpose_lhs_hint = false} : vector<64x256xf32>, vector<256x256xf32>, vector<64x256xf32> -> vector<64x256xf32>
    %mul3A_869 = vector.broadcast %slice3A_863 : vector<1x1xf32> to vector<64x256xf32>
    %mul3A_870 = arith.mulf %mul3A_869, %add3A_857 : vector<64x256xf32>
    %mul3A_871 = vector.broadcast %slice3A_864 : vector<1x1xf32> to vector<64x256xf32>
    %mul3A_872 = arith.mulf %mul3A_871, %dot_general3A_868 : vector<64x256xf32>
    %add3A_873 = arith.addf %mul3A_870, %mul3A_872 : vector<64x256xf32>
    %mul3A_874 = vector.broadcast %slice3A_863 : vector<1x1xf32> to vector<64x256xf32>
    %mul3A_875 = arith.mulf %mul3A_874, %sub3A_862 : vector<64x256xf32>
    %mul3A_876 = vector.broadcast %slice3A_864 : vector<1x1xf32> to vector<64x256xf32>
    %mul3A_877 = arith.mulf %mul3A_876, %dot_general3A_866 : vector<64x256xf32>
    %sub3A_878 = arith.subf %mul3A_875, %mul3A_877 : vector<64x256xf32>
    %slice3A_879 = vector.extract_strided_slice %cos3A_317 {offsets = [3, 5], sizes = [1, 1], strides = [1, 1]} : vector<4x8xf32> to vector<1x1xf32>
    %slice3A_880 = vector.extract_strided_slice %sin3A_318 {offsets = [3, 5], sizes = [1, 1], strides = [1, 1]} : vector<4x8xf32> to vector<1x1xf32>
    %dot_general3A_881 = arith.constant dense<0.000000e+00> : vector<64x256xf32>
    %dot_general3A_882 = tpu.matmul %add3A_873, %convert_element_type3A_62, %dot_general3A_881 {dimension_numbers = #tpu.dot_dimension_numbers<[1], [0], [0], [1], [0, 0, 1, 1], [], []>, precision = #tpu.contract_precision<fp32>, transpose_lhs_hint = false} : vector<64x256xf32>, vector<256x256xf32>, vector<64x256xf32> -> vector<64x256xf32>
    %dot_general3A_883 = arith.constant dense<0.000000e+00> : vector<64x256xf32>
    %dot_general3A_884 = tpu.matmul %sub3A_878, %convert_element_type3A_62, %dot_general3A_883 {dimension_numbers = #tpu.dot_dimension_numbers<[1], [0], [0], [1], [0, 0, 1, 1], [], []>, precision = #tpu.contract_precision<fp32>, transpose_lhs_hint = false} : vector<64x256xf32>, vector<256x256xf32>, vector<64x256xf32> -> vector<64x256xf32>
    %mul3A_885 = vector.broadcast %slice3A_879 : vector<1x1xf32> to vector<64x256xf32>
    %mul3A_886 = arith.mulf %mul3A_885, %add3A_873 : vector<64x256xf32>
    %mul3A_887 = vector.broadcast %slice3A_880 : vector<1x1xf32> to vector<64x256xf32>
    %mul3A_888 = arith.mulf %mul3A_887, %dot_general3A_884 : vector<64x256xf32>
    %add3A_889 = arith.addf %mul3A_886, %mul3A_888 : vector<64x256xf32>
    %mul3A_890 = vector.broadcast %slice3A_879 : vector<1x1xf32> to vector<64x256xf32>
    %mul3A_891 = arith.mulf %mul3A_890, %sub3A_878 : vector<64x256xf32>
    %mul3A_892 = vector.broadcast %slice3A_880 : vector<1x1xf32> to vector<64x256xf32>
    %mul3A_893 = arith.mulf %mul3A_892, %dot_general3A_882 : vector<64x256xf32>
    %sub3A_894 = arith.subf %mul3A_891, %mul3A_893 : vector<64x256xf32>
    %slice3A_895 = vector.extract_strided_slice %cos3A_317 {offsets = [3, 6], sizes = [1, 1], strides = [1, 1]} : vector<4x8xf32> to vector<1x1xf32>
    %slice3A_896 = vector.extract_strided_slice %sin3A_318 {offsets = [3, 6], sizes = [1, 1], strides = [1, 1]} : vector<4x8xf32> to vector<1x1xf32>
    %dot_general3A_897 = arith.constant dense<0.000000e+00> : vector<64x256xf32>
    %dot_general3A_898 = tpu.matmul %add3A_889, %convert_element_type3A_68, %dot_general3A_897 {dimension_numbers = #tpu.dot_dimension_numbers<[1], [0], [0], [1], [0, 0, 1, 1], [], []>, precision = #tpu.contract_precision<fp32>, transpose_lhs_hint = false} : vector<64x256xf32>, vector<256x256xf32>, vector<64x256xf32> -> vector<64x256xf32>
    %dot_general3A_899 = arith.constant dense<0.000000e+00> : vector<64x256xf32>
    %dot_general3A_900 = tpu.matmul %sub3A_894, %convert_element_type3A_68, %dot_general3A_899 {dimension_numbers = #tpu.dot_dimension_numbers<[1], [0], [0], [1], [0, 0, 1, 1], [], []>, precision = #tpu.contract_precision<fp32>, transpose_lhs_hint = false} : vector<64x256xf32>, vector<256x256xf32>, vector<64x256xf32> -> vector<64x256xf32>
    %mul3A_901 = vector.broadcast %slice3A_895 : vector<1x1xf32> to vector<64x256xf32>
    %mul3A_902 = arith.mulf %mul3A_901, %add3A_889 : vector<64x256xf32>
    %mul3A_903 = vector.broadcast %slice3A_896 : vector<1x1xf32> to vector<64x256xf32>
    %mul3A_904 = arith.mulf %mul3A_903, %dot_general3A_900 : vector<64x256xf32>
    %add3A_905 = arith.addf %mul3A_902, %mul3A_904 : vector<64x256xf32>
    %mul3A_906 = vector.broadcast %slice3A_895 : vector<1x1xf32> to vector<64x256xf32>
    %mul3A_907 = arith.mulf %mul3A_906, %sub3A_894 : vector<64x256xf32>
    %mul3A_908 = vector.broadcast %slice3A_896 : vector<1x1xf32> to vector<64x256xf32>
    %mul3A_909 = arith.mulf %mul3A_908, %dot_general3A_898 : vector<64x256xf32>
    %sub3A_910 = arith.subf %mul3A_907, %mul3A_909 : vector<64x256xf32>
    %slice3A_911 = vector.extract_strided_slice %cos3A_317 {offsets = [3, 7], sizes = [1, 1], strides = [1, 1]} : vector<4x8xf32> to vector<1x1xf32>
    %slice3A_912 = vector.extract_strided_slice %sin3A_318 {offsets = [3, 7], sizes = [1, 1], strides = [1, 1]} : vector<4x8xf32> to vector<1x1xf32>
    %dot_general3A_913 = arith.constant dense<0.000000e+00> : vector<64x256xf32>
    %dot_general3A_914 = tpu.matmul %add3A_905, %convert_element_type3A_74, %dot_general3A_913 {dimension_numbers = #tpu.dot_dimension_numbers<[1], [0], [0], [1], [0, 0, 1, 1], [], []>, precision = #tpu.contract_precision<fp32>, transpose_lhs_hint = false} : vector<64x256xf32>, vector<256x256xf32>, vector<64x256xf32> -> vector<64x256xf32>
    %dot_general3A_915 = arith.constant dense<0.000000e+00> : vector<64x256xf32>
    %dot_general3A_916 = tpu.matmul %sub3A_910, %convert_element_type3A_74, %dot_general3A_915 {dimension_numbers = #tpu.dot_dimension_numbers<[1], [0], [0], [1], [0, 0, 1, 1], [], []>, precision = #tpu.contract_precision<fp32>, transpose_lhs_hint = false} : vector<64x256xf32>, vector<256x256xf32>, vector<64x256xf32> -> vector<64x256xf32>
    %mul3A_917 = vector.broadcast %slice3A_911 : vector<1x1xf32> to vector<64x256xf32>
    %mul3A_918 = arith.mulf %mul3A_917, %add3A_905 : vector<64x256xf32>
    %mul3A_919 = vector.broadcast %slice3A_912 : vector<1x1xf32> to vector<64x256xf32>
    %mul3A_920 = arith.mulf %mul3A_919, %dot_general3A_916 : vector<64x256xf32>
    %add3A_921 = arith.addf %mul3A_918, %mul3A_920 : vector<64x256xf32>
    %mul3A_922 = vector.broadcast %slice3A_911 : vector<1x1xf32> to vector<64x256xf32>
    %mul3A_923 = arith.mulf %mul3A_922, %sub3A_910 : vector<64x256xf32>
    %mul3A_924 = vector.broadcast %slice3A_912 : vector<1x1xf32> to vector<64x256xf32>
    %mul3A_925 = arith.mulf %mul3A_924, %dot_general3A_914 : vector<64x256xf32>
    %sub3A_926 = arith.subf %mul3A_923, %mul3A_925 : vector<64x256xf32>
    %dot_general3A_927 = arith.constant dense<0.000000e+00> : vector<64x256xf32>
    %dot_general3A_928 = tpu.matmul %add3A_921, %convert_element_type3A_85, %dot_general3A_927 {dimension_numbers = #tpu.dot_dimension_numbers<[1], [0], [0], [1], [0, 0, 1, 1], [], []>, precision = #tpu.contract_precision<fp32>, transpose_lhs_hint = false} : vector<64x256xf32>, vector<256x256xf32>, vector<64x256xf32> -> vector<64x256xf32>
    %dot_general3A_929 = arith.constant dense<0.000000e+00> : vector<64x256xf32>
    %dot_general3A_930 = tpu.matmul %sub3A_926, %convert_element_type3A_85, %dot_general3A_929 {dimension_numbers = #tpu.dot_dimension_numbers<[1], [0], [0], [1], [0, 0, 1, 1], [], []>, precision = #tpu.contract_precision<fp32>, transpose_lhs_hint = false} : vector<64x256xf32>, vector<256x256xf32>, vector<64x256xf32> -> vector<64x256xf32>
    %dot_general3A_931 = arith.constant dense<0.000000e+00> : vector<64x256xf32>
    %dot_general3A_932 = tpu.matmul %dot_general3A_928, %convert_element_type3A_98, %dot_general3A_931 {dimension_numbers = #tpu.dot_dimension_numbers<[1], [0], [0], [1], [0, 0, 1, 1], [], []>, precision = #tpu.contract_precision<fp32>, transpose_lhs_hint = false} : vector<64x256xf32>, vector<256x256xf32>, vector<64x256xf32> -> vector<64x256xf32>
    %dot_general3A_933 = arith.constant dense<0.000000e+00> : vector<64x256xf32>
    %dot_general3A_934 = tpu.matmul %dot_general3A_930, %convert_element_type3A_98, %dot_general3A_933 {dimension_numbers = #tpu.dot_dimension_numbers<[1], [0], [0], [1], [0, 0, 1, 1], [], []>, precision = #tpu.contract_precision<fp32>, transpose_lhs_hint = false} : vector<64x256xf32>, vector<256x256xf32>, vector<64x256xf32> -> vector<64x256xf32>
    %dot_general3A_935 = arith.constant dense<0.000000e+00> : vector<64x256xf32>
    %dot_general3A_936 = tpu.matmul %dot_general3A_932, %convert_element_type3A_111, %dot_general3A_935 {dimension_numbers = #tpu.dot_dimension_numbers<[1], [0], [0], [1], [0, 0, 1, 1], [], []>, precision = #tpu.contract_precision<fp32>, transpose_lhs_hint = false} : vector<64x256xf32>, vector<256x256xf32>, vector<64x256xf32> -> vector<64x256xf32>
    %dot_general3A_937 = arith.constant dense<0.000000e+00> : vector<64x256xf32>
    %dot_general3A_938 = tpu.matmul %dot_general3A_934, %convert_element_type3A_111, %dot_general3A_937 {dimension_numbers = #tpu.dot_dimension_numbers<[1], [0], [0], [1], [0, 0, 1, 1], [], []>, precision = #tpu.contract_precision<fp32>, transpose_lhs_hint = false} : vector<64x256xf32>, vector<256x256xf32>, vector<64x256xf32> -> vector<64x256xf32>
    %dot_general3A_939 = arith.constant dense<0.000000e+00> : vector<64x256xf32>
    %dot_general3A_940 = tpu.matmul %dot_general3A_936, %convert_element_type3A_124, %dot_general3A_939 {dimension_numbers = #tpu.dot_dimension_numbers<[1], [0], [0], [1], [0, 0, 1, 1], [], []>, precision = #tpu.contract_precision<fp32>, transpose_lhs_hint = false} : vector<64x256xf32>, vector<256x256xf32>, vector<64x256xf32> -> vector<64x256xf32>
    %dot_general3A_941 = arith.constant dense<0.000000e+00> : vector<64x256xf32>
    %dot_general3A_942 = tpu.matmul %dot_general3A_938, %convert_element_type3A_124, %dot_general3A_941 {dimension_numbers = #tpu.dot_dimension_numbers<[1], [0], [0], [1], [0, 0, 1, 1], [], []>, precision = #tpu.contract_precision<fp32>, transpose_lhs_hint = false} : vector<64x256xf32>, vector<256x256xf32>, vector<64x256xf32> -> vector<64x256xf32>
    %dot_general3A_943 = arith.constant dense<0.000000e+00> : vector<64x256xf32>
    %dot_general3A_944 = tpu.matmul %dot_general3A_940, %convert_element_type3A_137, %dot_general3A_943 {dimension_numbers = #tpu.dot_dimension_numbers<[1], [0], [0], [1], [0, 0, 1, 1], [], []>, precision = #tpu.contract_precision<fp32>, transpose_lhs_hint = false} : vector<64x256xf32>, vector<256x256xf32>, vector<64x256xf32> -> vector<64x256xf32>
    %dot_general3A_945 = arith.constant dense<0.000000e+00> : vector<64x256xf32>
    %dot_general3A_946 = tpu.matmul %dot_general3A_942, %convert_element_type3A_137, %dot_general3A_945 {dimension_numbers = #tpu.dot_dimension_numbers<[1], [0], [0], [1], [0, 0, 1, 1], [], []>, precision = #tpu.contract_precision<fp32>, transpose_lhs_hint = false} : vector<64x256xf32>, vector<256x256xf32>, vector<64x256xf32> -> vector<64x256xf32>
    %dot_general3A_947 = arith.constant dense<0.000000e+00> : vector<64x256xf32>
    %dot_general3A_948 = tpu.matmul %dot_general3A_944, %convert_element_type3A_150, %dot_general3A_947 {dimension_numbers = #tpu.dot_dimension_numbers<[1], [0], [0], [1], [0, 0, 1, 1], [], []>, precision = #tpu.contract_precision<fp32>, transpose_lhs_hint = false} : vector<64x256xf32>, vector<256x256xf32>, vector<64x256xf32> -> vector<64x256xf32>
    %dot_general3A_949 = arith.constant dense<0.000000e+00> : vector<64x256xf32>
    %dot_general3A_950 = tpu.matmul %dot_general3A_946, %convert_element_type3A_150, %dot_general3A_949 {dimension_numbers = #tpu.dot_dimension_numbers<[1], [0], [0], [1], [0, 0, 1, 1], [], []>, precision = #tpu.contract_precision<fp32>, transpose_lhs_hint = false} : vector<64x256xf32>, vector<256x256xf32>, vector<64x256xf32> -> vector<64x256xf32>
    %dot_general3A_951 = arith.constant dense<0.000000e+00> : vector<64x256xf32>
    %dot_general3A_952 = tpu.matmul %dot_general3A_948, %convert_element_type3A_163, %dot_general3A_951 {dimension_numbers = #tpu.dot_dimension_numbers<[1], [0], [0], [1], [0, 0, 1, 1], [], []>, precision = #tpu.contract_precision<fp32>, transpose_lhs_hint = false} : vector<64x256xf32>, vector<256x256xf32>, vector<64x256xf32> -> vector<64x256xf32>
    %dot_general3A_953 = arith.constant dense<0.000000e+00> : vector<64x256xf32>
    %dot_general3A_954 = tpu.matmul %dot_general3A_950, %convert_element_type3A_163, %dot_general3A_953 {dimension_numbers = #tpu.dot_dimension_numbers<[1], [0], [0], [1], [0, 0, 1, 1], [], []>, precision = #tpu.contract_precision<fp32>, transpose_lhs_hint = false} : vector<64x256xf32>, vector<256x256xf32>, vector<64x256xf32> -> vector<64x256xf32>
    %dot_general3A_955 = arith.constant dense<0.000000e+00> : vector<64x256xf32>
    %dot_general3A_956 = tpu.matmul %dot_general3A_952, %convert_element_type3A_176, %dot_general3A_955 {dimension_numbers = #tpu.dot_dimension_numbers<[1], [0], [0], [1], [0, 0, 1, 1], [], []>, precision = #tpu.contract_precision<fp32>, transpose_lhs_hint = false} : vector<64x256xf32>, vector<256x256xf32>, vector<64x256xf32> -> vector<64x256xf32>
    %dot_general3A_957 = arith.constant dense<0.000000e+00> : vector<64x256xf32>
    %dot_general3A_958 = tpu.matmul %dot_general3A_954, %convert_element_type3A_176, %dot_general3A_957 {dimension_numbers = #tpu.dot_dimension_numbers<[1], [0], [0], [1], [0, 0, 1, 1], [], []>, precision = #tpu.contract_precision<fp32>, transpose_lhs_hint = false} : vector<64x256xf32>, vector<256x256xf32>, vector<64x256xf32> -> vector<64x256xf32>
    %mul3A_959 = arith.mulf %dot_general3A_956, %dot_general3A_956 : vector<64x256xf32>
    %mul3A_960 = arith.mulf %dot_general3A_958, %dot_general3A_958 : vector<64x256xf32>
    %add3A_961 = arith.addf %mul3A_959, %mul3A_960 : vector<64x256xf32>
    %iota3A_962 = tpu.iota {dimensions = array<i32: 0>} : vector<256x8xi32>
    %iota3A_963 = tpu.iota {dimensions = array<i32: 1>} : vector<256x8xi32>
    %sub3A_964 = arith.constant 7 : i32
    %sub3A_965 = vector.broadcast %sub3A_964 : i32 to vector<256x8xi32>
    %sub3A_966 = arith.subi %sub3A_965, %iota3A_963 : vector<256x8xi32>
    %shift_right_arithmetic3A_967 = arith.shrsi %iota3A_962, %sub3A_966 : vector<256x8xi32>
    %and3A_968 = arith.constant 1 : i32
    %and3A_969 = vector.broadcast %and3A_968 : i32 to vector<256x8xi32>
    %and3A_970 = arith.andi %shift_right_arithmetic3A_967, %and3A_969 : vector<256x8xi32>
    %convert_element_type3A_971 = arith.sitofp %and3A_970 : vector<256x8xi32> to vector<256x8xf32>
    %mul3A_972 = arith.constant 2.000000e+00 : f32
    %mul3A_973 = vector.broadcast %mul3A_972 : f32 to vector<256x8xf32>
    %mul3A_974 = arith.mulf %mul3A_973, %convert_element_type3A_971 : vector<256x8xf32>
    %sub3A_975 = arith.constant 1.000000e+00 : f32
    %sub3A_976 = vector.broadcast %sub3A_975 : f32 to vector<256x8xf32>
    %sub3A_977 = arith.subf %sub3A_976, %mul3A_974 : vector<256x8xf32>
    %dot_general3A_978 = arith.constant dense<0.000000e+00> : vector<64x8xf32>
    %dot_general3A_979 = tpu.matmul %add3A_961, %sub3A_977, %dot_general3A_978 {dimension_numbers = #tpu.dot_dimension_numbers<[1], [0], [0], [1], [0, 0, 1, 1], [], []>, precision = #tpu.contract_precision<fp32>, transpose_lhs_hint = false} : vector<64x256xf32>, vector<256x8xf32>, vector<64x8xf32> -> vector<64x8xf32>
    %get3A_980 = arith.constant 0 : index
    %get3A_981 = arith.constant 0 : index
    %get3A_982 = vector.load %arg5[%get3A_980, %get3A_981] : memref<8x2xf32, #tpu.memory_space<vmem>>, vector<8x2xf32>
    %dot_general3A_983 = arith.constant dense<0.000000e+00> : vector<64x2xf32>
    %dot_general3A_984 = tpu.matmul %dot_general3A_979, %get3A_982, %dot_general3A_983 {dimension_numbers = #tpu.dot_dimension_numbers<[1], [0], [0], [1], [0, 0, 1, 1], [], []>, precision = #tpu.contract_precision<fp32>, transpose_lhs_hint = false} : vector<64x8xf32>, vector<8x2xf32>, vector<64x2xf32> -> vector<64x2xf32>
    %get3A_985 = arith.constant 0 : index
    %get3A_986 = arith.constant 0 : index
    %get3A_987 = vector.load %arg6[%get3A_985, %get3A_986] : memref<1x2xf32, #tpu.memory_space<vmem>>, vector<1x2xf32>
    %add3A_988 = vector.broadcast %get3A_987 : vector<1x2xf32> to vector<64x2xf32>
    %add3A_989 = arith.addf %dot_general3A_984, %add3A_988 : vector<64x2xf32>
    %swap3A = arith.constant 0 : index
    %swap3A_990 = arith.constant 0 : index
    %swap3A_991 = vector.load %arg7[%swap3A, %swap3A_990] : memref<64x2xf32, #tpu.memory_space<vmem>>, vector<64x2xf32>
    tpu.vector_store %arg7[%swap3A, %swap3A_990], %add3A_989 {strides = array<i32>} : memref<64x2xf32, #tpu.memory_space<vmem>>, vector<64x2xf32>,
    return
  }
}

</mosaic_0001>

<sc_bundles>
// kernel: kernel.11.cloned.1.call-start
scs
__scs_entry_jumppad:
0x0: {  	(pc) =	sbr.rel $0x88, $3  }
0x1: {  	(tag) =	ssettag $0x0;
	lr =	simm.s32 $0x1  }
0x2: {  	[smem:$0x3F93] =	sst lr;
	_ =	strace $0xD0000000  }
0x3: {  	_ = 	snop  }
0x4: {  	_ = 	snop  }
0x5: {  	_ = 	snop  }
0x6: {  	_ = 	snop  }
0x7: {  	_ = 	snop  }
__scs_overlays_trampoline_lowered:
0x8: {  	[smem:$0x3FA2] =	sst s0  }
0x9: {  	[smem:$0x3FA3] =	sst s1  }
0xa: {  	[smem:$0x3FA4] =	sst s2  }
0xb: {  	[smem:$0x3FA5] =	sst s3  }
0xc: {  	[smem:$0x3FA6] =	sst s4  }
0xd: {  	[smem:$0x3FA7] =	sst s5  }
0xe: {  	[smem:$0x3FA8] =	sst s6  }
0xf: {  	[smem:$0x3FA9] =	sst s7  }
0x10: {  	[smem:$0x3FAA] =	sst s8  }
0x11: {  	[smem:$0x3FAB] =	sst s9;
	s0 =	simm.s32 @!p0 $0x0  }
0x12: {  	s1 =	sld [smem:$0x3F91];
	s0 =	simm.s32 @p0 $0x1  }
0x13: {  	[smem:$0x3FAC] =	sst s0;
	s0 =	simm.s32 @!p1 $0x0  }
0x14: {  	s2 =	sld [smem:$0x3F90];
	s0 =	simm.s32 @p1 $0x1  }
0x15: {  	[smem:$0x3FAD] =	sst s0;
	s0 =	simm.s32 @!p2 $0x0  }
0x16: {  	s3 =	sld [smem:$0x3FDB];
	s0 =	simm.s32 @p2 $0x1  }
0x17: {  	s4 =	simm.s32 $0x1BF5;
	[smem:$0x3FAF] =	sst s0  }
0x18: {  	s0 =	sld [smem:$0x3F92];
	_ =	swait.ge [sflag:s4], $0x0  }
0x19: {  	s7 =	sld [smem:$0x3F93]  }
0x1a: {  	s8 =	sadd.s32 $0xFFFFE003, lr  }
0x1b: {  	s9 =	sadd.s32 $0xFFFFFEF7, lr;
	s5 =	simm.s32 $0xFFFFFFFF;
	p2 =	slt.u32 s8, $0xFFFFF086  }
0x1c: {  	p1 =	slt.u32 s9, $0xF7A;
	s5 =	simm.s32 @!p2 $0x0  }
0x1d: {  	s5 =	simm.s32 @p1 $0x1;
	p0 =	seq.s32 s7, s2  }
0x1e: {  	s7 =	smul.u32 @!p0 $0xF7A, s2;
	p2 =	seq.s32 @!p0 s5, $0x0  }
0x1f: {  	s9 =	smul.u32 $0xF7A, s1;
	s8 =	simm.s32 @!p0 $0x1BF5;
	p2 =	por !p2, p0  }
0x20: {  	[sflag:s8] =	ssyncset.s32 @!p0 $0xFFFFF086;
	s6 =	sadd.s32 @!p0 s3, s7;
	s7 =	simm.s32 @!p0 $0x108  }
0x21: {  	s3 =	sadd.s32 s3, s9;
	s6 =	sadd.s32 @!p0 $0x88, s6;
	s7 =	simm.s32 @p2 $0x1082  }
0x22: {  	[simem:s7], [sflag:s8] =	dma.local @!p0 [hbm:s6], $0xF7A  }
0x23: {  	s9 =	sor.u32 $0xD0000000, s2;
	s6 =	simm.s32 $0x108;
	_ =	swait.ge @!p0 [sflag:s8], $0x0  }
0x24: {  	s3 =	sadd.s32 $0x88, s3;
	s6 =	simm.s32 @!p1 $0x1082;
	[sflag:s4] =	ssyncset.s32 $0xFFFFF086  }
0x25: {  	[simem:s6], [sflag:s4] =	dma.local [hbm:s3], $0xF7A  }
0x26: {  	[smem:$0x3F93] =	sst s1;
	(tag) =	ssettag s2;
	_ =	strace s9  }
0x27: {  	s1 =	sld [smem:$0x3FA3]  }
0x28: {  	s2 =	sld [smem:$0x3FA4]  }
0x29: {  	s4 =	sld [smem:$0x3FA6]  }
0x2a: {  	p0 =	seq.s32 s5, $0x0;
	s5 =	sld [smem:$0x3FA7]  }
0x2b: {  	s6 =	sld [smem:$0x3FA8]  }
0x2c: {  	s7 =	sld [smem:$0x3FA9]  }
0x2d: {  	s3 =	simm.s32 $0x108;
	s8 =	sld [smem:$0x3FAA]  }
0x2e: {  	s3 =	simm.s32 @!p0 $0x1082;
	s9 =	sld [smem:$0x3FAB]  }
0x2f: {  	lr =	sadd.s32 s0, s3;
	s0 =	sld [smem:$0x3FA2]  }
0x30: {  	s3 =	sld [smem:$0x3FA5]  }
0x31: {  	[smem:$0x3FAE] =	sst s10  }
0x32: {  	s10 =	sld [smem:$0x3FAC];
	_ =	sdelay $0x3  }
0x33: {  	p0 =	seq.s32 s10, $0x1;
	s10 =	sld [smem:$0x3FAE];
	_ =	sdelay $0x3  }
0x34: {  	[smem:$0x3FAE] =	sst s10  }
0x35: {  	s10 =	sld [smem:$0x3FAD];
	_ =	sdelay $0x3  }
0x36: {  	p1 =	seq.s32 s10, $0x1;
	s10 =	sld [smem:$0x3FAE];
	_ =	sdelay $0x3  }
0x37: {  	[smem:$0x3FAE] =	sst s10  }
0x38: {  	s10 =	sld [smem:$0x3FAF]  }
0x39: {  	_ = 	snop;
	(pc) =	sbr.ind lr, $3  }
0x3a: {  	_ = 	snop  }
0x3b: {  	_ = 	snop  }
0x3c: {  	p2 =	seq.s32 s10, $0x1;
	s10 =	sld [smem:$0x3FAE]  }
0x3d: {  	_ =	shalt  }
0x3e: {  	_ =	shalt  }
0x3f: {  	_ =	shalt  }
0x40: {  	_ =	shalt  }
0x41: {  	_ =	shalt  }
0x42: {  	_ =	shalt  }
0x43: {  	_ =	shalt  }
0x44: {  	_ =	shalt  }
0x45: {  	_ =	shalt  }
0x46: {  	_ =	shalt  }
0x47: {  	_ =	shalt  }
0x48: {  	_ =	shalt  }
0x49: {  	_ =	shalt  }
0x4a: {  	_ =	shalt  }
0x4b: {  	_ =	shalt  }
0x4c: {  	_ =	shalt  }
0x4d: {  	_ =	shalt  }
0x4e: {  	_ =	shalt  }
0x4f: {  	_ =	shalt  }
0x50: {  	_ =	shalt  }
0x51: {  	_ =	shalt  }
0x52: {  	_ =	shalt  }
0x53: {  	_ =	shalt  }
0x54: {  	_ =	shalt  }
0x55: {  	_ =	shalt  }
0x56: {  	_ =	shalt  }
0x57: {  	_ =	shalt  }
0x58: {  	_ =	shalt  }
0x59: {  	_ =	shalt  }
0x5a: {  	_ =	shalt  }
0x5b: {  	_ =	shalt  }
0x5c: {  	_ =	shalt  }
0x5d: {  	_ =	shalt  }
0x5e: {  	_ =	shalt  }
0x5f: {  	_ =	shalt  }
0x60: {  	_ =	shalt  }
0x61: {  	_ =	shalt  }
0x62: {  	_ =	shalt  }
0x63: {  	_ =	shalt  }
0x64: {  	_ =	shalt  }
0x65: {  	_ =	shalt  }
0x66: {  	_ =	shalt  }
0x67: {  	_ =	shalt  }
0x68: {  	_ =	shalt  }
0x69: {  	_ =	shalt  }
0x6a: {  	_ =	shalt  }
0x6b: {  	_ =	shalt  }
0x6c: {  	_ =	shalt  }
0x6d: {  	_ =	shalt  }
0x6e: {  	_ =	shalt  }
0x6f: {  	_ =	shalt  }
0x70: {  	_ =	shalt  }
0x71: {  	_ =	shalt  }
0x72: {  	_ =	shalt  }
0x73: {  	_ =	shalt  }
0x74: {  	_ =	shalt  }
0x75: {  	_ =	shalt  }
0x76: {  	_ =	shalt  }
0x77: {  	_ =	shalt  }
0x78: {  	_ =	shalt  }
0x79: {  	_ =	shalt  }
0x7a: {  	_ =	shalt  }
0x7b: {  	_ =	shalt  }
0x7c: {  	_ =	shalt  }
0x7d: {  	_ =	shalt  }
0x7e: {  	_ =	shalt  }
0x7f: {  	_ =	shalt  }
0x80: {  	_ =	shalt  }
0x81: {  	_ =	shalt  }
0x82: {  	_ =	shalt  }
0x83: {  	_ =	shalt  }
0x84: {  	_ =	shalt  }
0x85: {  	_ =	shalt  }
0x86: {  	_ =	shalt  }
0x87: {  	_ =	shalt  }
.Lfunc_end0:
.L_simem_size_0:
called_computation.1_lowered:
.L_overlay_start_0:
0x88: {  	s2 =	sld [smem:$0x3FD9]  }
0x89: {  	s3 =	sld [smem:$0x3FFE];
	_ =	sdelay $0x1  }
0x8a: {  	s1 =	srdreg.scid  }
0x8b: {  	s0 =	sand.u32 $0x1, s1  }
0x8c: {  	s16 =	sshll.u32 s0, $0xA;
	s2 =	sadd.s32 s3, s2  }
0x8d: {  	s2 =	sadd.s32 s2, s16  }
0x8e: {  	[smem:$0x3FBA] =	sst s2  }
0x8f: {  	_ = 	snop  }
0x90: {  	(tm) =	ssettm $0x1  }
0x91: {  	s17 =	sld [smem:$0x3FFB];
	_ =	sdelay $0x3  }
0x92: {  	_ =	strace s17  }
0x93: {  	s2 =	sld [smem:$0x3FFC];
	_ =	sdelay $0x3  }
0x94: {  	_ =	strace s2  }
0x95: {  	s2 =	sld [smem:$0x3FFD];
	_ =	sdelay $0x3  }
0x96: {  	_ =	strace s2  }
0x97: {  	_ =	strace $0x8FFFFFFF  }
0x98: {  	s18 =	sld [smem:$0x3FDB];
	_ =	sdelay $0x1  }
0x99: {  	s19 =	simm.s32 $_scs_section_size  }
0x9a: {  	s4 =	simm.s32 $_size__tile_overlayer_lowered;
	s5 =	simm.s32 $_tile_overlayer_lowered  }
0x9b: {  	s22 =	simm.s32 $0x1BFF;
	s21 =	sshll.u32 s5, $0x1;
	s2 =	sadd.s32 s19, s18  }
0x9c: {  	s6 =	simm.s32 $0x0;
	s20 =	sshll.u32 s4, $0x1;
	s4 =	sadd.s32 s21, s2  }
0x9d: {  	[timem:s6], [sflag:s22] =	dma.local [hbm:s4], s20  }
0x9e: {  	_ =	swait.ge [sflag:s22], s20  }
0x9f: {  	s3 =	ssub.s32 $0x0, s20;
	[sflag:s22] =	ssyncset.done $0x0  }
0xa0: {  	[sflag:s22] =	ssyncadd.s32 s3;
	_ =	sdelay $0x1  }
0xa1: {  	s23 =	simm.s32 $0x1B8B  }
0xa2: {  	_ =	swait.ge [sflag:s23], $0x1  }
0xa3: {  	[sflag:s23] =	ssyncset.done $0x0  }
0xa4: {  	s25 =	simm.s32 $0x1B8E;
	s24 =	sld [smem:$0x3FFE];
	[sflag:s23] =	ssyncadd.s32 $0xFFFFFFFF  }
0xa5: {  	s26 =	simm.s32 $execute0_lowered;
	[smem:$0x3FD2] =	sst s25  }
0xa6: {  	s4 =	sshll.u32 s26, $0x1;
	_ =	strace $0x80000049;
	[dreg:$0x1] =	wrdreg $0xFFFFFFFF  }
0xa7: {  	s28 =	simm.s32 $_size_execute0_lowered;
	s2 =	sadd.s32 s2, s4;
	[dreg:$0x0] =	wrdreg $0x0  }
0xa8: {  	s4 =	sshll.u32 s28, $0x1;
	[dreg:$0x2] =	wrdreg s2  }
0xa9: {  	[dreg:$0x3] =	wrdreg s4  }
0xaa: {  	[dreg:$0x4] =	wrdreg $0xC0  }
0xab: {  	_ =	task [dreg:s6], $0x5FFFF  }
0xac: {  	[dreg:$0x1] =	wrdreg $0xFFFFFFFF  }
0xad: {  	[dreg:$0x0] =	wrdreg $0x60  }
0xae: {  	[dreg:$0x2] =	wrdreg s24  }
0xaf: {  	[dreg:$0x3] =	wrdreg $0x52000  }
0xb0: {  	[dreg:$0x4] =	wrdreg $0x9  }
0xb1: {  	_ =	task.clear_ibuf [dreg:s6], $0x5FFFF;
	_ =	strace $0x90000049  }
0xb2: {  	s29 =	simm.s32 $0x9;
	_ =	strace $0x8000004B  }
0xb3: {  	_ =	swait.ge [sflag:s29], $0x1  }
0xb4: {  	[sflag:s29] =	ssyncadd.s32 $0xFFFFFFFF  }
0xb5: {  	_ =	strace $0x9000004B  }
0xb6: {  	_ =	sfence  }
0xb7: {  	s30 =	sld [smem:$0x0];
	_ =	sdelay $0x2  }
0xb8: {  	s31 =	sshll.u32 s1, $0xD;
	s1 =	sshrl.u32 s1, $0x2  }
0xb9: {  	s3 =	sand.u32 $0x4000, s31;
	s1 =	sadd.s32 s1, s30  }
0xba: {  	s0 =	sor.u32 s3, s0;
	s1 =	sshll.u32 s1, $0x11  }
0xbb: {  	s0 =	sor.u32 s1, s0  }
0xbc: {  	s0 =	sadd.s32 $0x8F2B, s0  }
0xbd: {  	[sflag:s0] =	ssyncadd.remote.s32 $0x1  }
0xbe: {  	_ =	sfence.sel $0xFFFF  }
0xbf: {  	[dreg:$0x0] =	wrdreg $0xFFFFFFFF;
	(pc) =	sbr.abs _section_cstart, $3  }
0xc0: {  	[dreg:$0x1] =	wrdreg $0xFFFFFFFF  }
0xc1: {  	_ =	task.clear_ibuf [dreg:s6], $0x2FFFF;
	_ =	strace $0x9FFFFFFF  }
0xc2: {  	(tm) =	ssettm $0x7FFFFFFF  }
0xc3: {  	_ =	shalt  }
tec
execute0_lowered:
.L_overlay_start_1:
0x0: {  	(tag) =	ssettag $0x1  }
0x1: {  	s8 =	rddreg [dreg:$0x0]  }
0x2: {  	s1 =	rddreg [dreg:$0x1];
	s3 =	simm.s32 $0x0;
	s4 =	srdreg.scid  }
0x3: {  	s0 =	stileid.u32;
	s18 =	simm.s32 $0x80;
	s19 =	simm.s32 $0x50  }
0x4: {  	s20 =	simm.s32 $0x100;
	s21 =	simm.s32 $0x2900;
	s22 =	simm.s32 $0x2980  }
0x5: {  	s23 =	simm.s32 $0x2A00;
	s24 =	simm.s32 $0x1;
	s25 =	simm.s32 $0x2  }
0x6: {  	[smem:$0x7FF] =	sst s3;
	s9 =	sand.u32 $0x1, s4;
	s11 =	smul.u32 $0x14000, s0  }
0x7: {  	s5 =	sshll.u32 s0, $0x1;
	s4 =	sadd.s32 $0x16800, s8;
	s26 =	smul.u32 $0x50000, s0  }
0x8: {  	s6 =	sadd.s32 $0x2C00, s8;
	s14 =	smul.u32 $0x4E20, s0;
	s28 =	sshll.u32 s0, $0x6  }
0x9: {  	_ =	strace $0x8000004A;
	s10 =	smul.u32 $0x140000, s9;
	s7 =	sor.u32 s9, s5  }
0xa: {  	s5 =	sadd.s32 $0xCA00, s8;
	s13 =	ssub.s32 $0x2, s9;
	s9 =	smul.u32 $0x2710, s9  }
0xb: {  	s12 =	smul.u32 $0x2710, s7;
	s7 =	sadd.s32 $0x3E800, s8;
	s15 =	sshrl.u32 s13, $0x1  }
0xc: {  	s10 =	sadd.s32 s11, s10;
	s11 =	sshrl.u32 s26, $0x2;
	s13 =	ssub.s32 s13, s15  }
0xd: {  	s14 =	sadd.s32 s9, s14;
	s26 =	simm.s32 $0x0;
	s10 =	sshrl.u32 s10, $0x3  }
0xe: {  	s17 =	sadd.s32 s11, s1;
	s29 =	sshrl.u32 s12, $0x3;
	s30 =	sadd.s32 $0x50, s14  }
0xf: {  	s12 =	smax.u32 s13, $0x1;
	s13 =	sadd.s32 $0xA0, s14;
	s16 =	sadd.s32 s10, s8  }
0x10: {  	s8 =	sor.u32 $0x1C03, s28;
	s9 =	sadd.s32 s5, s29;
	s31 =	sshrl.u32 s30, $0x3  }
0x11: {  	s10 =	sadd.s32 s6, s29;
	s11 =	sadd.s32 $0x41000, s16;
	s14 =	sadd.s32 s31, s6  }
0x12: {  	s15 =	sadd.s32 s31, s5;
	s16 =	sshrl.u32 s17, $0x3;
	s17 =	simm.s32 $0x3  }
.LBB2_1:
0x13: {  	[spmem:s16], [sflag:s8] =	dma.local [hbm:s7], $0x2800  }
0x14: {  	_ =	swait.ge [sflag:s17], $0x2800  }
0x15: {  	[sflag:s17] =	ssyncset.done $0x0  }
0x16: {  	[sflag:s17] =	ssyncadd.s32 $0xFFFFD800  }
0x17: {  	[bflag:$0x0] =	sbarrier.arrive $0xFFFF  }
0x18: {  	[tilespmem:s3], [sflag:$0x3] =	stream.linear.gather [hbm4b:s9+s3], $0x50, $0x38;
	[tilespmem:$0x19200] =	vst v63  }
0x19: {  	_ =	swait.ge [sflag:s17], $0x50  }
0x1a: {  	[sflag:s17] =	ssyncset.done $0x0  }
0x1b: {  	[sflag:s17] =	ssyncadd.s32 $0xFFFFFFB0  }
0x1c: {  	[tilespmem:s18], [sflag:$0x3] =	stream.linear.gather [hbm4b:s10+s3], $0x50, $0x38;
	[tilespmem:$0x19200] =	vst v63  }
0x1d: {  	_ =	swait.ge [sflag:s17], $0x50  }
0x1e: {  	[sflag:s17] =	ssyncset.done $0x0  }
0x1f: {  	[sflag:s17] =	ssyncadd.s32 $0xFFFFFFB0  }
0x20: {  	[tilespmem:s20], [sflag:$0x1] =	stream.indirect.gather [hbm4b:s4+s19], $0x80, s3, s19, $0xb8;
	[tilespmem:$0x19200] =	vst v63  }
0x21: {  	s28 =	sadd.s32 $0x0, s15  }
0x22: {  	[tilespmem:s21], [sflag:$0x3] =	stream.linear.gather [hbm4b:s28+s3], $0x50, $0x38;
	[tilespmem:$0x19200] =	vst v63  }
0x23: {  	_ =	swait.ge [sflag:s17], $0x50  }
0x24: {  	[sflag:s17] =	ssyncset.done $0x0  }
0x25: {  	s28 =	sadd.s32 $0x0, s14;
	[sflag:s17] =	ssyncadd.s32 $0xFFFFFFB0  }
0x26: {  	[tilespmem:s22], [sflag:$0x3] =	stream.linear.gather [hbm4b:s28+s3], $0x50, $0x38;
	[tilespmem:$0x19200] =	vst v63  }
0x27: {  	_ =	swait.ge [sflag:s17], $0x50  }
0x28: {  	[sflag:s17] =	ssyncset.done $0x0  }
0x29: {  	[sflag:s17] =	ssyncadd.s32 $0xFFFFFFB0  }
0x2a: {  	[tilespmem:s23], [sflag:$0x2] =	stream.indirect.gather [hbm4b:s4+s19], $0x80, s21, s19, $0xb8;
	[tilespmem:$0x19200] =	vst v63  }
0x2b: {  	_ =	swait.ge [sflag:s24], $0x2800  }
0x2c: {  	[sflag:s24] =	ssyncset.done $0x0  }
0x2d: {  	[sflag:s24] =	ssyncadd.s32 $0xFFFFD800  }
0x2e: {  	[spmem:s1] =	stream.indirect.scatter.add.f32 [tilespmem:s20], [sflag:$0x3], $0x80, s18, s19, $0xb8;
	[tilespmem:$0x19200] =	vst v63  }
0x2f: {  	_ =	swait.ge [sflag:s17], $0x2800  }
0x30: {  	s28 =	sshrl.u32 s13, $0x3;
	[sflag:s17] =	ssyncset.done $0x0  }
0x31: {  	s29 =	sadd.s32 s5, s28;
	[sflag:s17] =	ssyncadd.s32 $0xFFFFD800  }
0x32: {  	[tilespmem:s3], [sflag:$0x3] =	stream.linear.gather [hbm4b:s29+s3], $0x50, $0x38;
	[tilespmem:$0x19200] =	vst v63  }
0x33: {  	_ =	swait.ge [sflag:s17], $0x50  }
0x34: {  	[sflag:s17] =	ssyncset.done $0x0  }
0x35: {  	s28 =	sadd.s32 s6, s28;
	[sflag:s17] =	ssyncadd.s32 $0xFFFFFFB0  }
0x36: {  	[tilespmem:s18], [sflag:$0x3] =	stream.linear.gather [hbm4b:s28+s3], $0x50, $0x38;
	[tilespmem:$0x19200] =	vst v63  }
0x37: {  	_ =	swait.ge [sflag:s17], $0x50  }
0x38: {  	[sflag:s17] =	ssyncset.done $0x0  }
0x39: {  	[sflag:s17] =	ssyncadd.s32 $0xFFFFFFB0  }
0x3a: {  	[tilespmem:s20], [sflag:$0x1] =	stream.indirect.gather [hbm4b:s4+s19], $0x80, s3, s19, $0xb8;
	[tilespmem:$0x19200] =	vst v63  }
0x3b: {  	_ =	swait.ge [sflag:s25], $0x2800  }
0x3c: {  	[sflag:s25] =	ssyncset.done $0x0  }
0x3d: {  	[sflag:s25] =	ssyncadd.s32 $0xFFFFD800  }
0x3e: {  	[spmem:s1] =	stream.indirect.scatter.add.f32 [tilespmem:s23], [sflag:$0x3], $0x80, s22, s19, $0xb8;
	[tilespmem:$0x19200] =	vst v63  }
0x3f: {  	s31 =	simm.s32 $0x28;
	_ =	swait.ge [sflag:s17], $0x2800  }
0x40: {  	s29 =	simm.s32 $0x14;
	s28 =	sadd.s32 $0xA0, s13;
	[sflag:s17] =	ssyncset.done $0x0  }
.LBB2_2:
0x41: {  	s0 =	sadd.s32 s29, s15  }
0x42: {  	[sflag:s17] =	ssyncadd.s32 $0xFFFFD800;
	s2 =	smov.u32 s31;
	s30 =	sadd.s32 $0x14, s31  }
0x43: {  	[tilespmem:s21], [sflag:$0x3] =	stream.linear.gather [hbm4b:s0+s3], $0x50, $0x38;
	[tilespmem:$0x19200] =	vst v63  }
0x44: {  	p0 =	sne.s32 s31, $0x4C4;
	_ =	swait.ge [sflag:s17], $0x50  }
0x45: {  	[sflag:s17] =	ssyncset.done $0x0  }
0x46: {  	s0 =	sadd.s32 s29, s14;
	s29 =	smov.u32 s2;
	[sflag:s17] =	ssyncadd.s32 $0xFFFFFFB0  }
0x47: {  	[tilespmem:s22], [sflag:$0x3] =	stream.linear.gather [hbm4b:s0+s3], $0x50, $0x38;
	[tilespmem:$0x19200] =	vst v63  }
0x48: {  	_ =	swait.ge [sflag:s17], $0x50  }
0x49: {  	[sflag:s17] =	ssyncset.done $0x0  }
0x4a: {  	[sflag:s17] =	ssyncadd.s32 $0xFFFFFFB0  }
0x4b: {  	[tilespmem:s23], [sflag:$0x2] =	stream.indirect.gather [hbm4b:s4+s19], $0x80, s21, s19, $0xb8;
	[tilespmem:$0x19200] =	vst v63  }
0x4c: {  	_ =	swait.ge [sflag:s24], $0x2800  }
0x4d: {  	[sflag:s24] =	ssyncset.done $0x0  }
0x4e: {  	[sflag:s24] =	ssyncadd.s32 $0xFFFFD800  }
0x4f: {  	[spmem:s1] =	stream.indirect.scatter.add.f32 [tilespmem:s20], [sflag:$0x3], $0x80, s18, s19, $0xb8;
	[tilespmem:$0x19200] =	vst v63  }
0x50: {  	_ =	swait.ge [sflag:s17], $0x2800  }
0x51: {  	s0 =	sshrl.u32 s28, $0x3;
	[sflag:s17] =	ssyncset.done $0x0  }
0x52: {  	s2 =	sadd.s32 s5, s0;
	[sflag:s17] =	ssyncadd.s32 $0xFFFFD800  }
0x53: {  	[tilespmem:s3], [sflag:$0x3] =	stream.linear.gather [hbm4b:s2+s3], $0x50, $0x38;
	[tilespmem:$0x19200] =	vst v63  }
0x54: {  	_ =	swait.ge [sflag:s17], $0x50  }
0x55: {  	[sflag:s17] =	ssyncset.done $0x0  }
0x56: {  	s0 =	sadd.s32 s6, s0;
	[sflag:s17] =	ssyncadd.s32 $0xFFFFFFB0  }
0x57: {  	[tilespmem:s18], [sflag:$0x3] =	stream.linear.gather [hbm4b:s0+s3], $0x50, $0x38;
	[tilespmem:$0x19200] =	vst v63  }
0x58: {  	_ =	swait.ge [sflag:s17], $0x50  }
0x59: {  	[sflag:s17] =	ssyncset.done $0x0  }
0x5a: {  	[sflag:s17] =	ssyncadd.s32 $0xFFFFFFB0  }
0x5b: {  	[tilespmem:s20], [sflag:$0x1] =	stream.indirect.gather [hbm4b:s4+s19], $0x80, s3, s19, $0xb8;
	[tilespmem:$0x19200] =	vst v63  }
0x5c: {  	_ =	swait.ge [sflag:s25], $0x2800  }
.Ltmp0:
0x5d: {  	[sflag:s25] =	ssyncset.done $0x0;
	(pc) =	sbr.rel @p0 .LBB2_2-.Ltmp0, $4  }
0x5e: {  	[sflag:s25] =	ssyncadd.s32 $0xFFFFD800  }
0x5f: {  	[spmem:s1] =	stream.indirect.scatter.add.f32 [tilespmem:s23], [sflag:$0x3], $0x80, s22, s19, $0xb8;
	[tilespmem:$0x19200] =	vst v63  }
0x60: {  	_ =	swait.ge [sflag:s17], $0x2800  }
0x61: {  	s31 =	smov.u32 s30;
	s28 =	sadd.s32 $0xA0, s28;
	[sflag:s17] =	ssyncset.done $0x0  }
0x62: {  	s0 =	sadd.s32 s29, s15;
	[sflag:s17] =	ssyncadd.s32 $0xFFFFD800  }
0x63: {  	[tilespmem:s21], [sflag:$0x3] =	stream.linear.gather [hbm4b:s0+s3], $0x50, $0x38;
	[tilespmem:$0x19200] =	vst v63  }
0x64: {  	_ =	swait.ge [sflag:s17], $0x50  }
0x65: {  	[sflag:s17] =	ssyncset.done $0x0  }
0x66: {  	s30 =	sadd.s32 s29, s14;
	[sflag:s17] =	ssyncadd.s32 $0xFFFFFFB0  }
0x67: {  	[tilespmem:s22], [sflag:$0x3] =	stream.linear.gather [hbm4b:s30+s3], $0x50, $0x38;
	[tilespmem:$0x19200] =	vst v63  }
0x68: {  	_ =	swait.ge [sflag:s17], $0x50  }
0x69: {  	[sflag:s17] =	ssyncset.done $0x0  }
0x6a: {  	[sflag:s17] =	ssyncadd.s32 $0xFFFFFFB0  }
0x6b: {  	[tilespmem:s23], [sflag:$0x2] =	stream.indirect.gather [hbm4b:s4+s19], $0x80, s21, s19, $0xb8;
	[tilespmem:$0x19200] =	vst v63  }
0x6c: {  	_ =	swait.ge [sflag:s24], $0x2800  }
0x6d: {  	[sflag:s24] =	ssyncset.done $0x0  }
0x6e: {  	[sflag:s24] =	ssyncadd.s32 $0xFFFFD800  }
0x6f: {  	[spmem:s1] =	stream.indirect.scatter.add.f32 [tilespmem:s20], [sflag:$0x3], $0x80, s18, s19, $0xb8;
	[tilespmem:$0x19200] =	vst v63  }
0x70: {  	_ =	swait.ge [sflag:s17], $0x2800  }
0x71: {  	s31 =	sshrl.u32 s28, $0x3;
	[sflag:s17] =	ssyncset.done $0x0  }
0x72: {  	s2 =	sadd.s32 s5, s31;
	[sflag:s17] =	ssyncadd.s32 $0xFFFFD800  }
0x73: {  	[tilespmem:s3], [sflag:$0x3] =	stream.linear.gather [hbm4b:s2+s3], $0x50, $0x38;
	[tilespmem:$0x19200] =	vst v63  }
0x74: {  	_ =	swait.ge [sflag:s17], $0x50  }
0x75: {  	[sflag:s17] =	ssyncset.done $0x0  }
0x76: {  	s0 =	sadd.s32 s6, s31;
	[sflag:s17] =	ssyncadd.s32 $0xFFFFFFB0  }
0x77: {  	[tilespmem:s18], [sflag:$0x3] =	stream.linear.gather [hbm4b:s0+s3], $0x50, $0x38;
	[tilespmem:$0x19200] =	vst v63  }
0x78: {  	_ =	swait.ge [sflag:s17], $0x50  }
0x79: {  	[sflag:s17] =	ssyncset.done $0x0  }
0x7a: {  	[sflag:s17] =	ssyncadd.s32 $0xFFFFFFB0  }
0x7b: {  	[tilespmem:s20], [sflag:$0x1] =	stream.indirect.gather [hbm4b:s4+s19], $0x80, s3, s19, $0xb8;
	[tilespmem:$0x19200] =	vst v63  }
0x7c: {  	_ =	swait.ge [sflag:s25], $0x2800  }
0x7d: {  	[sflag:s25] =	ssyncset.done $0x0  }
0x7e: {  	[sflag:s25] =	ssyncadd.s32 $0xFFFFD800  }
0x7f: {  	[spmem:s1] =	stream.indirect.scatter.add.f32 [tilespmem:s23], [sflag:$0x3], $0x80, s22, s19, $0xb8;
	[tilespmem:$0x19200] =	vst v63  }
0x80: {  	_ =	swait.ge [sflag:s17], $0x2800  }
0x81: {  	[sflag:s17] =	ssyncset.done $0x0  }
0x82: {  	[sflag:s17] =	ssyncadd.s32 $0xFFFFD800  }
0x83: {  	_ =	swait.ge [sflag:s24], $0x2800  }
0x84: {  	[sflag:s24] =	ssyncset.done $0x0  }
0x85: {  	[sflag:s24] =	ssyncadd.s32 $0xFFFFD800  }
0x86: {  	[spmem:s1] =	stream.indirect.scatter.add.f32 [tilespmem:s20], [sflag:$0x3], $0x80, s18, s19, $0xb8;
	[tilespmem:$0x19200] =	vst v63  }
0x87: {  	_ =	swait.ge [sflag:s17], $0x2800  }
0x88: {  	s26 =	sadd.s32 $0x1, s26;
	[sflag:s17] =	ssyncset.done $0x0  }
0x89: {  	p0 =	sne.s32 s26, s12;
	[sflag:s17] =	ssyncadd.s32 $0xFFFFD800  }
.Ltmp1:
0x8a: {  	[bflag:$0x0] =	sbarrier.arrive $0xFFFF;
	(pc) =	sbr.rel @p0 .LBB2_1-.Ltmp1, $4  }
0x8b: {  	[hbm:s11], [sflag:s8] =	dma.local [spmem:s16], $0x2800  }
0x8c: {  	_ =	swait.ge [sflag:s17], $0x2800  }
0x8d: {  	[sflag:s17] =	ssyncset.done $0x0  }
0x8e: {  	[sflag:s17] =	ssyncadd.s32 $0xFFFFD800  }
0x8f: {  	_ =	sfence.sel $0x180000  }
0x90: {  	[bflag:$0x0] =	sbarrier.arrive $0xFFFF  }
0x91: {  	_ =	strace $0x9000004A  }
0x92: {  	s0 =	stileid.u32;
	[bflag:$0x2] =	sbarrier.arrive $0xFFFF  }
0x93: {  	p0 =	sne.s32 s0, $0x0;
	s0 =	rddreg [dreg:$0x2]  }
0x94: {  	s0 =	sadd.s32 @!p0 $0x100000, s0  }
0x95: {  	[sflag:s0] =	ssyncadd.tile.s32 @!p0 $0x1;
	_ =	shalt  }
.Lfunc_end2:
_tile_overlayer_lowered:
.L_overlay_start_2:
0x96: {  	(tag) =	ssettag $0x2  }
0x97: {  	s0 =	rddreg [dreg:$0x0];
	s2 =	stileid.u32  }
0x98: {  	s1 =	rddreg [dreg:$0x1];
	p0 =	sne.s32 s2, $0x0  }
0x99: {  	s3 =	rddreg [dreg:$0x2];
	[bflag:$0x3] =	sbarrier.arrive $0xFFFF;
	s2 =	simm.s32 @!p0 $0x1C03  }
0x9a: {  	[timem:s3], [sflag:s2] =	dma.local @!p0 [hbm:s0], s1  }
0x9b: {  	s0 =	simm.s32 @!p0 $0x3  }
0x9c: {  	_ =	swait.ge @!p0 [sflag:s0], s1  }
0x9d: {  	s1 =	ssub.s32 @!p0 $0x0, s1;
	[sflag:s0] =	ssyncset.done @!p0 $0x0  }
0x9e: {  	[sflag:s0] =	ssyncadd.s32 @!p0 s1  }
0x9f: {  	[bflag:$0x3] =	sbarrier.arrive $0xFFFF  }
0xa0: {  	_ =	shalt  }

// kernel: kernel.8.cloned.1.call-start
scs
__scs_entry_jumppad:
0x0: {  	(pc) =	sbr.rel $0x88, $3  }
0x1: {  	(tag) =	ssettag $0x0;
	lr =	simm.s32 $0x1  }
0x2: {  	[smem:$0x3F93] =	sst lr;
	_ =	strace $0xD0000000  }
0x3: {  	_ = 	snop  }
0x4: {  	_ = 	snop  }
0x5: {  	_ = 	snop  }
0x6: {  	_ = 	snop  }
0x7: {  	_ = 	snop  }
__scs_overlays_trampoline_lowered:
0x8: {  	[smem:$0x3FA2] =	sst s0  }
0x9: {  	[smem:$0x3FA3] =	sst s1  }
0xa: {  	[smem:$0x3FA4] =	sst s2  }
0xb: {  	[smem:$0x3FA5] =	sst s3  }
0xc: {  	[smem:$0x3FA6] =	sst s4  }
0xd: {  	[smem:$0x3FA7] =	sst s5  }
0xe: {  	[smem:$0x3FA8] =	sst s6  }
0xf: {  	[smem:$0x3FA9] =	sst s7  }
0x10: {  	[smem:$0x3FAA] =	sst s8  }
0x11: {  	[smem:$0x3FAB] =	sst s9;
	s0 =	simm.s32 @!p0 $0x0  }
0x12: {  	s1 =	sld [smem:$0x3F91];
	s0 =	simm.s32 @p0 $0x1  }
0x13: {  	[smem:$0x3FAC] =	sst s0;
	s0 =	simm.s32 @!p1 $0x0  }
0x14: {  	s2 =	sld [smem:$0x3F90];
	s0 =	simm.s32 @p1 $0x1  }
0x15: {  	[smem:$0x3FAD] =	sst s0;
	s0 =	simm.s32 @!p2 $0x0  }
0x16: {  	s3 =	sld [smem:$0x3FDB];
	s0 =	simm.s32 @p2 $0x1  }
0x17: {  	s4 =	simm.s32 $0x1BF5;
	[smem:$0x3FAF] =	sst s0  }
0x18: {  	s0 =	sld [smem:$0x3F92];
	_ =	swait.ge [sflag:s4], $0x0  }
0x19: {  	s7 =	sld [smem:$0x3F93]  }
0x1a: {  	s8 =	sadd.s32 $0xFFFFE003, lr  }
0x1b: {  	s9 =	sadd.s32 $0xFFFFFEF7, lr;
	s5 =	simm.s32 $0xFFFFFFFF;
	p2 =	slt.u32 s8, $0xFFFFF086  }
0x1c: {  	p1 =	slt.u32 s9, $0xF7A;
	s5 =	simm.s32 @!p2 $0x0  }
0x1d: {  	s5 =	simm.s32 @p1 $0x1;
	p0 =	seq.s32 s7, s2  }
0x1e: {  	s7 =	smul.u32 @!p0 $0xF7A, s2;
	p2 =	seq.s32 @!p0 s5, $0x0  }
0x1f: {  	s9 =	smul.u32 $0xF7A, s1;
	s8 =	simm.s32 @!p0 $0x1BF5;
	p2 =	por !p2, p0  }
0x20: {  	[sflag:s8] =	ssyncset.s32 @!p0 $0xFFFFF086;
	s6 =	sadd.s32 @!p0 s3, s7;
	s7 =	simm.s32 @!p0 $0x108  }
0x21: {  	s3 =	sadd.s32 s3, s9;
	s6 =	sadd.s32 @!p0 $0x88, s6;
	s7 =	simm.s32 @p2 $0x1082  }
0x22: {  	[simem:s7], [sflag:s8] =	dma.local @!p0 [hbm:s6], $0xF7A  }
0x23: {  	s9 =	sor.u32 $0xD0000000, s2;
	s6 =	simm.s32 $0x108;
	_ =	swait.ge @!p0 [sflag:s8], $0x0  }
0x24: {  	s3 =	sadd.s32 $0x88, s3;
	s6 =	simm.s32 @!p1 $0x1082;
	[sflag:s4] =	ssyncset.s32 $0xFFFFF086  }
0x25: {  	[simem:s6], [sflag:s4] =	dma.local [hbm:s3], $0xF7A  }
0x26: {  	[smem:$0x3F93] =	sst s1;
	(tag) =	ssettag s2;
	_ =	strace s9  }
0x27: {  	s1 =	sld [smem:$0x3FA3]  }
0x28: {  	s2 =	sld [smem:$0x3FA4]  }
0x29: {  	s4 =	sld [smem:$0x3FA6]  }
0x2a: {  	p0 =	seq.s32 s5, $0x0;
	s5 =	sld [smem:$0x3FA7]  }
0x2b: {  	s6 =	sld [smem:$0x3FA8]  }
0x2c: {  	s7 =	sld [smem:$0x3FA9]  }
0x2d: {  	s3 =	simm.s32 $0x108;
	s8 =	sld [smem:$0x3FAA]  }
0x2e: {  	s3 =	simm.s32 @!p0 $0x1082;
	s9 =	sld [smem:$0x3FAB]  }
0x2f: {  	lr =	sadd.s32 s0, s3;
	s0 =	sld [smem:$0x3FA2]  }
0x30: {  	s3 =	sld [smem:$0x3FA5]  }
0x31: {  	[smem:$0x3FAE] =	sst s10  }
0x32: {  	s10 =	sld [smem:$0x3FAC];
	_ =	sdelay $0x3  }
0x33: {  	p0 =	seq.s32 s10, $0x1;
	s10 =	sld [smem:$0x3FAE];
	_ =	sdelay $0x3  }
0x34: {  	[smem:$0x3FAE] =	sst s10  }
0x35: {  	s10 =	sld [smem:$0x3FAD];
	_ =	sdelay $0x3  }
0x36: {  	p1 =	seq.s32 s10, $0x1;
	s10 =	sld [smem:$0x3FAE];
	_ =	sdelay $0x3  }
0x37: {  	[smem:$0x3FAE] =	sst s10  }
0x38: {  	s10 =	sld [smem:$0x3FAF]  }
0x39: {  	_ = 	snop;
	(pc) =	sbr.ind lr, $3  }
0x3a: {  	_ = 	snop  }
0x3b: {  	_ = 	snop  }
0x3c: {  	p2 =	seq.s32 s10, $0x1;
	s10 =	sld [smem:$0x3FAE]  }
0x3d: {  	_ =	shalt  }
0x3e: {  	_ =	shalt  }
0x3f: {  	_ =	shalt  }
0x40: {  	_ =	shalt  }
0x41: {  	_ =	shalt  }
0x42: {  	_ =	shalt  }
0x43: {  	_ =	shalt  }
0x44: {  	_ =	shalt  }
0x45: {  	_ =	shalt  }
0x46: {  	_ =	shalt  }
0x47: {  	_ =	shalt  }
0x48: {  	_ =	shalt  }
0x49: {  	_ =	shalt  }
0x4a: {  	_ =	shalt  }
0x4b: {  	_ =	shalt  }
0x4c: {  	_ =	shalt  }
0x4d: {  	_ =	shalt  }
0x4e: {  	_ =	shalt  }
0x4f: {  	_ =	shalt  }
0x50: {  	_ =	shalt  }
0x51: {  	_ =	shalt  }
0x52: {  	_ =	shalt  }
0x53: {  	_ =	shalt  }
0x54: {  	_ =	shalt  }
0x55: {  	_ =	shalt  }
0x56: {  	_ =	shalt  }
0x57: {  	_ =	shalt  }
0x58: {  	_ =	shalt  }
0x59: {  	_ =	shalt  }
0x5a: {  	_ =	shalt  }
0x5b: {  	_ =	shalt  }
0x5c: {  	_ =	shalt  }
0x5d: {  	_ =	shalt  }
0x5e: {  	_ =	shalt  }
0x5f: {  	_ =	shalt  }
0x60: {  	_ =	shalt  }
0x61: {  	_ =	shalt  }
0x62: {  	_ =	shalt  }
0x63: {  	_ =	shalt  }
0x64: {  	_ =	shalt  }
0x65: {  	_ =	shalt  }
0x66: {  	_ =	shalt  }
0x67: {  	_ =	shalt  }
0x68: {  	_ =	shalt  }
0x69: {  	_ =	shalt  }
0x6a: {  	_ =	shalt  }
0x6b: {  	_ =	shalt  }
0x6c: {  	_ =	shalt  }
0x6d: {  	_ =	shalt  }
0x6e: {  	_ =	shalt  }
0x6f: {  	_ =	shalt  }
0x70: {  	_ =	shalt  }
0x71: {  	_ =	shalt  }
0x72: {  	_ =	shalt  }
0x73: {  	_ =	shalt  }
0x74: {  	_ =	shalt  }
0x75: {  	_ =	shalt  }
0x76: {  	_ =	shalt  }
0x77: {  	_ =	shalt  }
0x78: {  	_ =	shalt  }
0x79: {  	_ =	shalt  }
0x7a: {  	_ =	shalt  }
0x7b: {  	_ =	shalt  }
0x7c: {  	_ =	shalt  }
0x7d: {  	_ =	shalt  }
0x7e: {  	_ =	shalt  }
0x7f: {  	_ =	shalt  }
0x80: {  	_ =	shalt  }
0x81: {  	_ =	shalt  }
0x82: {  	_ =	shalt  }
0x83: {  	_ =	shalt  }
0x84: {  	_ =	shalt  }
0x85: {  	_ =	shalt  }
0x86: {  	_ =	shalt  }
0x87: {  	_ =	shalt  }
.Lfunc_end0:
.L_simem_size_0:
called_computation_lowered:
.L_overlay_start_0:
0x88: {  	s2 =	sld [smem:$0x3FD9]  }
0x89: {  	s3 =	sld [smem:$0x3FFE];
	_ =	sdelay $0x1  }
0x8a: {  	s1 =	srdreg.scid  }
0x8b: {  	s0 =	sand.u32 $0x1, s1  }
0x8c: {  	s16 =	sshll.u32 s0, $0xA;
	s2 =	sadd.s32 s3, s2  }
0x8d: {  	s2 =	sadd.s32 s2, s16  }
0x8e: {  	[smem:$0x3FBA] =	sst s2  }
0x8f: {  	_ = 	snop  }
0x90: {  	(tm) =	ssettm $0x1  }
0x91: {  	s17 =	sld [smem:$0x3FFB];
	_ =	sdelay $0x3  }
0x92: {  	_ =	strace s17  }
0x93: {  	s2 =	sld [smem:$0x3FFC];
	_ =	sdelay $0x3  }
0x94: {  	_ =	strace s2  }
0x95: {  	s2 =	sld [smem:$0x3FFD];
	_ =	sdelay $0x3  }
0x96: {  	_ =	strace s2  }
0x97: {  	_ =	strace $0x8FFFFFFF  }
0x98: {  	s18 =	sld [smem:$0x3FDB];
	_ =	sdelay $0x1  }
0x99: {  	s19 =	simm.s32 $_scs_section_size  }
0x9a: {  	s4 =	simm.s32 $_size__tile_overlayer_lowered;
	s5 =	simm.s32 $_tile_overlayer_lowered  }
0x9b: {  	s22 =	simm.s32 $0x1BFF;
	s21 =	sshll.u32 s5, $0x1;
	s2 =	sadd.s32 s19, s18  }
0x9c: {  	s6 =	simm.s32 $0x0;
	s20 =	sshll.u32 s4, $0x1;
	s4 =	sadd.s32 s21, s2  }
0x9d: {  	[timem:s6], [sflag:s22] =	dma.local [hbm:s4], s20  }
0x9e: {  	_ =	swait.ge [sflag:s22], s20  }
0x9f: {  	s3 =	ssub.s32 $0x0, s20;
	[sflag:s22] =	ssyncset.done $0x0  }
0xa0: {  	[sflag:s22] =	ssyncadd.s32 s3;
	_ =	sdelay $0x1  }
0xa1: {  	s23 =	simm.s32 $0x1B8B  }
0xa2: {  	_ =	swait.ge [sflag:s23], $0x1  }
0xa3: {  	[sflag:s23] =	ssyncset.done $0x0  }
0xa4: {  	s25 =	simm.s32 $0x1B8E;
	s24 =	sld [smem:$0x3FFE];
	[sflag:s23] =	ssyncadd.s32 $0xFFFFFFFF  }
0xa5: {  	s26 =	simm.s32 $execute0_lowered;
	[smem:$0x3FD2] =	sst s25  }
0xa6: {  	s4 =	sshll.u32 s26, $0x1;
	_ =	strace $0x80000046;
	[dreg:$0x1] =	wrdreg $0xFFFFFFFF  }
0xa7: {  	s28 =	simm.s32 $_size_execute0_lowered;
	s2 =	sadd.s32 s2, s4;
	[dreg:$0x0] =	wrdreg $0x0  }
0xa8: {  	s4 =	sshll.u32 s28, $0x1;
	[dreg:$0x2] =	wrdreg s2  }
0xa9: {  	[dreg:$0x3] =	wrdreg s4  }
0xaa: {  	[dreg:$0x4] =	wrdreg $0xC0  }
0xab: {  	_ =	task [dreg:s6], $0x5FFFF  }
0xac: {  	[dreg:$0x1] =	wrdreg $0xFFFFFFFF  }
0xad: {  	[dreg:$0x0] =	wrdreg $0x60  }
0xae: {  	[dreg:$0x2] =	wrdreg s24  }
0xaf: {  	[dreg:$0x3] =	wrdreg $0x52000  }
0xb0: {  	[dreg:$0x4] =	wrdreg $0x9  }
0xb1: {  	_ =	task.clear_ibuf [dreg:s6], $0x5FFFF;
	_ =	strace $0x90000046  }
0xb2: {  	s29 =	simm.s32 $0x9;
	_ =	strace $0x80000048  }
0xb3: {  	_ =	swait.ge [sflag:s29], $0x1  }
0xb4: {  	[sflag:s29] =	ssyncadd.s32 $0xFFFFFFFF  }
0xb5: {  	_ =	strace $0x90000048  }
0xb6: {  	_ =	sfence  }
0xb7: {  	s30 =	sld [smem:$0x0];
	_ =	sdelay $0x2  }
0xb8: {  	s31 =	sshll.u32 s1, $0xD;
	s1 =	sshrl.u32 s1, $0x2  }
0xb9: {  	s3 =	sand.u32 $0x4000, s31;
	s1 =	sadd.s32 s1, s30  }
0xba: {  	s0 =	sor.u32 s3, s0;
	s1 =	sshll.u32 s1, $0x11  }
0xbb: {  	s0 =	sor.u32 s1, s0  }
0xbc: {  	s0 =	sadd.s32 $0x8F2B, s0  }
0xbd: {  	[sflag:s0] =	ssyncadd.remote.s32 $0x1  }
0xbe: {  	_ =	sfence.sel $0xFFFF  }
0xbf: {  	[dreg:$0x0] =	wrdreg $0xFFFFFFFF;
	(pc) =	sbr.abs _section_cstart, $3  }
0xc0: {  	[dreg:$0x1] =	wrdreg $0xFFFFFFFF  }
0xc1: {  	_ =	task.clear_ibuf [dreg:s6], $0x2FFFF;
	_ =	strace $0x9FFFFFFF  }
0xc2: {  	(tm) =	ssettm $0x7FFFFFFF  }
0xc3: {  	_ =	shalt  }
tec
execute0_lowered:
.L_overlay_start_1:
0x0: {  	(tag) =	ssettag $0x1  }
0x1: {  	s8 =	rddreg [dreg:$0x0]  }
0x2: {  	s1 =	rddreg [dreg:$0x1];
	s3 =	simm.s32 $0x0;
	s4 =	srdreg.scid  }
0x3: {  	s0 =	stileid.u32;
	s18 =	simm.s32 $0x80;
	s19 =	simm.s32 $0x50  }
0x4: {  	s20 =	simm.s32 $0x100;
	s21 =	simm.s32 $0x2900;
	s22 =	simm.s32 $0x2980  }
0x5: {  	s23 =	simm.s32 $0x2A00;
	s24 =	simm.s32 $0x1;
	s25 =	simm.s32 $0x2  }
0x6: {  	[smem:$0x7FF] =	sst s3;
	s9 =	sand.u32 $0x1, s4;
	s11 =	smul.u32 $0x14000, s0  }
0x7: {  	s5 =	sshll.u32 s0, $0x1;
	s4 =	sadd.s32 $0x16800, s8;
	s26 =	smul.u32 $0x50000, s0  }
0x8: {  	s6 =	sadd.s32 $0x2C00, s8;
	s14 =	smul.u32 $0x4E20, s0;
	s28 =	sshll.u32 s0, $0x6  }
0x9: {  	_ =	strace $0x80000047;
	s10 =	smul.u32 $0x140000, s9;
	s7 =	sor.u32 s9, s5  }
0xa: {  	s5 =	sadd.s32 $0xCA00, s8;
	s13 =	ssub.s32 $0x2, s9;
	s9 =	smul.u32 $0x2710, s9  }
0xb: {  	s12 =	smul.u32 $0x2710, s7;
	s7 =	sadd.s32 $0x3E800, s8;
	s15 =	sshrl.u32 s13, $0x1  }
0xc: {  	s10 =	sadd.s32 s11, s10;
	s11 =	sshrl.u32 s26, $0x2;
	s13 =	ssub.s32 s13, s15  }
0xd: {  	s14 =	sadd.s32 s9, s14;
	s26 =	simm.s32 $0x0;
	s10 =	sshrl.u32 s10, $0x3  }
0xe: {  	s17 =	sadd.s32 s11, s1;
	s29 =	sshrl.u32 s12, $0x3;
	s30 =	sadd.s32 $0x50, s14  }
0xf: {  	s12 =	smax.u32 s13, $0x1;
	s13 =	sadd.s32 $0xA0, s14;
	s16 =	sadd.s32 s10, s8  }
0x10: {  	s8 =	sor.u32 $0x1C03, s28;
	s9 =	sadd.s32 s5, s29;
	s31 =	sshrl.u32 s30, $0x3  }
0x11: {  	s10 =	sadd.s32 s6, s29;
	s11 =	sadd.s32 $0x41000, s16;
	s14 =	sadd.s32 s31, s6  }
0x12: {  	s15 =	sadd.s32 s31, s5;
	s16 =	sshrl.u32 s17, $0x3;
	s17 =	simm.s32 $0x3  }
.LBB2_1:
0x13: {  	[spmem:s16], [sflag:s8] =	dma.local [hbm:s7], $0x2800  }
0x14: {  	_ =	swait.ge [sflag:s17], $0x2800  }
0x15: {  	[sflag:s17] =	ssyncset.done $0x0  }
0x16: {  	[sflag:s17] =	ssyncadd.s32 $0xFFFFD800  }
0x17: {  	[bflag:$0x0] =	sbarrier.arrive $0xFFFF  }
0x18: {  	[tilespmem:s3], [sflag:$0x3] =	stream.linear.gather [hbm4b:s9+s3], $0x50, $0x38;
	[tilespmem:$0x19200] =	vst v63  }
0x19: {  	_ =	swait.ge [sflag:s17], $0x50  }
0x1a: {  	[sflag:s17] =	ssyncset.done $0x0  }
0x1b: {  	[sflag:s17] =	ssyncadd.s32 $0xFFFFFFB0  }
0x1c: {  	[tilespmem:s18], [sflag:$0x3] =	stream.linear.gather [hbm4b:s10+s3], $0x50, $0x38;
	[tilespmem:$0x19200] =	vst v63  }
0x1d: {  	_ =	swait.ge [sflag:s17], $0x50  }
0x1e: {  	[sflag:s17] =	ssyncset.done $0x0  }
0x1f: {  	[sflag:s17] =	ssyncadd.s32 $0xFFFFFFB0  }
0x20: {  	[tilespmem:s20], [sflag:$0x1] =	stream.indirect.gather [hbm4b:s4+s19], $0x80, s3, s19, $0xb8;
	[tilespmem:$0x19200] =	vst v63  }
0x21: {  	s28 =	sadd.s32 $0x0, s15  }
0x22: {  	[tilespmem:s21], [sflag:$0x3] =	stream.linear.gather [hbm4b:s28+s3], $0x50, $0x38;
	[tilespmem:$0x19200] =	vst v63  }
0x23: {  	_ =	swait.ge [sflag:s17], $0x50  }
0x24: {  	[sflag:s17] =	ssyncset.done $0x0  }
0x25: {  	s28 =	sadd.s32 $0x0, s14;
	[sflag:s17] =	ssyncadd.s32 $0xFFFFFFB0  }
0x26: {  	[tilespmem:s22], [sflag:$0x3] =	stream.linear.gather [hbm4b:s28+s3], $0x50, $0x38;
	[tilespmem:$0x19200] =	vst v63  }
0x27: {  	_ =	swait.ge [sflag:s17], $0x50  }
0x28: {  	[sflag:s17] =	ssyncset.done $0x0  }
0x29: {  	[sflag:s17] =	ssyncadd.s32 $0xFFFFFFB0  }
0x2a: {  	[tilespmem:s23], [sflag:$0x2] =	stream.indirect.gather [hbm4b:s4+s19], $0x80, s21, s19, $0xb8;
	[tilespmem:$0x19200] =	vst v63  }
0x2b: {  	_ =	swait.ge [sflag:s24], $0x2800  }
0x2c: {  	[sflag:s24] =	ssyncset.done $0x0  }
0x2d: {  	[sflag:s24] =	ssyncadd.s32 $0xFFFFD800  }
0x2e: {  	[spmem:s1] =	stream.indirect.scatter.add.f32 [tilespmem:s20], [sflag:$0x3], $0x80, s18, s19, $0xb8;
	[tilespmem:$0x19200] =	vst v63  }
0x2f: {  	_ =	swait.ge [sflag:s17], $0x2800  }
0x30: {  	s28 =	sshrl.u32 s13, $0x3;
	[sflag:s17] =	ssyncset.done $0x0  }
0x31: {  	s29 =	sadd.s32 s5, s28;
	[sflag:s17] =	ssyncadd.s32 $0xFFFFD800  }
0x32: {  	[tilespmem:s3], [sflag:$0x3] =	stream.linear.gather [hbm4b:s29+s3], $0x50, $0x38;
	[tilespmem:$0x19200] =	vst v63  }
0x33: {  	_ =	swait.ge [sflag:s17], $0x50  }
0x34: {  	[sflag:s17] =	ssyncset.done $0x0  }
0x35: {  	s28 =	sadd.s32 s6, s28;
	[sflag:s17] =	ssyncadd.s32 $0xFFFFFFB0  }
0x36: {  	[tilespmem:s18], [sflag:$0x3] =	stream.linear.gather [hbm4b:s28+s3], $0x50, $0x38;
	[tilespmem:$0x19200] =	vst v63  }
0x37: {  	_ =	swait.ge [sflag:s17], $0x50  }
0x38: {  	[sflag:s17] =	ssyncset.done $0x0  }
0x39: {  	[sflag:s17] =	ssyncadd.s32 $0xFFFFFFB0  }
0x3a: {  	[tilespmem:s20], [sflag:$0x1] =	stream.indirect.gather [hbm4b:s4+s19], $0x80, s3, s19, $0xb8;
	[tilespmem:$0x19200] =	vst v63  }
0x3b: {  	_ =	swait.ge [sflag:s25], $0x2800  }
0x3c: {  	[sflag:s25] =	ssyncset.done $0x0  }
0x3d: {  	[sflag:s25] =	ssyncadd.s32 $0xFFFFD800  }
0x3e: {  	[spmem:s1] =	stream.indirect.scatter.add.f32 [tilespmem:s23], [sflag:$0x3], $0x80, s22, s19, $0xb8;
	[tilespmem:$0x19200] =	vst v63  }
0x3f: {  	s31 =	simm.s32 $0x28;
	_ =	swait.ge [sflag:s17], $0x2800  }
0x40: {  	s29 =	simm.s32 $0x14;
	s28 =	sadd.s32 $0xA0, s13;
	[sflag:s17] =	ssyncset.done $0x0  }
.LBB2_2:
0x41: {  	s0 =	sadd.s32 s29, s15  }
0x42: {  	[sflag:s17] =	ssyncadd.s32 $0xFFFFD800;
	s2 =	smov.u32 s31;
	s30 =	sadd.s32 $0x14, s31  }
0x43: {  	[tilespmem:s21], [sflag:$0x3] =	stream.linear.gather [hbm4b:s0+s3], $0x50, $0x38;
	[tilespmem:$0x19200] =	vst v63  }
0x44: {  	p0 =	sne.s32 s31, $0x4C4;
	_ =	swait.ge [sflag:s17], $0x50  }
0x45: {  	[sflag:s17] =	ssyncset.done $0x0  }
0x46: {  	s0 =	sadd.s32 s29, s14;
	s29 =	smov.u32 s2;
	[sflag:s17] =	ssyncadd.s32 $0xFFFFFFB0  }
0x47: {  	[tilespmem:s22], [sflag:$0x3] =	stream.linear.gather [hbm4b:s0+s3], $0x50, $0x38;
	[tilespmem:$0x19200] =	vst v63  }
0x48: {  	_ =	swait.ge [sflag:s17], $0x50  }
0x49: {  	[sflag:s17] =	ssyncset.done $0x0  }
0x4a: {  	[sflag:s17] =	ssyncadd.s32 $0xFFFFFFB0  }
0x4b: {  	[tilespmem:s23], [sflag:$0x2] =	stream.indirect.gather [hbm4b:s4+s19], $0x80, s21, s19, $0xb8;
	[tilespmem:$0x19200] =	vst v63  }
0x4c: {  	_ =	swait.ge [sflag:s24], $0x2800  }
0x4d: {  	[sflag:s24] =	ssyncset.done $0x0  }
0x4e: {  	[sflag:s24] =	ssyncadd.s32 $0xFFFFD800  }
0x4f: {  	[spmem:s1] =	stream.indirect.scatter.add.f32 [tilespmem:s20], [sflag:$0x3], $0x80, s18, s19, $0xb8;
	[tilespmem:$0x19200] =	vst v63  }
0x50: {  	_ =	swait.ge [sflag:s17], $0x2800  }
0x51: {  	s0 =	sshrl.u32 s28, $0x3;
	[sflag:s17] =	ssyncset.done $0x0  }
0x52: {  	s2 =	sadd.s32 s5, s0;
	[sflag:s17] =	ssyncadd.s32 $0xFFFFD800  }
0x53: {  	[tilespmem:s3], [sflag:$0x3] =	stream.linear.gather [hbm4b:s2+s3], $0x50, $0x38;
	[tilespmem:$0x19200] =	vst v63  }
0x54: {  	_ =	swait.ge [sflag:s17], $0x50  }
0x55: {  	[sflag:s17] =	ssyncset.done $0x0  }
0x56: {  	s0 =	sadd.s32 s6, s0;
	[sflag:s17] =	ssyncadd.s32 $0xFFFFFFB0  }
0x57: {  	[tilespmem:s18], [sflag:$0x3] =	stream.linear.gather [hbm4b:s0+s3], $0x50, $0x38;
	[tilespmem:$0x19200] =	vst v63  }
0x58: {  	_ =	swait.ge [sflag:s17], $0x50  }
0x59: {  	[sflag:s17] =	ssyncset.done $0x0  }
0x5a: {  	[sflag:s17] =	ssyncadd.s32 $0xFFFFFFB0  }
0x5b: {  	[tilespmem:s20], [sflag:$0x1] =	stream.indirect.gather [hbm4b:s4+s19], $0x80, s3, s19, $0xb8;
	[tilespmem:$0x19200] =	vst v63  }
0x5c: {  	_ =	swait.ge [sflag:s25], $0x2800  }
.Ltmp0:
0x5d: {  	[sflag:s25] =	ssyncset.done $0x0;
	(pc) =	sbr.rel @p0 .LBB2_2-.Ltmp0, $4  }
0x5e: {  	[sflag:s25] =	ssyncadd.s32 $0xFFFFD800  }
0x5f: {  	[spmem:s1] =	stream.indirect.scatter.add.f32 [tilespmem:s23], [sflag:$0x3], $0x80, s22, s19, $0xb8;
	[tilespmem:$0x19200] =	vst v63  }
0x60: {  	_ =	swait.ge [sflag:s17], $0x2800  }
0x61: {  	s31 =	smov.u32 s30;
	s28 =	sadd.s32 $0xA0, s28;
	[sflag:s17] =	ssyncset.done $0x0  }
0x62: {  	s0 =	sadd.s32 s29, s15;
	[sflag:s17] =	ssyncadd.s32 $0xFFFFD800  }
0x63: {  	[tilespmem:s21], [sflag:$0x3] =	stream.linear.gather [hbm4b:s0+s3], $0x50, $0x38;
	[tilespmem:$0x19200] =	vst v63  }
0x64: {  	_ =	swait.ge [sflag:s17], $0x50  }
0x65: {  	[sflag:s17] =	ssyncset.done $0x0  }
0x66: {  	s30 =	sadd.s32 s29, s14;
	[sflag:s17] =	ssyncadd.s32 $0xFFFFFFB0  }
0x67: {  	[tilespmem:s22], [sflag:$0x3] =	stream.linear.gather [hbm4b:s30+s3], $0x50, $0x38;
	[tilespmem:$0x19200] =	vst v63  }
0x68: {  	_ =	swait.ge [sflag:s17], $0x50  }
0x69: {  	[sflag:s17] =	ssyncset.done $0x0  }
0x6a: {  	[sflag:s17] =	ssyncadd.s32 $0xFFFFFFB0  }
0x6b: {  	[tilespmem:s23], [sflag:$0x2] =	stream.indirect.gather [hbm4b:s4+s19], $0x80, s21, s19, $0xb8;
	[tilespmem:$0x19200] =	vst v63  }
0x6c: {  	_ =	swait.ge [sflag:s24], $0x2800  }
0x6d: {  	[sflag:s24] =	ssyncset.done $0x0  }
0x6e: {  	[sflag:s24] =	ssyncadd.s32 $0xFFFFD800  }
0x6f: {  	[spmem:s1] =	stream.indirect.scatter.add.f32 [tilespmem:s20], [sflag:$0x3], $0x80, s18, s19, $0xb8;
	[tilespmem:$0x19200] =	vst v63  }
0x70: {  	_ =	swait.ge [sflag:s17], $0x2800  }
0x71: {  	s31 =	sshrl.u32 s28, $0x3;
	[sflag:s17] =	ssyncset.done $0x0  }
0x72: {  	s2 =	sadd.s32 s5, s31;
	[sflag:s17] =	ssyncadd.s32 $0xFFFFD800  }
0x73: {  	[tilespmem:s3], [sflag:$0x3] =	stream.linear.gather [hbm4b:s2+s3], $0x50, $0x38;
	[tilespmem:$0x19200] =	vst v63  }
0x74: {  	_ =	swait.ge [sflag:s17], $0x50  }
0x75: {  	[sflag:s17] =	ssyncset.done $0x0  }
0x76: {  	s0 =	sadd.s32 s6, s31;
	[sflag:s17] =	ssyncadd.s32 $0xFFFFFFB0  }
0x77: {  	[tilespmem:s18], [sflag:$0x3] =	stream.linear.gather [hbm4b:s0+s3], $0x50, $0x38;
	[tilespmem:$0x19200] =	vst v63  }
0x78: {  	_ =	swait.ge [sflag:s17], $0x50  }
0x79: {  	[sflag:s17] =	ssyncset.done $0x0  }
0x7a: {  	[sflag:s17] =	ssyncadd.s32 $0xFFFFFFB0  }
0x7b: {  	[tilespmem:s20], [sflag:$0x1] =	stream.indirect.gather [hbm4b:s4+s19], $0x80, s3, s19, $0xb8;
	[tilespmem:$0x19200] =	vst v63  }
0x7c: {  	_ =	swait.ge [sflag:s25], $0x2800  }
0x7d: {  	[sflag:s25] =	ssyncset.done $0x0  }
0x7e: {  	[sflag:s25] =	ssyncadd.s32 $0xFFFFD800  }
0x7f: {  	[spmem:s1] =	stream.indirect.scatter.add.f32 [tilespmem:s23], [sflag:$0x3], $0x80, s22, s19, $0xb8;
	[tilespmem:$0x19200] =	vst v63  }
0x80: {  	_ =	swait.ge [sflag:s17], $0x2800  }
0x81: {  	[sflag:s17] =	ssyncset.done $0x0  }
0x82: {  	[sflag:s17] =	ssyncadd.s32 $0xFFFFD800  }
0x83: {  	_ =	swait.ge [sflag:s24], $0x2800  }
0x84: {  	[sflag:s24] =	ssyncset.done $0x0  }
0x85: {  	[sflag:s24] =	ssyncadd.s32 $0xFFFFD800  }
0x86: {  	[spmem:s1] =	stream.indirect.scatter.add.f32 [tilespmem:s20], [sflag:$0x3], $0x80, s18, s19, $0xb8;
	[tilespmem:$0x19200] =	vst v63  }
0x87: {  	_ =	swait.ge [sflag:s17], $0x2800  }
0x88: {  	s26 =	sadd.s32 $0x1, s26;
	[sflag:s17] =	ssyncset.done $0x0  }
0x89: {  	p0 =	sne.s32 s26, s12;
	[sflag:s17] =	ssyncadd.s32 $0xFFFFD800  }
.Ltmp1:
0x8a: {  	[bflag:$0x0] =	sbarrier.arrive $0xFFFF;
	(pc) =	sbr.rel @p0 .LBB2_1-.Ltmp1, $4  }
0x8b: {  	[hbm:s11], [sflag:s8] =	dma.local [spmem:s16], $0x2800  }
0x8c: {  	_ =	swait.ge [sflag:s17], $0x2800  }
0x8d: {  	[sflag:s17] =	ssyncset.done $0x0  }
0x8e: {  	[sflag:s17] =	ssyncadd.s32 $0xFFFFD800  }
0x8f: {  	_ =	sfence.sel $0x180000  }
0x90: {  	[bflag:$0x0] =	sbarrier.arrive $0xFFFF  }
0x91: {  	_ =	strace $0x90000047  }
0x92: {  	s0 =	stileid.u32;
	[bflag:$0x2] =	sbarrier.arrive $0xFFFF  }
0x93: {  	p0 =	sne.s32 s0, $0x0;
	s0 =	rddreg [dreg:$0x2]  }
0x94: {  	s0 =	sadd.s32 @!p0 $0x100000, s0  }
0x95: {  	[sflag:s0] =	ssyncadd.tile.s32 @!p0 $0x1;
	_ =	shalt  }
.Lfunc_end2:
_tile_overlayer_lowered:
.L_overlay_start_2:
0x96: {  	(tag) =	ssettag $0x2  }
0x97: {  	s0 =	rddreg [dreg:$0x0];
	s2 =	stileid.u32  }
0x98: {  	s1 =	rddreg [dreg:$0x1];
	p0 =	sne.s32 s2, $0x0  }
0x99: {  	s3 =	rddreg [dreg:$0x2];
	[bflag:$0x3] =	sbarrier.arrive $0xFFFF;
	s2 =	simm.s32 @!p0 $0x1C03  }
0x9a: {  	[timem:s3], [sflag:s2] =	dma.local @!p0 [hbm:s0], s1  }
0x9b: {  	s0 =	simm.s32 @!p0 $0x3  }
0x9c: {  	_ =	swait.ge @!p0 [sflag:s0], s1  }
0x9d: {  	s1 =	ssub.s32 @!p0 $0x0, s1;
	[sflag:s0] =	ssyncset.done @!p0 $0x0  }
0x9e: {  	[sflag:s0] =	ssyncadd.s32 @!p0 s1  }
0x9f: {  	[bflag:$0x3] =	sbarrier.arrive $0xFFFF  }
0xa0: {  	_ =	shalt  }

</sc_bundles>
